<compile_context>
chip_gen: v7x
topology: tpu7x:2x2x1
jax: 0.10.2.dev20260603
libtpu: 0.0.44.dev20260713+nightly
codegen_flags: <defaults>
</compile_context>

<pallas_src>
import functools

import jax
import jax.numpy as jnp
from jax import lax
from jax.experimental import pallas as pl
from jax.experimental.pallas import tpu as pltpu
from jax.experimental.pallas import tpu_sc as plsc

_NC = 2
_NS = 16
_NW = _NC * _NS
_FW = 128
_FS = 65


def _sc_hist_body(rows, crows, ls, lg, sports_hbm, gym_hbm, gender_hbm,
                  pref_hbm, age_hbm, f_hbm, s_v, g_v, gd_v, pf_v, age_v,
                  f_v0, f_v1, sem_in, sem_out):
  wid = lax.axis_index("s") * _NC + lax.axis_index("c")
  zeros = jnp.zeros((16,), jnp.float32)
  ones = jnp.ones((16,), jnp.float32)
  iota = lax.iota(jnp.int32, 16)
  f_bufs = [f_v0, f_v1]
  out_handles = []
  n_chunks = rows // crows

  for c in range(n_chunks):
    base = wid * rows + c * crows
    f_v = f_bufs[c % 2]
    if c >= 2:
      out_handles[c - 2].wait()

    cp_s = pltpu.async_copy(
        sports_hbm.at[:, pl.ds(base, crows)], s_v, sem_in)
    cp_g = pltpu.async_copy(gym_hbm.at[:, pl.ds(base, crows)], g_v, sem_in)
    cp_gd = pltpu.async_copy(gender_hbm.at[pl.ds(base, crows)], gd_v, sem_in)
    cp_pf = pltpu.async_copy(pref_hbm.at[pl.ds(base, crows)], pf_v, sem_in)
    cp_age = pltpu.async_copy(age_hbm.at[pl.ds(base, crows)], age_v, sem_in)

    def zero_body(r, carry):
      for u in range(4):
        f_v[pl.ds(r * _FW + u * 16, 16)] = zeros
      return carry

    lax.fori_loop(0, crows, zero_body, 0, unroll=4)

    cp_s.wait()
    cp_g.wait()
    cp_gd.wait()
    cp_pf.wait()
    cp_age.wait()

    def group_body(g, carry):
      row_vec = iota + g * 16
      rb = row_vec * _FW
      rb52 = rb + 52
      work = [(s_v, l, rb) for l in range(ls)] + \
             [(g_v, l, rb52) for l in range(lg)]
      for blk in range(0, len(work), 8):
        chunk = work[blk:blk + 8]
        vals = [ref[l, pl.ds(g * 16, 16)] for ref, l, _ in chunk]
        idxs = [v + b for v, (_, _, b) in zip(vals, chunk)]
        for ix in idxs:
          plsc.addupdate_scatter(f_v, [ix], ones)
      gd = gd_v[pl.ds(g * 16, 16)]
      pf = pf_v[pl.ds(g * 16, 16)]
      age = age_v[pl.ds(g * 16, 16)]
      plsc.addupdate_scatter(f_v, [gd + (rb + 60)], ones)
      plsc.addupdate_scatter(f_v, [pf + (rb + 62)], ones)
      plsc.store_scatter(f_v, [rb + 64], age)
      return carry

    lax.fori_loop(0, crows // 16, group_body, 0)

    out_handles.append(pltpu.async_copy(
        f_v, f_hbm.at[pl.ds(base * _FW, crows * _FW)], sem_out))

  for h in out_handles[max(0, n_chunks - 2):]:
    h.wait()


def _sc_hist(sports_ids, gym_days, gender, pref, age, B):
  rows = B // _NW
  crows = rows // 4
  ls = sports_ids.shape[0]
  lg = gym_days.shape[0]
  mesh = plsc.VectorSubcoreMesh(core_axis_name="c", subcore_axis_name="s",
                                num_cores=_NC, num_subcores=_NS)
  return pl.kernel(
      functools.partial(_sc_hist_body, rows, crows, ls, lg),
      out_type=jax.ShapeDtypeStruct((B * _FW,), jnp.float32),
      mesh=mesh,
      scratch_types=[
          pltpu.VMEM((ls, crows), jnp.int32),
          pltpu.VMEM((lg, crows), jnp.int32),
          pltpu.VMEM((crows,), jnp.int32),
          pltpu.VMEM((crows,), jnp.int32),
          pltpu.VMEM((crows,), jnp.float32),
          pltpu.VMEM((crows * _FW,), jnp.float32),
          pltpu.VMEM((crows * _FW,), jnp.float32),
          pltpu.SemaphoreType.DMA,
          pltpu.SemaphoreType.DMA,
      ],
      compiler_params=pltpu.CompilerParams(needs_layout_passes=False),
  )(sports_ids, gym_days, gender, pref, age)


def _tc_mlp_body(f_ref, st_ref, gt_ref, gyt_ref, w1a_ref, w1gd_ref, w1pf_ref,
                 w1gy_ref, wage_ref, b1_ref, w2_ref, b2_ref, out_ref):
  f32 = jnp.float32
  f = f_ref[...]
  lane = lax.broadcasted_iota(jnp.int32, (1, _FW), 1)
  f = jnp.where(lane < _FS, f, 0.0)
  t_sport = jnp.dot(st_ref[...], w1a_ref[...], preferred_element_type=f32)
  t_gym = jnp.dot(gyt_ref[...], w1gy_ref[...], preferred_element_type=f32)
  a_gd = jnp.dot(gt_ref[...], w1gd_ref[...], preferred_element_type=f32)
  a_pf = jnp.dot(gt_ref[...], w1pf_ref[...], preferred_element_type=f32)
  wage = wage_ref[...]
  m = jnp.concatenate(
      [t_sport * (1.0 / 20.0), t_gym * (1.0 / 7.0), a_gd, a_pf,
       wage * (1.0 / 6.5), jnp.zeros((_FW - _FS, 64), f32)], axis=0)
  b1 = b1_ref[...] - (19.0 / 6.5) * wage
  h = jnp.maximum(jnp.dot(f, m, preferred_element_type=f32) + b1, 0.0)
  out_t = lax.dot_general(w2_ref[...], h, (((0,), (1,)), ((), ())),
                          preferred_element_type=f32)
  out_ref[...] = out_t + b2_ref[...]


def _tc_mlp(F, sport_table, gender_table, gym_table,
            w1a, w1gd, w1pf, w1gy, w_age, b1, W2, b2):
  B = F.shape[0]
  blk = 8192
  grid = (B // blk,)
  rep_spec = lambda shape: pl.BlockSpec(shape, lambda i: (0,) * len(shape))
  in_specs = [
      pl.BlockSpec((blk, _FW), lambda i: (i, 0)),
      rep_spec(sport_table.shape),
      rep_spec(gender_table.shape),
      rep_spec(gym_table.shape),
      rep_spec(w1a.shape),
      rep_spec(w1gd.shape),
      rep_spec(w1pf.shape),
      rep_spec(w1gy.shape),
      rep_spec(w_age.shape),
      rep_spec(b1.shape),
      rep_spec(W2.shape),
      rep_spec(b2.shape),
  ]
  return pl.pallas_call(
      _tc_mlp_body,
      grid=grid,
      in_specs=in_specs,
      out_specs=pl.BlockSpec((32, blk), lambda i: (0, i)),
      out_shape=jax.ShapeDtypeStruct((32, B), jnp.float32),
      compiler_params=pltpu.CompilerParams(
          dimension_semantics=("parallel",)),
  )(F, sport_table, gender_table, gym_table,
    w1a, w1gd, w1pf, w1gy, w_age, b1, W2, b2)


def kernel(sports_ids, age, gender, preferred_gender, gym_days,
           sport_table, gender_table, gym_table, W1, b1, W2, b2):
  B = sports_ids.shape[0]
  F = _sc_hist(
      sports_ids.astype(jnp.int32).T, gym_days.astype(jnp.int32).T,
      gender.astype(jnp.int32).reshape(B),
      preferred_gender.astype(jnp.int32).reshape(B),
      age.reshape(B), B).reshape(B, _FW)
  out_t = _tc_mlp(
      F, sport_table, gender_table, gym_table,
      W1[0:10], W1[10:14], W1[14:18], W1[18:22], W1[22:23],
      b1.reshape(1, 64), W2, b2.reshape(32, 1))
  return out_t.T

# --- scband reference (transcript-rebuilt; emitter-appended) ---
"""Pipeline reference for scband-user-encoder-16527034155275 (READ-ONLY COPY).

The authoritative reference and input builder live on the scoring server;
editing this copy changes nothing except your own understanding.
"""

import jax, jax.numpy as jnp
import numpy as np

B = 16384
LS = 20
LG = 7


def setup_inputs(seed: int = 0) -> dict:
    key = jax.random.key(seed)
    ks = jax.random.split(key, 12)
    sports_ids = jax.random.randint(ks[0], (B, LS), 0, 52)
    age = jax.random.normal(ks[1], (B, 1), dtype=jnp.float32)
    gender = jax.random.randint(ks[2], (B, 1), 0, 2)
    preferred_gender = jax.random.randint(ks[3], (B, 1), 0, 2)
    gym_days = jax.random.randint(ks[4], (B, LG), 0, 8)
    # embedding tables (padding_idx=0 rows zeroed, matching nn.Embedding(padding_idx=0))
    sport_table = jax.random.normal(ks[5], (52, 10), dtype=jnp.float32).at[0].set(0.0)
    gender_table = jax.random.normal(ks[6], (2, 4), dtype=jnp.float32)
    gym_table = jax.random.normal(ks[7], (8, 4), dtype=jnp.float32).at[0].set(0.0)
    # MLP params: input_dim = 10 + 4*2 + 4 + 1 = 23
    W1 = jax.random.normal(ks[8], (23, 64), dtype=jnp.float32) * 0.1
    b1 = jnp.zeros((64,), dtype=jnp.float32)
    W2 = jax.random.normal(ks[9], (64, 32), dtype=jnp.float32) * 0.1
    b2 = jnp.zeros((32,), dtype=jnp.float32)
    return {
        'sports_ids': sports_ids,
        'age': age,
        'gender': gender,
        'preferred_gender': preferred_gender,
        'gym_days': gym_days,
        'sport_table': sport_table,
        'gender_table': gender_table,
        'gym_table': gym_table,
        'W1': W1,
        'b1': b1,
        'W2': W2,
        'b2': b2,
    }


def reference(sports_ids, age, gender, preferred_gender, gym_days,
              sport_table, gender_table, gym_table, W1, b1, W2, b2):
    age_n = (age - 19.0) / 6.5
    sports_emb = jnp.take(sport_table, sports_ids, axis=0)  # [B, LS, 10]
    sports_vec = sports_emb.mean(axis=1)                    # [B, 10]
    gym_emb = jnp.take(gym_table, gym_days, axis=0)         # [B, LG, 4]
    gym_vec = gym_emb.mean(axis=1)                          # [B, 4]
    gender_vec = jnp.take(gender_table, gender[:, 0], axis=0)            # [B, 4]
    pref_vec = jnp.take(gender_table, preferred_gender[:, 0], axis=0)    # [B, 4]
    x = jnp.concatenate([sports_vec, gender_vec, pref_vec, gym_vec, age_n], axis=1)  # [B, 23]
    h = jax.nn.relu(x @ W1 + b1)
    return h @ W2 + b2

if __name__ == "__main__":
    import jax
    _d = setup_inputs()
    print(jax.jit(kernel)(*tuple(_d.values())))

</pallas_src>

<mosaic_0001>
#map = affine_map<(d0, d1) -> (0, 0)>
#map1 = affine_map<(d0, d1) -> (0)>
module attributes {stable_mosaic.version = 14 : i64} {
  func.func @_sc_hist_body(%arg0: i32, %arg1: i32, %arg2: memref<20x16384xi32, #tpu.memory_space<hbm>>, %arg3: memref<7x16384xi32, #tpu.memory_space<hbm>>, %arg4: memref<16384xi32, #tpu.memory_space<hbm>>, %arg5: memref<16384xi32, #tpu.memory_space<hbm>>, %arg6: memref<16384xf32, #tpu.memory_space<hbm>>, %arg7: memref<2097152xf32, #tpu.memory_space<hbm>>, %arg8: memref<20x128xi32, #tpu.memory_space<vmem>>, %arg9: memref<7x128xi32, #tpu.memory_space<vmem>>, %arg10: memref<128xi32, #tpu.memory_space<vmem>>, %arg11: memref<128xi32, #tpu.memory_space<vmem>>, %arg12: memref<128xf32, #tpu.memory_space<vmem>>, %arg13: memref<16384xf32, #tpu.memory_space<vmem>>, %arg14: memref<16384xf32, #tpu.memory_space<vmem>>, %arg15: memref<!tpu.dma_semaphore, #tpu.memory_space<semaphore_mem>>, %arg16: memref<!tpu.dma_semaphore, #tpu.memory_space<semaphore_mem>>) attributes {dimension_semantics = [#tpu.dimension_semantics<core_parallel>, #tpu.dimension_semantics<subcore_parallel>], iteration_bounds = array<i64: 2, 16>, scalar_prefetch = 0 : i64, scratch_operands = 9 : i64, tpu.core_type = #tpu.core_type<sc_vector_subcore>, window_params = [{transform_indices = #map}, {transform_indices = #map}, {transform_indices = #map1}, {transform_indices = #map1}, {transform_indices = #map1}, {transform_indices = #map1}]} {
    %mul3A = arith.constant 2 : i32
    %mul3A_0 = arith.muli %arg1, %mul3A : i32
    %add3A = arith.addi %mul3A_0, %arg0 : i32
    %broadcast_in_dim3A = arith.constant 0.000000e+00 : f32
    %broadcast_in_dim3A_1 = vector.broadcast %broadcast_in_dim3A : f32 to vector<16xf32>
    %broadcast_in_dim3A_2 = arith.constant 1.000000e+00 : f32
    %broadcast_in_dim3A_3 = vector.broadcast %broadcast_in_dim3A_2 : f32 to vector<16xf32>
    %iota3A = tpu.iota {dimensions = array<i32: 0>} : vector<16xi32>
    %mul3A_4 = arith.constant 512 : i32
    %mul3A_5 = arith.muli %add3A, %mul3A_4 : i32
    %add3A_6 = arith.constant 0 : i32
    %add3A_7 = arith.addi %mul3A_5, %add3A_6 : i32
    %dma_start3A = arith.constant 0 : i32
    %dma_start3A_8 = tpu.memref_slice %arg2[%dma_start3A, %add3A_7] : memref<20x16384xi32, #tpu.memory_space<hbm>> -> memref<20x128xi32, #tpu.memory_space<hbm>>
    %dma_start3A_9 = arith.constant 0 : i32
    %dma_start3A_10 = tpu.memref_slice %arg2[%dma_start3A_9, %add3A_7] : memref<20x16384xi32, #tpu.memory_space<hbm>> -> memref<20x128xi32, #tpu.memory_space<hbm>>
    tpu.enqueue_dma source(%dma_start3A_10 : memref<20x128xi32, #tpu.memory_space<hbm>>) target(%arg8 : memref<20x128xi32, #tpu.memory_space<vmem>>) target_semaphore(%arg15 : memref<!tpu.dma_semaphore, #tpu.memory_space<semaphore_mem>>)
    %dma_start3A_11 = arith.constant 0 : i32
    %dma_start3A_12 = tpu.memref_slice %arg3[%dma_start3A_11, %add3A_7] : memref<7x16384xi32, #tpu.memory_space<hbm>> -> memref<7x128xi32, #tpu.memory_space<hbm>>
    %dma_start3A_13 = arith.constant 0 : i32
    %dma_start3A_14 = tpu.memref_slice %arg3[%dma_start3A_13, %add3A_7] : memref<7x16384xi32, #tpu.memory_space<hbm>> -> memref<7x128xi32, #tpu.memory_space<hbm>>
    tpu.enqueue_dma source(%dma_start3A_14 : memref<7x128xi32, #tpu.memory_space<hbm>>) target(%arg9 : memref<7x128xi32, #tpu.memory_space<vmem>>) target_semaphore(%arg15 : memref<!tpu.dma_semaphore, #tpu.memory_space<semaphore_mem>>)
    %dma_start3A_15 = tpu.memref_slice %arg4[%add3A_7] : memref<16384xi32, #tpu.memory_space<hbm>> -> memref<128xi32, #tpu.memory_space<hbm>>
    %dma_start3A_16 = tpu.memref_slice %arg4[%add3A_7] : memref<16384xi32, #tpu.memory_space<hbm>> -> memref<128xi32, #tpu.memory_space<hbm>>
    tpu.enqueue_dma source(%dma_start3A_16 : memref<128xi32, #tpu.memory_space<hbm>>) target(%arg10 : memref<128xi32, #tpu.memory_space<vmem>>) target_semaphore(%arg15 : memref<!tpu.dma_semaphore, #tpu.memory_space<semaphore_mem>>)
    %dma_start3A_17 = tpu.memref_slice %arg5[%add3A_7] : memref<16384xi32, #tpu.memory_space<hbm>> -> memref<128xi32, #tpu.memory_space<hbm>>
    %dma_start3A_18 = tpu.memref_slice %arg5[%add3A_7] : memref<16384xi32, #tpu.memory_space<hbm>> -> memref<128xi32, #tpu.memory_space<hbm>>
    tpu.enqueue_dma source(%dma_start3A_18 : memref<128xi32, #tpu.memory_space<hbm>>) target(%arg11 : memref<128xi32, #tpu.memory_space<vmem>>) target_semaphore(%arg15 : memref<!tpu.dma_semaphore, #tpu.memory_space<semaphore_mem>>)
    %dma_start3A_19 = tpu.memref_slice %arg6[%add3A_7] : memref<16384xf32, #tpu.memory_space<hbm>> -> memref<128xf32, #tpu.memory_space<hbm>>
    %dma_start3A_20 = tpu.memref_slice %arg6[%add3A_7] : memref<16384xf32, #tpu.memory_space<hbm>> -> memref<128xf32, #tpu.memory_space<hbm>>
    tpu.enqueue_dma source(%dma_start3A_20 : memref<128xf32, #tpu.memory_space<hbm>>) target(%arg12 : memref<128xf32, #tpu.memory_space<vmem>>) target_semaphore(%arg15 : memref<!tpu.dma_semaphore, #tpu.memory_space<semaphore_mem>>)
    %scan3A = arith.constant 0 : i32
    %scan3A_21 = arith.constant 0 : i32
    %scan3A_22 = arith.constant 128 : i32
    %scan3A_23 = arith.addi %scan3A_21, %scan3A_22 : i32
    %scan3A_24 = arith.constant 4 : i32
    scf.for %scan3A_201 = %scan3A_21 to %scan3A_23 step %scan3A_24  : i32 {
      %mul3A_202 = arith.constant 128 : i32
      %mul3A_203 = arith.muli %scan3A_201, %mul3A_202 : i32
      %add3A_204 = arith.constant 0 : i32
      %add3A_205 = arith.addi %mul3A_203, %add3A_204 : i32
      %swap3A = arith.index_cast %add3A_205 : i32 to index
      %swap3A_206 = tpu.vector_load %arg13[%swap3A] {strides = array<i32>} : memref<16384xf32, #tpu.memory_space<vmem>>, vector<16xf32>,
      tpu.vector_store %arg13[%swap3A], %broadcast_in_dim3A_1 {strides = array<i32>} : memref<16384xf32, #tpu.memory_space<vmem>>, vector<16xf32>,
      %mul3A_207 = arith.constant 128 : i32
      %mul3A_208 = arith.muli %scan3A_201, %mul3A_207 : i32
      %add3A_209 = arith.constant 16 : i32
      %add3A_210 = arith.addi %mul3A_208, %add3A_209 : i32
      %swap3A_211 = arith.index_cast %add3A_210 : i32 to index
      %swap3A_212 = tpu.vector_load %arg13[%swap3A_211] {strides = array<i32>} : memref<16384xf32, #tpu.memory_space<vmem>>, vector<16xf32>,
      tpu.vector_store %arg13[%swap3A_211], %broadcast_in_dim3A_1 {strides = array<i32>} : memref<16384xf32, #tpu.memory_space<vmem>>, vector<16xf32>,
      %mul3A_213 = arith.constant 128 : i32
      %mul3A_214 = arith.muli %scan3A_201, %mul3A_213 : i32
      %add3A_215 = arith.constant 32 : i32
      %add3A_216 = arith.addi %mul3A_214, %add3A_215 : i32
      %swap3A_217 = arith.index_cast %add3A_216 : i32 to index
      %swap3A_218 = tpu.vector_load %arg13[%swap3A_217] {strides = array<i32>} : memref<16384xf32, #tpu.memory_space<vmem>>, vector<16xf32>,
      tpu.vector_store %arg13[%swap3A_217], %broadcast_in_dim3A_1 {strides = array<i32>} : memref<16384xf32, #tpu.memory_space<vmem>>, vector<16xf32>,
      %mul3A_219 = arith.constant 128 : i32
      %mul3A_220 = arith.muli %scan3A_201, %mul3A_219 : i32
      %add3A_221 = arith.constant 48 : i32
      %add3A_222 = arith.addi %mul3A_220, %add3A_221 : i32
      %swap3A_223 = arith.index_cast %add3A_222 : i32 to index
      %swap3A_224 = tpu.vector_load %arg13[%swap3A_223] {strides = array<i32>} : memref<16384xf32, #tpu.memory_space<vmem>>, vector<16xf32>,
      tpu.vector_store %arg13[%swap3A_223], %broadcast_in_dim3A_1 {strides = array<i32>} : memref<16384xf32, #tpu.memory_space<vmem>>, vector<16xf32>,
      %scan3A_225 = arith.constant 1 : i32
      %scan3A_226 = arith.addi %scan3A_201, %scan3A_225 : i32
      %mul3A_227 = arith.constant 128 : i32
      %mul3A_228 = arith.muli %scan3A_226, %mul3A_227 : i32
      %add3A_229 = arith.constant 0 : i32
      %add3A_230 = arith.addi %mul3A_228, %add3A_229 : i32
      %swap3A_231 = arith.index_cast %add3A_230 : i32 to index
      %swap3A_232 = tpu.vector_load %arg13[%swap3A_231] {strides = array<i32>} : memref<16384xf32, #tpu.memory_space<vmem>>, vector<16xf32>,
      tpu.vector_store %arg13[%swap3A_231], %broadcast_in_dim3A_1 {strides = array<i32>} : memref<16384xf32, #tpu.memory_space<vmem>>, vector<16xf32>,
      %mul3A_233 = arith.constant 128 : i32
      %mul3A_234 = arith.muli %scan3A_226, %mul3A_233 : i32
      %add3A_235 = arith.constant 16 : i32
      %add3A_236 = arith.addi %mul3A_234, %add3A_235 : i32
      %swap3A_237 = arith.index_cast %add3A_236 : i32 to index
      %swap3A_238 = tpu.vector_load %arg13[%swap3A_237] {strides = array<i32>} : memref<16384xf32, #tpu.memory_space<vmem>>, vector<16xf32>,
      tpu.vector_store %arg13[%swap3A_237], %broadcast_in_dim3A_1 {strides = array<i32>} : memref<16384xf32, #tpu.memory_space<vmem>>, vector<16xf32>,
      %mul3A_239 = arith.constant 128 : i32
      %mul3A_240 = arith.muli %scan3A_226, %mul3A_239 : i32
      %add3A_241 = arith.constant 32 : i32
      %add3A_242 = arith.addi %mul3A_240, %add3A_241 : i32
      %swap3A_243 = arith.index_cast %add3A_242 : i32 to index
      %swap3A_244 = tpu.vector_load %arg13[%swap3A_243] {strides = array<i32>} : memref<16384xf32, #tpu.memory_space<vmem>>, vector<16xf32>,
      tpu.vector_store %arg13[%swap3A_243], %broadcast_in_dim3A_1 {strides = array<i32>} : memref<16384xf32, #tpu.memory_space<vmem>>, vector<16xf32>,
      %mul3A_245 = arith.constant 128 : i32
      %mul3A_246 = arith.muli %scan3A_226, %mul3A_245 : i32
      %add3A_247 = arith.constant 48 : i32
      %add3A_248 = arith.addi %mul3A_246, %add3A_247 : i32
      %swap3A_249 = arith.index_cast %add3A_248 : i32 to index
      %swap3A_250 = tpu.vector_load %arg13[%swap3A_249] {strides = array<i32>} : memref<16384xf32, #tpu.memory_space<vmem>>, vector<16xf32>,
      tpu.vector_store %arg13[%swap3A_249], %broadcast_in_dim3A_1 {strides = array<i32>} : memref<16384xf32, #tpu.memory_space<vmem>>, vector<16xf32>,
      %scan3A_251 = arith.constant 2 : i32
      %scan3A_252 = arith.addi %scan3A_201, %scan3A_251 : i32
      %mul3A_253 = arith.constant 128 : i32
      %mul3A_254 = arith.muli %scan3A_252, %mul3A_253 : i32
      %add3A_255 = arith.constant 0 : i32
      %add3A_256 = arith.addi %mul3A_254, %add3A_255 : i32
      %swap3A_257 = arith.index_cast %add3A_256 : i32 to index
      %swap3A_258 = tpu.vector_load %arg13[%swap3A_257] {strides = array<i32>} : memref<16384xf32, #tpu.memory_space<vmem>>, vector<16xf32>,
      tpu.vector_store %arg13[%swap3A_257], %broadcast_in_dim3A_1 {strides = array<i32>} : memref<16384xf32, #tpu.memory_space<vmem>>, vector<16xf32>,
      %mul3A_259 = arith.constant 128 : i32
      %mul3A_260 = arith.muli %scan3A_252, %mul3A_259 : i32
      %add3A_261 = arith.constant 16 : i32
      %add3A_262 = arith.addi %mul3A_260, %add3A_261 : i32
      %swap3A_263 = arith.index_cast %add3A_262 : i32 to index
      %swap3A_264 = tpu.vector_load %arg13[%swap3A_263] {strides = array<i32>} : memref<16384xf32, #tpu.memory_space<vmem>>, vector<16xf32>,
      tpu.vector_store %arg13[%swap3A_263], %broadcast_in_dim3A_1 {strides = array<i32>} : memref<16384xf32, #tpu.memory_space<vmem>>, vector<16xf32>,
      %mul3A_265 = arith.constant 128 : i32
      %mul3A_266 = arith.muli %scan3A_252, %mul3A_265 : i32
      %add3A_267 = arith.constant 32 : i32
      %add3A_268 = arith.addi %mul3A_266, %add3A_267 : i32
      %swap3A_269 = arith.index_cast %add3A_268 : i32 to index
      %swap3A_270 = tpu.vector_load %arg13[%swap3A_269] {strides = array<i32>} : memref<16384xf32, #tpu.memory_space<vmem>>, vector<16xf32>,
      tpu.vector_store %arg13[%swap3A_269], %broadcast_in_dim3A_1 {strides = array<i32>} : memref<16384xf32, #tpu.memory_space<vmem>>, vector<16xf32>,
      %mul3A_271 = arith.constant 128 : i32
      %mul3A_272 = arith.muli %scan3A_252, %mul3A_271 : i32
      %add3A_273 = arith.constant 48 : i32
      %add3A_274 = arith.addi %mul3A_272, %add3A_273 : i32
      %swap3A_275 = arith.index_cast %add3A_274 : i32 to index
      %swap3A_276 = tpu.vector_load %arg13[%swap3A_275] {strides = array<i32>} : memref<16384xf32, #tpu.memory_space<vmem>>, vector<16xf32>,
      tpu.vector_store %arg13[%swap3A_275], %broadcast_in_dim3A_1 {strides = array<i32>} : memref<16384xf32, #tpu.memory_space<vmem>>, vector<16xf32>,
      %scan3A_277 = arith.constant 3 : i32
      %scan3A_278 = arith.addi %scan3A_201, %scan3A_277 : i32
      %mul3A_279 = arith.constant 128 : i32
      %mul3A_280 = arith.muli %scan3A_278, %mul3A_279 : i32
      %add3A_281 = arith.constant 0 : i32
      %add3A_282 = arith.addi %mul3A_280, %add3A_281 : i32
      %swap3A_283 = arith.index_cast %add3A_282 : i32 to index
      %swap3A_284 = tpu.vector_load %arg13[%swap3A_283] {strides = array<i32>} : memref<16384xf32, #tpu.memory_space<vmem>>, vector<16xf32>,
      tpu.vector_store %arg13[%swap3A_283], %broadcast_in_dim3A_1 {strides = array<i32>} : memref<16384xf32, #tpu.memory_space<vmem>>, vector<16xf32>,
      %mul3A_285 = arith.constant 128 : i32
      %mul3A_286 = arith.muli %scan3A_278, %mul3A_285 : i32
      %add3A_287 = arith.constant 16 : i32
      %add3A_288 = arith.addi %mul3A_286, %add3A_287 : i32
      %swap3A_289 = arith.index_cast %add3A_288 : i32 to index
      %swap3A_290 = tpu.vector_load %arg13[%swap3A_289] {strides = array<i32>} : memref<16384xf32, #tpu.memory_space<vmem>>, vector<16xf32>,
      tpu.vector_store %arg13[%swap3A_289], %broadcast_in_dim3A_1 {strides = array<i32>} : memref<16384xf32, #tpu.memory_space<vmem>>, vector<16xf32>,
      %mul3A_291 = arith.constant 128 : i32
      %mul3A_292 = arith.muli %scan3A_278, %mul3A_291 : i32
      %add3A_293 = arith.constant 32 : i32
      %add3A_294 = arith.addi %mul3A_292, %add3A_293 : i32
      %swap3A_295 = arith.index_cast %add3A_294 : i32 to index
      %swap3A_296 = tpu.vector_load %arg13[%swap3A_295] {strides = array<i32>} : memref<16384xf32, #tpu.memory_space<vmem>>, vector<16xf32>,
      tpu.vector_store %arg13[%swap3A_295], %broadcast_in_dim3A_1 {strides = array<i32>} : memref<16384xf32, #tpu.memory_space<vmem>>, vector<16xf32>,
      %mul3A_297 = arith.constant 128 : i32
      %mul3A_298 = arith.muli %scan3A_278, %mul3A_297 : i32
      %add3A_299 = arith.constant 48 : i32
      %add3A_300 = arith.addi %mul3A_298, %add3A_299 : i32
      %swap3A_301 = arith.index_cast %add3A_300 : i32 to index
      %swap3A_302 = tpu.vector_load %arg13[%swap3A_301] {strides = array<i32>} : memref<16384xf32, #tpu.memory_space<vmem>>, vector<16xf32>,
      tpu.vector_store %arg13[%swap3A_301], %broadcast_in_dim3A_1 {strides = array<i32>} : memref<16384xf32, #tpu.memory_space<vmem>>, vector<16xf32>,
    }
    %scan3A_25 = arith.constant 128 : i32
    %dma_wait3A = arith.constant 0 : i32
    %dma_wait3A_26 = tpu.memref_slice %arg2[%dma_wait3A, %add3A_7] : memref<20x16384xi32, #tpu.memory_space<hbm>> -> memref<20x128xi32, #tpu.memory_space<hbm>>
    %dma_wait3A_27 = arith.constant 0 : i32
    %dma_wait3A_28 = tpu.memref_slice %arg2[%dma_wait3A_27, %add3A_7] : memref<20x16384xi32, #tpu.memory_space<hbm>> -> memref<20x128xi32, #tpu.memory_space<hbm>>
    tpu.wait_dma2 semaphore(%arg15 : memref<!tpu.dma_semaphore, #tpu.memory_space<semaphore_mem>>) src(%dma_wait3A_28 : memref<20x128xi32, #tpu.memory_space<hbm>>) dst(%arg8 : memref<20x128xi32, #tpu.memory_space<vmem>>)
    %dma_wait3A_29 = arith.constant 0 : i32
    %dma_wait3A_30 = tpu.memref_slice %arg3[%dma_wait3A_29, %add3A_7] : memref<7x16384xi32, #tpu.memory_space<hbm>> -> memref<7x128xi32, #tpu.memory_space<hbm>>
    %dma_wait3A_31 = arith.constant 0 : i32
    %dma_wait3A_32 = tpu.memref_slice %arg3[%dma_wait3A_31, %add3A_7] : memref<7x16384xi32, #tpu.memory_space<hbm>> -> memref<7x128xi32, #tpu.memory_space<hbm>>
    tpu.wait_dma2 semaphore(%arg15 : memref<!tpu.dma_semaphore, #tpu.memory_space<semaphore_mem>>) src(%dma_wait3A_32 : memref<7x128xi32, #tpu.memory_space<hbm>>) dst(%arg9 : memref<7x128xi32, #tpu.memory_space<vmem>>)
    %dma_wait3A_33 = tpu.memref_slice %arg4[%add3A_7] : memref<16384xi32, #tpu.memory_space<hbm>> -> memref<128xi32, #tpu.memory_space<hbm>>
    %dma_wait3A_34 = tpu.memref_slice %arg4[%add3A_7] : memref<16384xi32, #tpu.memory_space<hbm>> -> memref<128xi32, #tpu.memory_space<hbm>>
    tpu.wait_dma2 semaphore(%arg15 : memref<!tpu.dma_semaphore, #tpu.memory_space<semaphore_mem>>) src(%dma_wait3A_34 : memref<128xi32, #tpu.memory_space<hbm>>) dst(%arg10 : memref<128xi32, #tpu.memory_space<vmem>>)
    %dma_wait3A_35 = tpu.memref_slice %arg5[%add3A_7] : memref<16384xi32, #tpu.memory_space<hbm>> -> memref<128xi32, #tpu.memory_space<hbm>>
    %dma_wait3A_36 = tpu.memref_slice %arg5[%add3A_7] : memref<16384xi32, #tpu.memory_space<hbm>> -> memref<128xi32, #tpu.memory_space<hbm>>
    tpu.wait_dma2 semaphore(%arg15 : memref<!tpu.dma_semaphore, #tpu.memory_space<semaphore_mem>>) src(%dma_wait3A_36 : memref<128xi32, #tpu.memory_space<hbm>>) dst(%arg11 : memref<128xi32, #tpu.memory_space<vmem>>)
    %dma_wait3A_37 = tpu.memref_slice %arg6[%add3A_7] : memref<16384xf32, #tpu.memory_space<hbm>> -> memref<128xf32, #tpu.memory_space<hbm>>
    %dma_wait3A_38 = tpu.memref_slice %arg6[%add3A_7] : memref<16384xf32, #tpu.memory_space<hbm>> -> memref<128xf32, #tpu.memory_space<hbm>>
    tpu.wait_dma2 semaphore(%arg15 : memref<!tpu.dma_semaphore, #tpu.memory_space<semaphore_mem>>) src(%dma_wait3A_38 : memref<128xf32, #tpu.memory_space<hbm>>) dst(%arg12 : memref<128xf32, #tpu.memory_space<vmem>>)
    %scan3A_39 = arith.constant 0 : i32
    %scan3A_40 = arith.constant 0 : i32
    %scan3A_41 = arith.constant 8 : i32
    %scan3A_42 = arith.addi %scan3A_40, %scan3A_41 : i32
    %scan3A_43 = arith.constant 1 : i32
    scf.for %scan3A_201 = %scan3A_40 to %scan3A_42 step %scan3A_43  : i32 {
      %mul3A_202 = arith.constant 16 : i32
      %mul3A_203 = arith.muli %scan3A_201, %mul3A_202 : i32
      %add3A_204 = vector.broadcast %mul3A_203 : i32 to vector<16xi32>
      %add3A_205 = arith.addi %iota3A, %add3A_204 : vector<16xi32>
      %mul3A_206 = arith.constant 128 : i32
      %mul3A_207 = vector.broadcast %mul3A_206 : i32 to vector<16xi32>
      %mul3A_208 = arith.muli %add3A_205, %mul3A_207 : vector<16xi32>
      %add3A_209 = arith.constant 52 : i32
      %add3A_210 = vector.broadcast %add3A_209 : i32 to vector<16xi32>
      %add3A_211 = arith.addi %mul3A_208, %add3A_210 : vector<16xi32>
      %mul3A_212 = arith.constant 16 : i32
      %mul3A_213 = arith.muli %scan3A_201, %mul3A_212 : i32
      %get3A = arith.constant 0 : i32
      %get3A_214 = arith.index_cast %get3A : i32 to index
      %get3A_215 = arith.index_cast %mul3A_213 : i32 to index
      %get3A_216 = tpu.vector_load %arg8[%get3A_214, %get3A_215] {strides = array<i32>} : memref<20x128xi32, #tpu.memory_space<vmem>>, vector<16xi32>,
      %mul3A_217 = arith.constant 16 : i32
      %mul3A_218 = arith.muli %scan3A_201, %mul3A_217 : i32
      %get3A_219 = arith.constant 1 : i32
      %get3A_220 = arith.index_cast %get3A_219 : i32 to index
      %get3A_221 = arith.index_cast %mul3A_218 : i32 to index
      %get3A_222 = tpu.vector_load %arg8[%get3A_220, %get3A_221] {strides = array<i32>} : memref<20x128xi32, #tpu.memory_space<vmem>>, vector<16xi32>,
      %mul3A_223 = arith.constant 16 : i32
      %mul3A_224 = arith.muli %scan3A_201, %mul3A_223 : i32
      %get3A_225 = arith.constant 2 : i32
      %get3A_226 = arith.index_cast %get3A_225 : i32 to index
      %get3A_227 = arith.index_cast %mul3A_224 : i32 to index
      %get3A_228 = tpu.vector_load %arg8[%get3A_226, %get3A_227] {strides = array<i32>} : memref<20x128xi32, #tpu.memory_space<vmem>>, vector<16xi32>,
      %mul3A_229 = arith.constant 16 : i32
      %mul3A_230 = arith.muli %scan3A_201, %mul3A_229 : i32
      %get3A_231 = arith.constant 3 : i32
      %get3A_232 = arith.index_cast %get3A_231 : i32 to index
      %get3A_233 = arith.index_cast %mul3A_230 : i32 to index
      %get3A_234 = tpu.vector_load %arg8[%get3A_232, %get3A_233] {strides = array<i32>} : memref<20x128xi32, #tpu.memory_space<vmem>>, vector<16xi32>,
      %mul3A_235 = arith.constant 16 : i32
      %mul3A_236 = arith.muli %scan3A_201, %mul3A_235 : i32
      %get3A_237 = arith.constant 4 : i32
      %get3A_238 = arith.index_cast %get3A_237 : i32 to index
      %get3A_239 = arith.index_cast %mul3A_236 : i32 to index
      %get3A_240 = tpu.vector_load %arg8[%get3A_238, %get3A_239] {strides = array<i32>} : memref<20x128xi32, #tpu.memory_space<vmem>>, vector<16xi32>,
      %mul3A_241 = arith.constant 16 : i32
      %mul3A_242 = arith.muli %scan3A_201, %mul3A_241 : i32
      %get3A_243 = arith.constant 5 : i32
      %get3A_244 = arith.index_cast %get3A_243 : i32 to index
      %get3A_245 = arith.index_cast %mul3A_242 : i32 to index
      %get3A_246 = tpu.vector_load %arg8[%get3A_244, %get3A_245] {strides = array<i32>} : memref<20x128xi32, #tpu.memory_space<vmem>>, vector<16xi32>,
      %mul3A_247 = arith.constant 16 : i32
      %mul3A_248 = arith.muli %scan3A_201, %mul3A_247 : i32
      %get3A_249 = arith.constant 6 : i32
      %get3A_250 = arith.index_cast %get3A_249 : i32 to index
      %get3A_251 = arith.index_cast %mul3A_248 : i32 to index
      %get3A_252 = tpu.vector_load %arg8[%get3A_250, %get3A_251] {strides = array<i32>} : memref<20x128xi32, #tpu.memory_space<vmem>>, vector<16xi32>,
      %mul3A_253 = arith.constant 16 : i32
      %mul3A_254 = arith.muli %scan3A_201, %mul3A_253 : i32
      %get3A_255 = arith.constant 7 : i32
      %get3A_256 = arith.index_cast %get3A_255 : i32 to index
      %get3A_257 = arith.index_cast %mul3A_254 : i32 to index
      %get3A_258 = tpu.vector_load %arg8[%get3A_256, %get3A_257] {strides = array<i32>} : memref<20x128xi32, #tpu.memory_space<vmem>>, vector<16xi32>,
      %add3A_259 = arith.addi %get3A_216, %mul3A_208 : vector<16xi32>
      %add3A_260 = arith.addi %get3A_222, %mul3A_208 : vector<16xi32>
      %add3A_261 = arith.addi %get3A_228, %mul3A_208 : vector<16xi32>
      %add3A_262 = arith.addi %get3A_234, %mul3A_208 : vector<16xi32>
      %add3A_263 = arith.addi %get3A_240, %mul3A_208 : vector<16xi32>
      %add3A_264 = arith.addi %get3A_246, %mul3A_208 : vector<16xi32>
      %add3A_265 = arith.addi %get3A_252, %mul3A_208 : vector<16xi32>
      %add3A_266 = arith.addi %get3A_258, %mul3A_208 : vector<16xi32>
      tpu.vector_store_idx %arg13[%add3A_259], %broadcast_in_dim3A_3 {add = true} : memref<16384xf32, #tpu.memory_space<vmem>>[vector<16xi32>], vector<16xf32>,
      tpu.vector_store_idx %arg13[%add3A_260], %broadcast_in_dim3A_3 {add = true} : memref<16384xf32, #tpu.memory_space<vmem>>[vector<16xi32>], vector<16xf32>,
      tpu.vector_store_idx %arg13[%add3A_261], %broadcast_in_dim3A_3 {add = true} : memref<16384xf32, #tpu.memory_space<vmem>>[vector<16xi32>], vector<16xf32>,
      tpu.vector_store_idx %arg13[%add3A_262], %broadcast_in_dim3A_3 {add = true} : memref<16384xf32, #tpu.memory_space<vmem>>[vector<16xi32>], vector<16xf32>,
      tpu.vector_store_idx %arg13[%add3A_263], %broadcast_in_dim3A_3 {add = true} : memref<16384xf32, #tpu.memory_space<vmem>>[vector<16xi32>], vector<16xf32>,
      tpu.vector_store_idx %arg13[%add3A_264], %broadcast_in_dim3A_3 {add = true} : memref<16384xf32, #tpu.memory_space<vmem>>[vector<16xi32>], vector<16xf32>,
      tpu.vector_store_idx %arg13[%add3A_265], %broadcast_in_dim3A_3 {add = true} : memref<16384xf32, #tpu.memory_space<vmem>>[vector<16xi32>], vector<16xf32>,
      tpu.vector_store_idx %arg13[%add3A_266], %broadcast_in_dim3A_3 {add = true} : memref<16384xf32, #tpu.memory_space<vmem>>[vector<16xi32>], vector<16xf32>,
      %mul3A_267 = arith.constant 16 : i32
      %mul3A_268 = arith.muli %scan3A_201, %mul3A_267 : i32
      %get3A_269 = arith.constant 8 : i32
      %get3A_270 = arith.index_cast %get3A_269 : i32 to index
      %get3A_271 = arith.index_cast %mul3A_268 : i32 to index
      %get3A_272 = tpu.vector_load %arg8[%get3A_270, %get3A_271] {strides = array<i32>} : memref<20x128xi32, #tpu.memory_space<vmem>>, vector<16xi32>,
      %mul3A_273 = arith.constant 16 : i32
      %mul3A_274 = arith.muli %scan3A_201, %mul3A_273 : i32
      %get3A_275 = arith.constant 9 : i32
      %get3A_276 = arith.index_cast %get3A_275 : i32 to index
      %get3A_277 = arith.index_cast %mul3A_274 : i32 to index
      %get3A_278 = tpu.vector_load %arg8[%get3A_276, %get3A_277] {strides = array<i32>} : memref<20x128xi32, #tpu.memory_space<vmem>>, vector<16xi32>,
      %mul3A_279 = arith.constant 16 : i32
      %mul3A_280 = arith.muli %scan3A_201, %mul3A_279 : i32
      %get3A_281 = arith.constant 10 : i32
      %get3A_282 = arith.index_cast %get3A_281 : i32 to index
      %get3A_283 = arith.index_cast %mul3A_280 : i32 to index
      %get3A_284 = tpu.vector_load %arg8[%get3A_282, %get3A_283] {strides = array<i32>} : memref<20x128xi32, #tpu.memory_space<vmem>>, vector<16xi32>,
      %mul3A_285 = arith.constant 16 : i32
      %mul3A_286 = arith.muli %scan3A_201, %mul3A_285 : i32
      %get3A_287 = arith.constant 11 : i32
      %get3A_288 = arith.index_cast %get3A_287 : i32 to index
      %get3A_289 = arith.index_cast %mul3A_286 : i32 to index
      %get3A_290 = tpu.vector_load %arg8[%get3A_288, %get3A_289] {strides = array<i32>} : memref<20x128xi32, #tpu.memory_space<vmem>>, vector<16xi32>,
      %mul3A_291 = arith.constant 16 : i32
      %mul3A_292 = arith.muli %scan3A_201, %mul3A_291 : i32
      %get3A_293 = arith.constant 12 : i32
      %get3A_294 = arith.index_cast %get3A_293 : i32 to index
      %get3A_295 = arith.index_cast %mul3A_292 : i32 to index
      %get3A_296 = tpu.vector_load %arg8[%get3A_294, %get3A_295] {strides = array<i32>} : memref<20x128xi32, #tpu.memory_space<vmem>>, vector<16xi32>,
      %mul3A_297 = arith.constant 16 : i32
      %mul3A_298 = arith.muli %scan3A_201, %mul3A_297 : i32
      %get3A_299 = arith.constant 13 : i32
      %get3A_300 = arith.index_cast %get3A_299 : i32 to index
      %get3A_301 = arith.index_cast %mul3A_298 : i32 to index
      %get3A_302 = tpu.vector_load %arg8[%get3A_300, %get3A_301] {strides = array<i32>} : memref<20x128xi32, #tpu.memory_space<vmem>>, vector<16xi32>,
      %mul3A_303 = arith.constant 16 : i32
      %mul3A_304 = arith.muli %scan3A_201, %mul3A_303 : i32
      %get3A_305 = arith.constant 14 : i32
      %get3A_306 = arith.index_cast %get3A_305 : i32 to index
      %get3A_307 = arith.index_cast %mul3A_304 : i32 to index
      %get3A_308 = tpu.vector_load %arg8[%get3A_306, %get3A_307] {strides = array<i32>} : memref<20x128xi32, #tpu.memory_space<vmem>>, vector<16xi32>,
      %mul3A_309 = arith.constant 16 : i32
      %mul3A_310 = arith.muli %scan3A_201, %mul3A_309 : i32
      %get3A_311 = arith.constant 15 : i32
      %get3A_312 = arith.index_cast %get3A_311 : i32 to index
      %get3A_313 = arith.index_cast %mul3A_310 : i32 to index
      %get3A_314 = tpu.vector_load %arg8[%get3A_312, %get3A_313] {strides = array<i32>} : memref<20x128xi32, #tpu.memory_space<vmem>>, vector<16xi32>,
      %add3A_315 = arith.addi %get3A_272, %mul3A_208 : vector<16xi32>
      %add3A_316 = arith.addi %get3A_278, %mul3A_208 : vector<16xi32>
      %add3A_317 = arith.addi %get3A_284, %mul3A_208 : vector<16xi32>
      %add3A_318 = arith.addi %get3A_290, %mul3A_208 : vector<16xi32>
      %add3A_319 = arith.addi %get3A_296, %mul3A_208 : vector<16xi32>
      %add3A_320 = arith.addi %get3A_302, %mul3A_208 : vector<16xi32>
      %add3A_321 = arith.addi %get3A_308, %mul3A_208 : vector<16xi32>
      %add3A_322 = arith.addi %get3A_314, %mul3A_208 : vector<16xi32>
      tpu.vector_store_idx %arg13[%add3A_315], %broadcast_in_dim3A_3 {add = true} : memref<16384xf32, #tpu.memory_space<vmem>>[vector<16xi32>], vector<16xf32>,
      tpu.vector_store_idx %arg13[%add3A_316], %broadcast_in_dim3A_3 {add = true} : memref<16384xf32, #tpu.memory_space<vmem>>[vector<16xi32>], vector<16xf32>,
      tpu.vector_store_idx %arg13[%add3A_317], %broadcast_in_dim3A_3 {add = true} : memref<16384xf32, #tpu.memory_space<vmem>>[vector<16xi32>], vector<16xf32>,
      tpu.vector_store_idx %arg13[%add3A_318], %broadcast_in_dim3A_3 {add = true} : memref<16384xf32, #tpu.memory_space<vmem>>[vector<16xi32>], vector<16xf32>,
      tpu.vector_store_idx %arg13[%add3A_319], %broadcast_in_dim3A_3 {add = true} : memref<16384xf32, #tpu.memory_space<vmem>>[vector<16xi32>], vector<16xf32>,
      tpu.vector_store_idx %arg13[%add3A_320], %broadcast_in_dim3A_3 {add = true} : memref<16384xf32, #tpu.memory_space<vmem>>[vector<16xi32>], vector<16xf32>,
      tpu.vector_store_idx %arg13[%add3A_321], %broadcast_in_dim3A_3 {add = true} : memref<16384xf32, #tpu.memory_space<vmem>>[vector<16xi32>], vector<16xf32>,
      tpu.vector_store_idx %arg13[%add3A_322], %broadcast_in_dim3A_3 {add = true} : memref<16384xf32, #tpu.memory_space<vmem>>[vector<16xi32>], vector<16xf32>,
      %mul3A_323 = arith.constant 16 : i32
      %mul3A_324 = arith.muli %scan3A_201, %mul3A_323 : i32
      %get3A_325 = arith.constant 16 : i32
      %get3A_326 = arith.index_cast %get3A_325 : i32 to index
      %get3A_327 = arith.index_cast %mul3A_324 : i32 to index
      %get3A_328 = tpu.vector_load %arg8[%get3A_326, %get3A_327] {strides = array<i32>} : memref<20x128xi32, #tpu.memory_space<vmem>>, vector<16xi32>,
      %mul3A_329 = arith.constant 16 : i32
      %mul3A_330 = arith.muli %scan3A_201, %mul3A_329 : i32
      %get3A_331 = arith.constant 17 : i32
      %get3A_332 = arith.index_cast %get3A_331 : i32 to index
      %get3A_333 = arith.index_cast %mul3A_330 : i32 to index
      %get3A_334 = tpu.vector_load %arg8[%get3A_332, %get3A_333] {strides = array<i32>} : memref<20x128xi32, #tpu.memory_space<vmem>>, vector<16xi32>,
      %mul3A_335 = arith.constant 16 : i32
      %mul3A_336 = arith.muli %scan3A_201, %mul3A_335 : i32
      %get3A_337 = arith.constant 18 : i32
      %get3A_338 = arith.index_cast %get3A_337 : i32 to index
      %get3A_339 = arith.index_cast %mul3A_336 : i32 to index
      %get3A_340 = tpu.vector_load %arg8[%get3A_338, %get3A_339] {strides = array<i32>} : memref<20x128xi32, #tpu.memory_space<vmem>>, vector<16xi32>,
      %mul3A_341 = arith.constant 16 : i32
      %mul3A_342 = arith.muli %scan3A_201, %mul3A_341 : i32
      %get3A_343 = arith.constant 19 : i32
      %get3A_344 = arith.index_cast %get3A_343 : i32 to index
      %get3A_345 = arith.index_cast %mul3A_342 : i32 to index
      %get3A_346 = tpu.vector_load %arg8[%get3A_344, %get3A_345] {strides = array<i32>} : memref<20x128xi32, #tpu.memory_space<vmem>>, vector<16xi32>,
      %mul3A_347 = arith.constant 16 : i32
      %mul3A_348 = arith.muli %scan3A_201, %mul3A_347 : i32
      %get3A_349 = arith.constant 0 : i32
      %get3A_350 = arith.index_cast %get3A_349 : i32 to index
      %get3A_351 = arith.index_cast %mul3A_348 : i32 to index
      %get3A_352 = tpu.vector_load %arg9[%get3A_350, %get3A_351] {strides = array<i32>} : memref<7x128xi32, #tpu.memory_space<vmem>>, vector<16xi32>,
      %mul3A_353 = arith.constant 16 : i32
      %mul3A_354 = arith.muli %scan3A_201, %mul3A_353 : i32
      %get3A_355 = arith.constant 1 : i32
      %get3A_356 = arith.index_cast %get3A_355 : i32 to index
      %get3A_357 = arith.index_cast %mul3A_354 : i32 to index
      %get3A_358 = tpu.vector_load %arg9[%get3A_356, %get3A_357] {strides = array<i32>} : memref<7x128xi32, #tpu.memory_space<vmem>>, vector<16xi32>,
      %mul3A_359 = arith.constant 16 : i32
      %mul3A_360 = arith.muli %scan3A_201, %mul3A_359 : i32
      %get3A_361 = arith.constant 2 : i32
      %get3A_362 = arith.index_cast %get3A_361 : i32 to index
      %get3A_363 = arith.index_cast %mul3A_360 : i32 to index
      %get3A_364 = tpu.vector_load %arg9[%get3A_362, %get3A_363] {strides = array<i32>} : memref<7x128xi32, #tpu.memory_space<vmem>>, vector<16xi32>,
      %mul3A_365 = arith.constant 16 : i32
      %mul3A_366 = arith.muli %scan3A_201, %mul3A_365 : i32
      %get3A_367 = arith.constant 3 : i32
      %get3A_368 = arith.index_cast %get3A_367 : i32 to index
      %get3A_369 = arith.index_cast %mul3A_366 : i32 to index
      %get3A_370 = tpu.vector_load %arg9[%get3A_368, %get3A_369] {strides = array<i32>} : memref<7x128xi32, #tpu.memory_space<vmem>>, vector<16xi32>,
      %add3A_371 = arith.addi %get3A_328, %mul3A_208 : vector<16xi32>
      %add3A_372 = arith.addi %get3A_334, %mul3A_208 : vector<16xi32>
      %add3A_373 = arith.addi %get3A_340, %mul3A_208 : vector<16xi32>
      %add3A_374 = arith.addi %get3A_346, %mul3A_208 : vector<16xi32>
      %add3A_375 = arith.addi %get3A_352, %add3A_211 : vector<16xi32>
      %add3A_376 = arith.addi %get3A_358, %add3A_211 : vector<16xi32>
      %add3A_377 = arith.addi %get3A_364, %add3A_211 : vector<16xi32>
      %add3A_378 = arith.addi %get3A_370, %add3A_211 : vector<16xi32>
      tpu.vector_store_idx %arg13[%add3A_371], %broadcast_in_dim3A_3 {add = true} : memref<16384xf32, #tpu.memory_space<vmem>>[vector<16xi32>], vector<16xf32>,
      tpu.vector_store_idx %arg13[%add3A_372], %broadcast_in_dim3A_3 {add = true} : memref<16384xf32, #tpu.memory_space<vmem>>[vector<16xi32>], vector<16xf32>,
      tpu.vector_store_idx %arg13[%add3A_373], %broadcast_in_dim3A_3 {add = true} : memref<16384xf32, #tpu.memory_space<vmem>>[vector<16xi32>], vector<16xf32>,
      tpu.vector_store_idx %arg13[%add3A_374], %broadcast_in_dim3A_3 {add = true} : memref<16384xf32, #tpu.memory_space<vmem>>[vector<16xi32>], vector<16xf32>,
      tpu.vector_store_idx %arg13[%add3A_375], %broadcast_in_dim3A_3 {add = true} : memref<16384xf32, #tpu.memory_space<vmem>>[vector<16xi32>], vector<16xf32>,
      tpu.vector_store_idx %arg13[%add3A_376], %broadcast_in_dim3A_3 {add = true} : memref<16384xf32, #tpu.memory_space<vmem>>[vector<16xi32>], vector<16xf32>,
      tpu.vector_store_idx %arg13[%add3A_377], %broadcast_in_dim3A_3 {add = true} : memref<16384xf32, #tpu.memory_space<vmem>>[vector<16xi32>], vector<16xf32>,
      tpu.vector_store_idx %arg13[%add3A_378], %broadcast_in_dim3A_3 {add = true} : memref<16384xf32, #tpu.memory_space<vmem>>[vector<16xi32>], vector<16xf32>,
      %mul3A_379 = arith.constant 16 : i32
      %mul3A_380 = arith.muli %scan3A_201, %mul3A_379 : i32
      %get3A_381 = arith.constant 4 : i32
      %get3A_382 = arith.index_cast %get3A_381 : i32 to index
      %get3A_383 = arith.index_cast %mul3A_380 : i32 to index
      %get3A_384 = tpu.vector_load %arg9[%get3A_382, %get3A_383] {strides = array<i32>} : memref<7x128xi32, #tpu.memory_space<vmem>>, vector<16xi32>,
      %mul3A_385 = arith.constant 16 : i32
      %mul3A_386 = arith.muli %scan3A_201, %mul3A_385 : i32
      %get3A_387 = arith.constant 5 : i32
      %get3A_388 = arith.index_cast %get3A_387 : i32 to index
      %get3A_389 = arith.index_cast %mul3A_386 : i32 to index
      %get3A_390 = tpu.vector_load %arg9[%get3A_388, %get3A_389] {strides = array<i32>} : memref<7x128xi32, #tpu.memory_space<vmem>>, vector<16xi32>,
      %mul3A_391 = arith.constant 16 : i32
      %mul3A_392 = arith.muli %scan3A_201, %mul3A_391 : i32
      %get3A_393 = arith.constant 6 : i32
      %get3A_394 = arith.index_cast %get3A_393 : i32 to index
      %get3A_395 = arith.index_cast %mul3A_392 : i32 to index
      %get3A_396 = tpu.vector_load %arg9[%get3A_394, %get3A_395] {strides = array<i32>} : memref<7x128xi32, #tpu.memory_space<vmem>>, vector<16xi32>,
      %add3A_397 = arith.addi %get3A_384, %add3A_211 : vector<16xi32>
      %add3A_398 = arith.addi %get3A_390, %add3A_211 : vector<16xi32>
      %add3A_399 = arith.addi %get3A_396, %add3A_211 : vector<16xi32>
      tpu.vector_store_idx %arg13[%add3A_397], %broadcast_in_dim3A_3 {add = true} : memref<16384xf32, #tpu.memory_space<vmem>>[vector<16xi32>], vector<16xf32>,
      tpu.vector_store_idx %arg13[%add3A_398], %broadcast_in_dim3A_3 {add = true} : memref<16384xf32, #tpu.memory_space<vmem>>[vector<16xi32>], vector<16xf32>,
      tpu.vector_store_idx %arg13[%add3A_399], %broadcast_in_dim3A_3 {add = true} : memref<16384xf32, #tpu.memory_space<vmem>>[vector<16xi32>], vector<16xf32>,
      %mul3A_400 = arith.constant 16 : i32
      %mul3A_401 = arith.muli %scan3A_201, %mul3A_400 : i32
      %get3A_402 = arith.index_cast %mul3A_401 : i32 to index
      %get3A_403 = tpu.vector_load %arg10[%get3A_402] {strides = array<i32>} : memref<128xi32, #tpu.memory_space<vmem>>, vector<16xi32>,
      %mul3A_404 = arith.constant 16 : i32
      %mul3A_405 = arith.muli %scan3A_201, %mul3A_404 : i32
      %get3A_406 = arith.index_cast %mul3A_405 : i32 to index
      %get3A_407 = tpu.vector_load %arg11[%get3A_406] {strides = array<i32>} : memref<128xi32, #tpu.memory_space<vmem>>, vector<16xi32>,
      %mul3A_408 = arith.constant 16 : i32
      %mul3A_409 = arith.muli %scan3A_201, %mul3A_408 : i32
      %get3A_410 = arith.index_cast %mul3A_409 : i32 to index
      %get3A_411 = tpu.vector_load %arg12[%get3A_410] {strides = array<i32>} : memref<128xf32, #tpu.memory_space<vmem>>, vector<16xf32>,
      %add3A_412 = arith.constant 60 : i32
      %add3A_413 = vector.broadcast %add3A_412 : i32 to vector<16xi32>
      %add3A_414 = arith.addi %mul3A_208, %add3A_413 : vector<16xi32>
      %add3A_415 = arith.addi %get3A_403, %add3A_414 : vector<16xi32>
      tpu.vector_store_idx %arg13[%add3A_415], %broadcast_in_dim3A_3 {add = true} : memref<16384xf32, #tpu.memory_space<vmem>>[vector<16xi32>], vector<16xf32>,
      %add3A_416 = arith.constant 62 : i32
      %add3A_417 = vector.broadcast %add3A_416 : i32 to vector<16xi32>
      %add3A_418 = arith.addi %mul3A_208, %add3A_417 : vector<16xi32>
      %add3A_419 = arith.addi %get3A_407, %add3A_418 : vector<16xi32>
      tpu.vector_store_idx %arg13[%add3A_419], %broadcast_in_dim3A_3 {add = true} : memref<16384xf32, #tpu.memory_space<vmem>>[vector<16xi32>], vector<16xf32>,
      %add3A_420 = arith.constant 64 : i32
      %add3A_421 = vector.broadcast %add3A_420 : i32 to vector<16xi32>
      %add3A_422 = arith.addi %mul3A_208, %add3A_421 : vector<16xi32>
      tpu.vector_store_idx %arg13[%add3A_422], %get3A_411 : memref<16384xf32, #tpu.memory_space<vmem>>[vector<16xi32>], vector<16xf32>,
    }
    %scan3A_44 = arith.constant 8 : i32
    %mul3A_45 = arith.constant 128 : i32
    %mul3A_46 = arith.muli %add3A_7, %mul3A_45 : i32
    %dma_start3A_47 = tpu.memref_slice %arg7[%mul3A_46] : memref<2097152xf32, #tpu.memory_space<hbm>> -> memref<16384xf32, #tpu.memory_space<hbm>>
    %dma_start3A_48 = tpu.memref_slice %arg7[%mul3A_46] : memref<2097152xf32, #tpu.memory_space<hbm>> -> memref<16384xf32, #tpu.memory_space<hbm>>
    tpu.enqueue_dma source(%arg13 : memref<16384xf32, #tpu.memory_space<vmem>>) target(%dma_start3A_48 : memref<16384xf32, #tpu.memory_space<hbm>>) target_semaphore(%arg16 : memref<!tpu.dma_semaphore, #tpu.memory_space<semaphore_mem>>)
    %mul3A_49 = arith.constant 512 : i32
    %mul3A_50 = arith.muli %add3A, %mul3A_49 : i32
    %add3A_51 = arith.constant 128 : i32
    %add3A_52 = arith.addi %mul3A_50, %add3A_51 : i32
    %dma_start3A_53 = arith.constant 0 : i32
    %dma_start3A_54 = tpu.memref_slice %arg2[%dma_start3A_53, %add3A_52] : memref<20x16384xi32, #tpu.memory_space<hbm>> -> memref<20x128xi32, #tpu.memory_space<hbm>>
    %dma_start3A_55 = arith.constant 0 : i32
    %dma_start3A_56 = tpu.memref_slice %arg2[%dma_start3A_55, %add3A_52] : memref<20x16384xi32, #tpu.memory_space<hbm>> -> memref<20x128xi32, #tpu.memory_space<hbm>>
    tpu.enqueue_dma source(%dma_start3A_56 : memref<20x128xi32, #tpu.memory_space<hbm>>) target(%arg8 : memref<20x128xi32, #tpu.memory_space<vmem>>) target_semaphore(%arg15 : memref<!tpu.dma_semaphore, #tpu.memory_space<semaphore_mem>>)
    %dma_start3A_57 = arith.constant 0 : i32
    %dma_start3A_58 = tpu.memref_slice %arg3[%dma_start3A_57, %add3A_52] : memref<7x16384xi32, #tpu.memory_space<hbm>> -> memref<7x128xi32, #tpu.memory_space<hbm>>
    %dma_start3A_59 = arith.constant 0 : i32
    %dma_start3A_60 = tpu.memref_slice %arg3[%dma_start3A_59, %add3A_52] : memref<7x16384xi32, #tpu.memory_space<hbm>> -> memref<7x128xi32, #tpu.memory_space<hbm>>
    tpu.enqueue_dma source(%dma_start3A_60 : memref<7x128xi32, #tpu.memory_space<hbm>>) target(%arg9 : memref<7x128xi32, #tpu.memory_space<vmem>>) target_semaphore(%arg15 : memref<!tpu.dma_semaphore, #tpu.memory_space<semaphore_mem>>)
    %dma_start3A_61 = tpu.memref_slice %arg4[%add3A_52] : memref<16384xi32, #tpu.memory_space<hbm>> -> memref<128xi32, #tpu.memory_space<hbm>>
    %dma_start3A_62 = tpu.memref_slice %arg4[%add3A_52] : memref<16384xi32, #tpu.memory_space<hbm>> -> memref<128xi32, #tpu.memory_space<hbm>>
    tpu.enqueue_dma source(%dma_start3A_62 : memref<128xi32, #tpu.memory_space<hbm>>) target(%arg10 : memref<128xi32, #tpu.memory_space<vmem>>) target_semaphore(%arg15 : memref<!tpu.dma_semaphore, #tpu.memory_space<semaphore_mem>>)
    %dma_start3A_63 = tpu.memref_slice %arg5[%add3A_52] : memref<16384xi32, #tpu.memory_space<hbm>> -> memref<128xi32, #tpu.memory_space<hbm>>
    %dma_start3A_64 = tpu.memref_slice %arg5[%add3A_52] : memref<16384xi32, #tpu.memory_space<hbm>> -> memref<128xi32, #tpu.memory_space<hbm>>
    tpu.enqueue_dma source(%dma_start3A_64 : memref<128xi32, #tpu.memory_space<hbm>>) target(%arg11 : memref<128xi32, #tpu.memory_space<vmem>>) target_semaphore(%arg15 : memref<!tpu.dma_semaphore, #tpu.memory_space<semaphore_mem>>)
    %dma_start3A_65 = tpu.memref_slice %arg6[%add3A_52] : memref<16384xf32, #tpu.memory_space<hbm>> -> memref<128xf32, #tpu.memory_space<hbm>>
    %dma_start3A_66 = tpu.memref_slice %arg6[%add3A_52] : memref<16384xf32, #tpu.memory_space<hbm>> -> memref<128xf32, #tpu.memory_space<hbm>>
    tpu.enqueue_dma source(%dma_start3A_66 : memref<128xf32, #tpu.memory_space<hbm>>) target(%arg12 : memref<128xf32, #tpu.memory_space<vmem>>) target_semaphore(%arg15 : memref<!tpu.dma_semaphore, #tpu.memory_space<semaphore_mem>>)
    %scan3A_67 = arith.constant 0 : i32
    %scan3A_68 = arith.constant 0 : i32
    %scan3A_69 = arith.constant 128 : i32
    %scan3A_70 = arith.addi %scan3A_68, %scan3A_69 : i32
    %scan3A_71 = arith.constant 4 : i32
    scf.for %scan3A_201 = %scan3A_68 to %scan3A_70 step %scan3A_71  : i32 {
      %mul3A_202 = arith.constant 128 : i32
      %mul3A_203 = arith.muli %scan3A_201, %mul3A_202 : i32
      %add3A_204 = arith.constant 0 : i32
      %add3A_205 = arith.addi %mul3A_203, %add3A_204 : i32
      %swap3A = arith.index_cast %add3A_205 : i32 to index
      %swap3A_206 = tpu.vector_load %arg14[%swap3A] {strides = array<i32>} : memref<16384xf32, #tpu.memory_space<vmem>>, vector<16xf32>,
      tpu.vector_store %arg14[%swap3A], %broadcast_in_dim3A_1 {strides = array<i32>} : memref<16384xf32, #tpu.memory_space<vmem>>, vector<16xf32>,
      %mul3A_207 = arith.constant 128 : i32
      %mul3A_208 = arith.muli %scan3A_201, %mul3A_207 : i32
      %add3A_209 = arith.constant 16 : i32
      %add3A_210 = arith.addi %mul3A_208, %add3A_209 : i32
      %swap3A_211 = arith.index_cast %add3A_210 : i32 to index
      %swap3A_212 = tpu.vector_load %arg14[%swap3A_211] {strides = array<i32>} : memref<16384xf32, #tpu.memory_space<vmem>>, vector<16xf32>,
      tpu.vector_store %arg14[%swap3A_211], %broadcast_in_dim3A_1 {strides = array<i32>} : memref<16384xf32, #tpu.memory_space<vmem>>, vector<16xf32>,
      %mul3A_213 = arith.constant 128 : i32
      %mul3A_214 = arith.muli %scan3A_201, %mul3A_213 : i32
      %add3A_215 = arith.constant 32 : i32
      %add3A_216 = arith.addi %mul3A_214, %add3A_215 : i32
      %swap3A_217 = arith.index_cast %add3A_216 : i32 to index
      %swap3A_218 = tpu.vector_load %arg14[%swap3A_217] {strides = array<i32>} : memref<16384xf32, #tpu.memory_space<vmem>>, vector<16xf32>,
      tpu.vector_store %arg14[%swap3A_217], %broadcast_in_dim3A_1 {strides = array<i32>} : memref<16384xf32, #tpu.memory_space<vmem>>, vector<16xf32>,
      %mul3A_219 = arith.constant 128 : i32
      %mul3A_220 = arith.muli %scan3A_201, %mul3A_219 : i32
      %add3A_221 = arith.constant 48 : i32
      %add3A_222 = arith.addi %mul3A_220, %add3A_221 : i32
      %swap3A_223 = arith.index_cast %add3A_222 : i32 to index
      %swap3A_224 = tpu.vector_load %arg14[%swap3A_223] {strides = array<i32>} : memref<16384xf32, #tpu.memory_space<vmem>>, vector<16xf32>,
      tpu.vector_store %arg14[%swap3A_223], %broadcast_in_dim3A_1 {strides = array<i32>} : memref<16384xf32, #tpu.memory_space<vmem>>, vector<16xf32>,
      %scan3A_225 = arith.constant 1 : i32
      %scan3A_226 = arith.addi %scan3A_201, %scan3A_225 : i32
      %mul3A_227 = arith.constant 128 : i32
      %mul3A_228 = arith.muli %scan3A_226, %mul3A_227 : i32
      %add3A_229 = arith.constant 0 : i32
      %add3A_230 = arith.addi %mul3A_228, %add3A_229 : i32
      %swap3A_231 = arith.index_cast %add3A_230 : i32 to index
      %swap3A_232 = tpu.vector_load %arg14[%swap3A_231] {strides = array<i32>} : memref<16384xf32, #tpu.memory_space<vmem>>, vector<16xf32>,
      tpu.vector_store %arg14[%swap3A_231], %broadcast_in_dim3A_1 {strides = array<i32>} : memref<16384xf32, #tpu.memory_space<vmem>>, vector<16xf32>,
      %mul3A_233 = arith.constant 128 : i32
      %mul3A_234 = arith.muli %scan3A_226, %mul3A_233 : i32
      %add3A_235 = arith.constant 16 : i32
      %add3A_236 = arith.addi %mul3A_234, %add3A_235 : i32
      %swap3A_237 = arith.index_cast %add3A_236 : i32 to index
      %swap3A_238 = tpu.vector_load %arg14[%swap3A_237] {strides = array<i32>} : memref<16384xf32, #tpu.memory_space<vmem>>, vector<16xf32>,
      tpu.vector_store %arg14[%swap3A_237], %broadcast_in_dim3A_1 {strides = array<i32>} : memref<16384xf32, #tpu.memory_space<vmem>>, vector<16xf32>,
      %mul3A_239 = arith.constant 128 : i32
      %mul3A_240 = arith.muli %scan3A_226, %mul3A_239 : i32
      %add3A_241 = arith.constant 32 : i32
      %add3A_242 = arith.addi %mul3A_240, %add3A_241 : i32
      %swap3A_243 = arith.index_cast %add3A_242 : i32 to index
      %swap3A_244 = tpu.vector_load %arg14[%swap3A_243] {strides = array<i32>} : memref<16384xf32, #tpu.memory_space<vmem>>, vector<16xf32>,
      tpu.vector_store %arg14[%swap3A_243], %broadcast_in_dim3A_1 {strides = array<i32>} : memref<16384xf32, #tpu.memory_space<vmem>>, vector<16xf32>,
      %mul3A_245 = arith.constant 128 : i32
      %mul3A_246 = arith.muli %scan3A_226, %mul3A_245 : i32
      %add3A_247 = arith.constant 48 : i32
      %add3A_248 = arith.addi %mul3A_246, %add3A_247 : i32
      %swap3A_249 = arith.index_cast %add3A_248 : i32 to index
      %swap3A_250 = tpu.vector_load %arg14[%swap3A_249] {strides = array<i32>} : memref<16384xf32, #tpu.memory_space<vmem>>, vector<16xf32>,
      tpu.vector_store %arg14[%swap3A_249], %broadcast_in_dim3A_1 {strides = array<i32>} : memref<16384xf32, #tpu.memory_space<vmem>>, vector<16xf32>,
      %scan3A_251 = arith.constant 2 : i32
      %scan3A_252 = arith.addi %scan3A_201, %scan3A_251 : i32
      %mul3A_253 = arith.constant 128 : i32
      %mul3A_254 = arith.muli %scan3A_252, %mul3A_253 : i32
      %add3A_255 = arith.constant 0 : i32
      %add3A_256 = arith.addi %mul3A_254, %add3A_255 : i32
      %swap3A_257 = arith.index_cast %add3A_256 : i32 to index
      %swap3A_258 = tpu.vector_load %arg14[%swap3A_257] {strides = array<i32>} : memref<16384xf32, #tpu.memory_space<vmem>>, vector<16xf32>,
      tpu.vector_store %arg14[%swap3A_257], %broadcast_in_dim3A_1 {strides = array<i32>} : memref<16384xf32, #tpu.memory_space<vmem>>, vector<16xf32>,
      %mul3A_259 = arith.constant 128 : i32
      %mul3A_260 = arith.muli %scan3A_252, %mul3A_259 : i32
      %add3A_261 = arith.constant 16 : i32
      %add3A_262 = arith.addi %mul3A_260, %add3A_261 : i32
      %swap3A_263 = arith.index_cast %add3A_262 : i32 to index
      %swap3A_264 = tpu.vector_load %arg14[%swap3A_263] {strides = array<i32>} : memref<16384xf32, #tpu.memory_space<vmem>>, vector<16xf32>,
      tpu.vector_store %arg14[%swap3A_263], %broadcast_in_dim3A_1 {strides = array<i32>} : memref<16384xf32, #tpu.memory_space<vmem>>, vector<16xf32>,
      %mul3A_265 = arith.constant 128 : i32
      %mul3A_266 = arith.muli %scan3A_252, %mul3A_265 : i32
      %add3A_267 = arith.constant 32 : i32
      %add3A_268 = arith.addi %mul3A_266, %add3A_267 : i32
      %swap3A_269 = arith.index_cast %add3A_268 : i32 to index
      %swap3A_270 = tpu.vector_load %arg14[%swap3A_269] {strides = array<i32>} : memref<16384xf32, #tpu.memory_space<vmem>>, vector<16xf32>,
      tpu.vector_store %arg14[%swap3A_269], %broadcast_in_dim3A_1 {strides = array<i32>} : memref<16384xf32, #tpu.memory_space<vmem>>, vector<16xf32>,
      %mul3A_271 = arith.constant 128 : i32
      %mul3A_272 = arith.muli %scan3A_252, %mul3A_271 : i32
      %add3A_273 = arith.constant 48 : i32
      %add3A_274 = arith.addi %mul3A_272, %add3A_273 : i32
      %swap3A_275 = arith.index_cast %add3A_274 : i32 to index
      %swap3A_276 = tpu.vector_load %arg14[%swap3A_275] {strides = array<i32>} : memref<16384xf32, #tpu.memory_space<vmem>>, vector<16xf32>,
      tpu.vector_store %arg14[%swap3A_275], %broadcast_in_dim3A_1 {strides = array<i32>} : memref<16384xf32, #tpu.memory_space<vmem>>, vector<16xf32>,
      %scan3A_277 = arith.constant 3 : i32
      %scan3A_278 = arith.addi %scan3A_201, %scan3A_277 : i32
      %mul3A_279 = arith.constant 128 : i32
      %mul3A_280 = arith.muli %scan3A_278, %mul3A_279 : i32
      %add3A_281 = arith.constant 0 : i32
      %add3A_282 = arith.addi %mul3A_280, %add3A_281 : i32
      %swap3A_283 = arith.index_cast %add3A_282 : i32 to index
      %swap3A_284 = tpu.vector_load %arg14[%swap3A_283] {strides = array<i32>} : memref<16384xf32, #tpu.memory_space<vmem>>, vector<16xf32>,
      tpu.vector_store %arg14[%swap3A_283], %broadcast_in_dim3A_1 {strides = array<i32>} : memref<16384xf32, #tpu.memory_space<vmem>>, vector<16xf32>,
      %mul3A_285 = arith.constant 128 : i32
      %mul3A_286 = arith.muli %scan3A_278, %mul3A_285 : i32
      %add3A_287 = arith.constant 16 : i32
      %add3A_288 = arith.addi %mul3A_286, %add3A_287 : i32
      %swap3A_289 = arith.index_cast %add3A_288 : i32 to index
      %swap3A_290 = tpu.vector_load %arg14[%swap3A_289] {strides = array<i32>} : memref<16384xf32, #tpu.memory_space<vmem>>, vector<16xf32>,
      tpu.vector_store %arg14[%swap3A_289], %broadcast_in_dim3A_1 {strides = array<i32>} : memref<16384xf32, #tpu.memory_space<vmem>>, vector<16xf32>,
      %mul3A_291 = arith.constant 128 : i32
      %mul3A_292 = arith.muli %scan3A_278, %mul3A_291 : i32
      %add3A_293 = arith.constant 32 : i32
      %add3A_294 = arith.addi %mul3A_292, %add3A_293 : i32
      %swap3A_295 = arith.index_cast %add3A_294 : i32 to index
      %swap3A_296 = tpu.vector_load %arg14[%swap3A_295] {strides = array<i32>} : memref<16384xf32, #tpu.memory_space<vmem>>, vector<16xf32>,
      tpu.vector_store %arg14[%swap3A_295], %broadcast_in_dim3A_1 {strides = array<i32>} : memref<16384xf32, #tpu.memory_space<vmem>>, vector<16xf32>,
      %mul3A_297 = arith.constant 128 : i32
      %mul3A_298 = arith.muli %scan3A_278, %mul3A_297 : i32
      %add3A_299 = arith.constant 48 : i32
      %add3A_300 = arith.addi %mul3A_298, %add3A_299 : i32
      %swap3A_301 = arith.index_cast %add3A_300 : i32 to index
      %swap3A_302 = tpu.vector_load %arg14[%swap3A_301] {strides = array<i32>} : memref<16384xf32, #tpu.memory_space<vmem>>, vector<16xf32>,
      tpu.vector_store %arg14[%swap3A_301], %broadcast_in_dim3A_1 {strides = array<i32>} : memref<16384xf32, #tpu.memory_space<vmem>>, vector<16xf32>,
    }
    %scan3A_72 = arith.constant 128 : i32
    %dma_wait3A_73 = arith.constant 0 : i32
    %dma_wait3A_74 = tpu.memref_slice %arg2[%dma_wait3A_73, %add3A_52] : memref<20x16384xi32, #tpu.memory_space<hbm>> -> memref<20x128xi32, #tpu.memory_space<hbm>>
    %dma_wait3A_75 = arith.constant 0 : i32
    %dma_wait3A_76 = tpu.memref_slice %arg2[%dma_wait3A_75, %add3A_52] : memref<20x16384xi32, #tpu.memory_space<hbm>> -> memref<20x128xi32, #tpu.memory_space<hbm>>
    tpu.wait_dma2 semaphore(%arg15 : memref<!tpu.dma_semaphore, #tpu.memory_space<semaphore_mem>>) src(%dma_wait3A_76 : memref<20x128xi32, #tpu.memory_space<hbm>>) dst(%arg8 : memref<20x128xi32, #tpu.memory_space<vmem>>)
    %dma_wait3A_77 = arith.constant 0 : i32
    %dma_wait3A_78 = tpu.memref_slice %arg3[%dma_wait3A_77, %add3A_52] : memref<7x16384xi32, #tpu.memory_space<hbm>> -> memref<7x128xi32, #tpu.memory_space<hbm>>
    %dma_wait3A_79 = arith.constant 0 : i32
    %dma_wait3A_80 = tpu.memref_slice %arg3[%dma_wait3A_79, %add3A_52] : memref<7x16384xi32, #tpu.memory_space<hbm>> -> memref<7x128xi32, #tpu.memory_space<hbm>>
    tpu.wait_dma2 semaphore(%arg15 : memref<!tpu.dma_semaphore, #tpu.memory_space<semaphore_mem>>) src(%dma_wait3A_80 : memref<7x128xi32, #tpu.memory_space<hbm>>) dst(%arg9 : memref<7x128xi32, #tpu.memory_space<vmem>>)
    %dma_wait3A_81 = tpu.memref_slice %arg4[%add3A_52] : memref<16384xi32, #tpu.memory_space<hbm>> -> memref<128xi32, #tpu.memory_space<hbm>>
    %dma_wait3A_82 = tpu.memref_slice %arg4[%add3A_52] : memref<16384xi32, #tpu.memory_space<hbm>> -> memref<128xi32, #tpu.memory_space<hbm>>
    tpu.wait_dma2 semaphore(%arg15 : memref<!tpu.dma_semaphore, #tpu.memory_space<semaphore_mem>>) src(%dma_wait3A_82 : memref<128xi32, #tpu.memory_space<hbm>>) dst(%arg10 : memref<128xi32, #tpu.memory_space<vmem>>)
    %dma_wait3A_83 = tpu.memref_slice %arg5[%add3A_52] : memref<16384xi32, #tpu.memory_space<hbm>> -> memref<128xi32, #tpu.memory_space<hbm>>
    %dma_wait3A_84 = tpu.memref_slice %arg5[%add3A_52] : memref<16384xi32, #tpu.memory_space<hbm>> -> memref<128xi32, #tpu.memory_space<hbm>>
    tpu.wait_dma2 semaphore(%arg15 : memref<!tpu.dma_semaphore, #tpu.memory_space<semaphore_mem>>) src(%dma_wait3A_84 : memref<128xi32, #tpu.memory_space<hbm>>) dst(%arg11 : memref<128xi32, #tpu.memory_space<vmem>>)
    %dma_wait3A_85 = tpu.memref_slice %arg6[%add3A_52] : memref<16384xf32, #tpu.memory_space<hbm>> -> memref<128xf32, #tpu.memory_space<hbm>>
    %dma_wait3A_86 = tpu.memref_slice %arg6[%add3A_52] : memref<16384xf32, #tpu.memory_space<hbm>> -> memref<128xf32, #tpu.memory_space<hbm>>
    tpu.wait_dma2 semaphore(%arg15 : memref<!tpu.dma_semaphore, #tpu.memory_space<semaphore_mem>>) src(%dma_wait3A_86 : memref<128xf32, #tpu.memory_space<hbm>>) dst(%arg12 : memref<128xf32, #tpu.memory_space<vmem>>)
    %scan3A_87 = arith.constant 0 : i32
    %scan3A_88 = arith.constant 0 : i32
    %scan3A_89 = arith.constant 8 : i32
    %scan3A_90 = arith.addi %scan3A_88, %scan3A_89 : i32
    %scan3A_91 = arith.constant 1 : i32
    scf.for %scan3A_201 = %scan3A_88 to %scan3A_90 step %scan3A_91  : i32 {
      %mul3A_202 = arith.constant 16 : i32
      %mul3A_203 = arith.muli %scan3A_201, %mul3A_202 : i32
      %add3A_204 = vector.broadcast %mul3A_203 : i32 to vector<16xi32>
      %add3A_205 = arith.addi %iota3A, %add3A_204 : vector<16xi32>
      %mul3A_206 = arith.constant 128 : i32
      %mul3A_207 = vector.broadcast %mul3A_206 : i32 to vector<16xi32>
      %mul3A_208 = arith.muli %add3A_205, %mul3A_207 : vector<16xi32>
      %add3A_209 = arith.constant 52 : i32
      %add3A_210 = vector.broadcast %add3A_209 : i32 to vector<16xi32>
      %add3A_211 = arith.addi %mul3A_208, %add3A_210 : vector<16xi32>
      %mul3A_212 = arith.constant 16 : i32
      %mul3A_213 = arith.muli %scan3A_201, %mul3A_212 : i32
      %get3A = arith.constant 0 : i32
      %get3A_214 = arith.index_cast %get3A : i32 to index
      %get3A_215 = arith.index_cast %mul3A_213 : i32 to index
      %get3A_216 = tpu.vector_load %arg8[%get3A_214, %get3A_215] {strides = array<i32>} : memref<20x128xi32, #tpu.memory_space<vmem>>, vector<16xi32>,
      %mul3A_217 = arith.constant 16 : i32
      %mul3A_218 = arith.muli %scan3A_201, %mul3A_217 : i32
      %get3A_219 = arith.constant 1 : i32
      %get3A_220 = arith.index_cast %get3A_219 : i32 to index
      %get3A_221 = arith.index_cast %mul3A_218 : i32 to index
      %get3A_222 = tpu.vector_load %arg8[%get3A_220, %get3A_221] {strides = array<i32>} : memref<20x128xi32, #tpu.memory_space<vmem>>, vector<16xi32>,
      %mul3A_223 = arith.constant 16 : i32
      %mul3A_224 = arith.muli %scan3A_201, %mul3A_223 : i32
      %get3A_225 = arith.constant 2 : i32
      %get3A_226 = arith.index_cast %get3A_225 : i32 to index
      %get3A_227 = arith.index_cast %mul3A_224 : i32 to index
      %get3A_228 = tpu.vector_load %arg8[%get3A_226, %get3A_227] {strides = array<i32>} : memref<20x128xi32, #tpu.memory_space<vmem>>, vector<16xi32>,
      %mul3A_229 = arith.constant 16 : i32
      %mul3A_230 = arith.muli %scan3A_201, %mul3A_229 : i32
      %get3A_231 = arith.constant 3 : i32
      %get3A_232 = arith.index_cast %get3A_231 : i32 to index
      %get3A_233 = arith.index_cast %mul3A_230 : i32 to index
      %get3A_234 = tpu.vector_load %arg8[%get3A_232, %get3A_233] {strides = array<i32>} : memref<20x128xi32, #tpu.memory_space<vmem>>, vector<16xi32>,
      %mul3A_235 = arith.constant 16 : i32
      %mul3A_236 = arith.muli %scan3A_201, %mul3A_235 : i32
      %get3A_237 = arith.constant 4 : i32
      %get3A_238 = arith.index_cast %get3A_237 : i32 to index
      %get3A_239 = arith.index_cast %mul3A_236 : i32 to index
      %get3A_240 = tpu.vector_load %arg8[%get3A_238, %get3A_239] {strides = array<i32>} : memref<20x128xi32, #tpu.memory_space<vmem>>, vector<16xi32>,
      %mul3A_241 = arith.constant 16 : i32
      %mul3A_242 = arith.muli %scan3A_201, %mul3A_241 : i32
      %get3A_243 = arith.constant 5 : i32
      %get3A_244 = arith.index_cast %get3A_243 : i32 to index
      %get3A_245 = arith.index_cast %mul3A_242 : i32 to index
      %get3A_246 = tpu.vector_load %arg8[%get3A_244, %get3A_245] {strides = array<i32>} : memref<20x128xi32, #tpu.memory_space<vmem>>, vector<16xi32>,
      %mul3A_247 = arith.constant 16 : i32
      %mul3A_248 = arith.muli %scan3A_201, %mul3A_247 : i32
      %get3A_249 = arith.constant 6 : i32
      %get3A_250 = arith.index_cast %get3A_249 : i32 to index
      %get3A_251 = arith.index_cast %mul3A_248 : i32 to index
      %get3A_252 = tpu.vector_load %arg8[%get3A_250, %get3A_251] {strides = array<i32>} : memref<20x128xi32, #tpu.memory_space<vmem>>, vector<16xi32>,
      %mul3A_253 = arith.constant 16 : i32
      %mul3A_254 = arith.muli %scan3A_201, %mul3A_253 : i32
      %get3A_255 = arith.constant 7 : i32
      %get3A_256 = arith.index_cast %get3A_255 : i32 to index
      %get3A_257 = arith.index_cast %mul3A_254 : i32 to index
      %get3A_258 = tpu.vector_load %arg8[%get3A_256, %get3A_257] {strides = array<i32>} : memref<20x128xi32, #tpu.memory_space<vmem>>, vector<16xi32>,
      %add3A_259 = arith.addi %get3A_216, %mul3A_208 : vector<16xi32>
      %add3A_260 = arith.addi %get3A_222, %mul3A_208 : vector<16xi32>
      %add3A_261 = arith.addi %get3A_228, %mul3A_208 : vector<16xi32>
      %add3A_262 = arith.addi %get3A_234, %mul3A_208 : vector<16xi32>
      %add3A_263 = arith.addi %get3A_240, %mul3A_208 : vector<16xi32>
      %add3A_264 = arith.addi %get3A_246, %mul3A_208 : vector<16xi32>
      %add3A_265 = arith.addi %get3A_252, %mul3A_208 : vector<16xi32>
      %add3A_266 = arith.addi %get3A_258, %mul3A_208 : vector<16xi32>
      tpu.vector_store_idx %arg14[%add3A_259], %broadcast_in_dim3A_3 {add = true} : memref<16384xf32, #tpu.memory_space<vmem>>[vector<16xi32>], vector<16xf32>,
      tpu.vector_store_idx %arg14[%add3A_260], %broadcast_in_dim3A_3 {add = true} : memref<16384xf32, #tpu.memory_space<vmem>>[vector<16xi32>], vector<16xf32>,
      tpu.vector_store_idx %arg14[%add3A_261], %broadcast_in_dim3A_3 {add = true} : memref<16384xf32, #tpu.memory_space<vmem>>[vector<16xi32>], vector<16xf32>,
      tpu.vector_store_idx %arg14[%add3A_262], %broadcast_in_dim3A_3 {add = true} : memref<16384xf32, #tpu.memory_space<vmem>>[vector<16xi32>], vector<16xf32>,
      tpu.vector_store_idx %arg14[%add3A_263], %broadcast_in_dim3A_3 {add = true} : memref<16384xf32, #tpu.memory_space<vmem>>[vector<16xi32>], vector<16xf32>,
      tpu.vector_store_idx %arg14[%add3A_264], %broadcast_in_dim3A_3 {add = true} : memref<16384xf32, #tpu.memory_space<vmem>>[vector<16xi32>], vector<16xf32>,
      tpu.vector_store_idx %arg14[%add3A_265], %broadcast_in_dim3A_3 {add = true} : memref<16384xf32, #tpu.memory_space<vmem>>[vector<16xi32>], vector<16xf32>,
      tpu.vector_store_idx %arg14[%add3A_266], %broadcast_in_dim3A_3 {add = true} : memref<16384xf32, #tpu.memory_space<vmem>>[vector<16xi32>], vector<16xf32>,
      %mul3A_267 = arith.constant 16 : i32
      %mul3A_268 = arith.muli %scan3A_201, %mul3A_267 : i32
      %get3A_269 = arith.constant 8 : i32
      %get3A_270 = arith.index_cast %get3A_269 : i32 to index
      %get3A_271 = arith.index_cast %mul3A_268 : i32 to index
      %get3A_272 = tpu.vector_load %arg8[%get3A_270, %get3A_271] {strides = array<i32>} : memref<20x128xi32, #tpu.memory_space<vmem>>, vector<16xi32>,
      %mul3A_273 = arith.constant 16 : i32
      %mul3A_274 = arith.muli %scan3A_201, %mul3A_273 : i32
      %get3A_275 = arith.constant 9 : i32
      %get3A_276 = arith.index_cast %get3A_275 : i32 to index
      %get3A_277 = arith.index_cast %mul3A_274 : i32 to index
      %get3A_278 = tpu.vector_load %arg8[%get3A_276, %get3A_277] {strides = array<i32>} : memref<20x128xi32, #tpu.memory_space<vmem>>, vector<16xi32>,
      %mul3A_279 = arith.constant 16 : i32
      %mul3A_280 = arith.muli %scan3A_201, %mul3A_279 : i32
      %get3A_281 = arith.constant 10 : i32
      %get3A_282 = arith.index_cast %get3A_281 : i32 to index
      %get3A_283 = arith.index_cast %mul3A_280 : i32 to index
      %get3A_284 = tpu.vector_load %arg8[%get3A_282, %get3A_283] {strides = array<i32>} : memref<20x128xi32, #tpu.memory_space<vmem>>, vector<16xi32>,
      %mul3A_285 = arith.constant 16 : i32
      %mul3A_286 = arith.muli %scan3A_201, %mul3A_285 : i32
      %get3A_287 = arith.constant 11 : i32
      %get3A_288 = arith.index_cast %get3A_287 : i32 to index
      %get3A_289 = arith.index_cast %mul3A_286 : i32 to index
      %get3A_290 = tpu.vector_load %arg8[%get3A_288, %get3A_289] {strides = array<i32>} : memref<20x128xi32, #tpu.memory_space<vmem>>, vector<16xi32>,
      %mul3A_291 = arith.constant 16 : i32
      %mul3A_292 = arith.muli %scan3A_201, %mul3A_291 : i32
      %get3A_293 = arith.constant 12 : i32
      %get3A_294 = arith.index_cast %get3A_293 : i32 to index
      %get3A_295 = arith.index_cast %mul3A_292 : i32 to index
      %get3A_296 = tpu.vector_load %arg8[%get3A_294, %get3A_295] {strides = array<i32>} : memref<20x128xi32, #tpu.memory_space<vmem>>, vector<16xi32>,
      %mul3A_297 = arith.constant 16 : i32
      %mul3A_298 = arith.muli %scan3A_201, %mul3A_297 : i32
      %get3A_299 = arith.constant 13 : i32
      %get3A_300 = arith.index_cast %get3A_299 : i32 to index
      %get3A_301 = arith.index_cast %mul3A_298 : i32 to index
      %get3A_302 = tpu.vector_load %arg8[%get3A_300, %get3A_301] {strides = array<i32>} : memref<20x128xi32, #tpu.memory_space<vmem>>, vector<16xi32>,
      %mul3A_303 = arith.constant 16 : i32
      %mul3A_304 = arith.muli %scan3A_201, %mul3A_303 : i32
      %get3A_305 = arith.constant 14 : i32
      %get3A_306 = arith.index_cast %get3A_305 : i32 to index
      %get3A_307 = arith.index_cast %mul3A_304 : i32 to index
      %get3A_308 = tpu.vector_load %arg8[%get3A_306, %get3A_307] {strides = array<i32>} : memref<20x128xi32, #tpu.memory_space<vmem>>, vector<16xi32>,
      %mul3A_309 = arith.constant 16 : i32
      %mul3A_310 = arith.muli %scan3A_201, %mul3A_309 : i32
      %get3A_311 = arith.constant 15 : i32
      %get3A_312 = arith.index_cast %get3A_311 : i32 to index
      %get3A_313 = arith.index_cast %mul3A_310 : i32 to index
      %get3A_314 = tpu.vector_load %arg8[%get3A_312, %get3A_313] {strides = array<i32>} : memref<20x128xi32, #tpu.memory_space<vmem>>, vector<16xi32>,
      %add3A_315 = arith.addi %get3A_272, %mul3A_208 : vector<16xi32>
      %add3A_316 = arith.addi %get3A_278, %mul3A_208 : vector<16xi32>
      %add3A_317 = arith.addi %get3A_284, %mul3A_208 : vector<16xi32>
      %add3A_318 = arith.addi %get3A_290, %mul3A_208 : vector<16xi32>
      %add3A_319 = arith.addi %get3A_296, %mul3A_208 : vector<16xi32>
      %add3A_320 = arith.addi %get3A_302, %mul3A_208 : vector<16xi32>
      %add3A_321 = arith.addi %get3A_308, %mul3A_208 : vector<16xi32>
      %add3A_322 = arith.addi %get3A_314, %mul3A_208 : vector<16xi32>
      tpu.vector_store_idx %arg14[%add3A_315], %broadcast_in_dim3A_3 {add = true} : memref<16384xf32, #tpu.memory_space<vmem>>[vector<16xi32>], vector<16xf32>,
      tpu.vector_store_idx %arg14[%add3A_316], %broadcast_in_dim3A_3 {add = true} : memref<16384xf32, #tpu.memory_space<vmem>>[vector<16xi32>], vector<16xf32>,
      tpu.vector_store_idx %arg14[%add3A_317], %broadcast_in_dim3A_3 {add = true} : memref<16384xf32, #tpu.memory_space<vmem>>[vector<16xi32>], vector<16xf32>,
      tpu.vector_store_idx %arg14[%add3A_318], %broadcast_in_dim3A_3 {add = true} : memref<16384xf32, #tpu.memory_space<vmem>>[vector<16xi32>], vector<16xf32>,
      tpu.vector_store_idx %arg14[%add3A_319], %broadcast_in_dim3A_3 {add = true} : memref<16384xf32, #tpu.memory_space<vmem>>[vector<16xi32>], vector<16xf32>,
      tpu.vector_store_idx %arg14[%add3A_320], %broadcast_in_dim3A_3 {add = true} : memref<16384xf32, #tpu.memory_space<vmem>>[vector<16xi32>], vector<16xf32>,
      tpu.vector_store_idx %arg14[%add3A_321], %broadcast_in_dim3A_3 {add = true} : memref<16384xf32, #tpu.memory_space<vmem>>[vector<16xi32>], vector<16xf32>,
      tpu.vector_store_idx %arg14[%add3A_322], %broadcast_in_dim3A_3 {add = true} : memref<16384xf32, #tpu.memory_space<vmem>>[vector<16xi32>], vector<16xf32>,
      %mul3A_323 = arith.constant 16 : i32
      %mul3A_324 = arith.muli %scan3A_201, %mul3A_323 : i32
      %get3A_325 = arith.constant 16 : i32
      %get3A_326 = arith.index_cast %get3A_325 : i32 to index
      %get3A_327 = arith.index_cast %mul3A_324 : i32 to index
      %get3A_328 = tpu.vector_load %arg8[%get3A_326, %get3A_327] {strides = array<i32>} : memref<20x128xi32, #tpu.memory_space<vmem>>, vector<16xi32>,
      %mul3A_329 = arith.constant 16 : i32
      %mul3A_330 = arith.muli %scan3A_201, %mul3A_329 : i32
      %get3A_331 = arith.constant 17 : i32
      %get3A_332 = arith.index_cast %get3A_331 : i32 to index
      %get3A_333 = arith.index_cast %mul3A_330 : i32 to index
      %get3A_334 = tpu.vector_load %arg8[%get3A_332, %get3A_333] {strides = array<i32>} : memref<20x128xi32, #tpu.memory_space<vmem>>, vector<16xi32>,
      %mul3A_335 = arith.constant 16 : i32
      %mul3A_336 = arith.muli %scan3A_201, %mul3A_335 : i32
      %get3A_337 = arith.constant 18 : i32
      %get3A_338 = arith.index_cast %get3A_337 : i32 to index
      %get3A_339 = arith.index_cast %mul3A_336 : i32 to index
      %get3A_340 = tpu.vector_load %arg8[%get3A_338, %get3A_339] {strides = array<i32>} : memref<20x128xi32, #tpu.memory_space<vmem>>, vector<16xi32>,
      %mul3A_341 = arith.constant 16 : i32
      %mul3A_342 = arith.muli %scan3A_201, %mul3A_341 : i32
      %get3A_343 = arith.constant 19 : i32
      %get3A_344 = arith.index_cast %get3A_343 : i32 to index
      %get3A_345 = arith.index_cast %mul3A_342 : i32 to index
      %get3A_346 = tpu.vector_load %arg8[%get3A_344, %get3A_345] {strides = array<i32>} : memref<20x128xi32, #tpu.memory_space<vmem>>, vector<16xi32>,
      %mul3A_347 = arith.constant 16 : i32
      %mul3A_348 = arith.muli %scan3A_201, %mul3A_347 : i32
      %get3A_349 = arith.constant 0 : i32
      %get3A_350 = arith.index_cast %get3A_349 : i32 to index
      %get3A_351 = arith.index_cast %mul3A_348 : i32 to index
      %get3A_352 = tpu.vector_load %arg9[%get3A_350, %get3A_351] {strides = array<i32>} : memref<7x128xi32, #tpu.memory_space<vmem>>, vector<16xi32>,
      %mul3A_353 = arith.constant 16 : i32
      %mul3A_354 = arith.muli %scan3A_201, %mul3A_353 : i32
      %get3A_355 = arith.constant 1 : i32
      %get3A_356 = arith.index_cast %get3A_355 : i32 to index
      %get3A_357 = arith.index_cast %mul3A_354 : i32 to index
      %get3A_358 = tpu.vector_load %arg9[%get3A_356, %get3A_357] {strides = array<i32>} : memref<7x128xi32, #tpu.memory_space<vmem>>, vector<16xi32>,
      %mul3A_359 = arith.constant 16 : i32
      %mul3A_360 = arith.muli %scan3A_201, %mul3A_359 : i32
      %get3A_361 = arith.constant 2 : i32
      %get3A_362 = arith.index_cast %get3A_361 : i32 to index
      %get3A_363 = arith.index_cast %mul3A_360 : i32 to index
      %get3A_364 = tpu.vector_load %arg9[%get3A_362, %get3A_363] {strides = array<i32>} : memref<7x128xi32, #tpu.memory_space<vmem>>, vector<16xi32>,
      %mul3A_365 = arith.constant 16 : i32
      %mul3A_366 = arith.muli %scan3A_201, %mul3A_365 : i32
      %get3A_367 = arith.constant 3 : i32
      %get3A_368 = arith.index_cast %get3A_367 : i32 to index
      %get3A_369 = arith.index_cast %mul3A_366 : i32 to index
      %get3A_370 = tpu.vector_load %arg9[%get3A_368, %get3A_369] {strides = array<i32>} : memref<7x128xi32, #tpu.memory_space<vmem>>, vector<16xi32>,
      %add3A_371 = arith.addi %get3A_328, %mul3A_208 : vector<16xi32>
      %add3A_372 = arith.addi %get3A_334, %mul3A_208 : vector<16xi32>
      %add3A_373 = arith.addi %get3A_340, %mul3A_208 : vector<16xi32>
      %add3A_374 = arith.addi %get3A_346, %mul3A_208 : vector<16xi32>
      %add3A_375 = arith.addi %get3A_352, %add3A_211 : vector<16xi32>
      %add3A_376 = arith.addi %get3A_358, %add3A_211 : vector<16xi32>
      %add3A_377 = arith.addi %get3A_364, %add3A_211 : vector<16xi32>
      %add3A_378 = arith.addi %get3A_370, %add3A_211 : vector<16xi32>
      tpu.vector_store_idx %arg14[%add3A_371], %broadcast_in_dim3A_3 {add = true} : memref<16384xf32, #tpu.memory_space<vmem>>[vector<16xi32>], vector<16xf32>,
      tpu.vector_store_idx %arg14[%add3A_372], %broadcast_in_dim3A_3 {add = true} : memref<16384xf32, #tpu.memory_space<vmem>>[vector<16xi32>], vector<16xf32>,
      tpu.vector_store_idx %arg14[%add3A_373], %broadcast_in_dim3A_3 {add = true} : memref<16384xf32, #tpu.memory_space<vmem>>[vector<16xi32>], vector<16xf32>,
      tpu.vector_store_idx %arg14[%add3A_374], %broadcast_in_dim3A_3 {add = true} : memref<16384xf32, #tpu.memory_space<vmem>>[vector<16xi32>], vector<16xf32>,
      tpu.vector_store_idx %arg14[%add3A_375], %broadcast_in_dim3A_3 {add = true} : memref<16384xf32, #tpu.memory_space<vmem>>[vector<16xi32>], vector<16xf32>,
      tpu.vector_store_idx %arg14[%add3A_376], %broadcast_in_dim3A_3 {add = true} : memref<16384xf32, #tpu.memory_space<vmem>>[vector<16xi32>], vector<16xf32>,
      tpu.vector_store_idx %arg14[%add3A_377], %broadcast_in_dim3A_3 {add = true} : memref<16384xf32, #tpu.memory_space<vmem>>[vector<16xi32>], vector<16xf32>,
      tpu.vector_store_idx %arg14[%add3A_378], %broadcast_in_dim3A_3 {add = true} : memref<16384xf32, #tpu.memory_space<vmem>>[vector<16xi32>], vector<16xf32>,
      %mul3A_379 = arith.constant 16 : i32
      %mul3A_380 = arith.muli %scan3A_201, %mul3A_379 : i32
      %get3A_381 = arith.constant 4 : i32
      %get3A_382 = arith.index_cast %get3A_381 : i32 to index
      %get3A_383 = arith.index_cast %mul3A_380 : i32 to index
      %get3A_384 = tpu.vector_load %arg9[%get3A_382, %get3A_383] {strides = array<i32>} : memref<7x128xi32, #tpu.memory_space<vmem>>, vector<16xi32>,
      %mul3A_385 = arith.constant 16 : i32
      %mul3A_386 = arith.muli %scan3A_201, %mul3A_385 : i32
      %get3A_387 = arith.constant 5 : i32
      %get3A_388 = arith.index_cast %get3A_387 : i32 to index
      %get3A_389 = arith.index_cast %mul3A_386 : i32 to index
      %get3A_390 = tpu.vector_load %arg9[%get3A_388, %get3A_389] {strides = array<i32>} : memref<7x128xi32, #tpu.memory_space<vmem>>, vector<16xi32>,
      %mul3A_391 = arith.constant 16 : i32
      %mul3A_392 = arith.muli %scan3A_201, %mul3A_391 : i32
      %get3A_393 = arith.constant 6 : i32
      %get3A_394 = arith.index_cast %get3A_393 : i32 to index
      %get3A_395 = arith.index_cast %mul3A_392 : i32 to index
      %get3A_396 = tpu.vector_load %arg9[%get3A_394, %get3A_395] {strides = array<i32>} : memref<7x128xi32, #tpu.memory_space<vmem>>, vector<16xi32>,
      %add3A_397 = arith.addi %get3A_384, %add3A_211 : vector<16xi32>
      %add3A_398 = arith.addi %get3A_390, %add3A_211 : vector<16xi32>
      %add3A_399 = arith.addi %get3A_396, %add3A_211 : vector<16xi32>
      tpu.vector_store_idx %arg14[%add3A_397], %broadcast_in_dim3A_3 {add = true} : memref<16384xf32, #tpu.memory_space<vmem>>[vector<16xi32>], vector<16xf32>,
      tpu.vector_store_idx %arg14[%add3A_398], %broadcast_in_dim3A_3 {add = true} : memref<16384xf32, #tpu.memory_space<vmem>>[vector<16xi32>], vector<16xf32>,
      tpu.vector_store_idx %arg14[%add3A_399], %broadcast_in_dim3A_3 {add = true} : memref<16384xf32, #tpu.memory_space<vmem>>[vector<16xi32>], vector<16xf32>,
      %mul3A_400 = arith.constant 16 : i32
      %mul3A_401 = arith.muli %scan3A_201, %mul3A_400 : i32
      %get3A_402 = arith.index_cast %mul3A_401 : i32 to index
      %get3A_403 = tpu.vector_load %arg10[%get3A_402] {strides = array<i32>} : memref<128xi32, #tpu.memory_space<vmem>>, vector<16xi32>,
      %mul3A_404 = arith.constant 16 : i32
      %mul3A_405 = arith.muli %scan3A_201, %mul3A_404 : i32
      %get3A_406 = arith.index_cast %mul3A_405 : i32 to index
      %get3A_407 = tpu.vector_load %arg11[%get3A_406] {strides = array<i32>} : memref<128xi32, #tpu.memory_space<vmem>>, vector<16xi32>,
      %mul3A_408 = arith.constant 16 : i32
      %mul3A_409 = arith.muli %scan3A_201, %mul3A_408 : i32
      %get3A_410 = arith.index_cast %mul3A_409 : i32 to index
      %get3A_411 = tpu.vector_load %arg12[%get3A_410] {strides = array<i32>} : memref<128xf32, #tpu.memory_space<vmem>>, vector<16xf32>,
      %add3A_412 = arith.constant 60 : i32
      %add3A_413 = vector.broadcast %add3A_412 : i32 to vector<16xi32>
      %add3A_414 = arith.addi %mul3A_208, %add3A_413 : vector<16xi32>
      %add3A_415 = arith.addi %get3A_403, %add3A_414 : vector<16xi32>
      tpu.vector_store_idx %arg14[%add3A_415], %broadcast_in_dim3A_3 {add = true} : memref<16384xf32, #tpu.memory_space<vmem>>[vector<16xi32>], vector<16xf32>,
      %add3A_416 = arith.constant 62 : i32
      %add3A_417 = vector.broadcast %add3A_416 : i32 to vector<16xi32>
      %add3A_418 = arith.addi %mul3A_208, %add3A_417 : vector<16xi32>
      %add3A_419 = arith.addi %get3A_407, %add3A_418 : vector<16xi32>
      tpu.vector_store_idx %arg14[%add3A_419], %broadcast_in_dim3A_3 {add = true} : memref<16384xf32, #tpu.memory_space<vmem>>[vector<16xi32>], vector<16xf32>,
      %add3A_420 = arith.constant 64 : i32
      %add3A_421 = vector.broadcast %add3A_420 : i32 to vector<16xi32>
      %add3A_422 = arith.addi %mul3A_208, %add3A_421 : vector<16xi32>
      tpu.vector_store_idx %arg14[%add3A_422], %get3A_411 : memref<16384xf32, #tpu.memory_space<vmem>>[vector<16xi32>], vector<16xf32>,
    }
    %scan3A_92 = arith.constant 8 : i32
    %mul3A_93 = arith.constant 128 : i32
    %mul3A_94 = arith.muli %add3A_52, %mul3A_93 : i32
    %dma_start3A_95 = tpu.memref_slice %arg7[%mul3A_94] : memref<2097152xf32, #tpu.memory_space<hbm>> -> memref<16384xf32, #tpu.memory_space<hbm>>
    %dma_start3A_96 = tpu.memref_slice %arg7[%mul3A_94] : memref<2097152xf32, #tpu.memory_space<hbm>> -> memref<16384xf32, #tpu.memory_space<hbm>>
    tpu.enqueue_dma source(%arg14 : memref<16384xf32, #tpu.memory_space<vmem>>) target(%dma_start3A_96 : memref<16384xf32, #tpu.memory_space<hbm>>) target_semaphore(%arg16 : memref<!tpu.dma_semaphore, #tpu.memory_space<semaphore_mem>>)
    %mul3A_97 = arith.constant 512 : i32
    %mul3A_98 = arith.muli %add3A, %mul3A_97 : i32
    %add3A_99 = arith.constant 256 : i32
    %add3A_100 = arith.addi %mul3A_98, %add3A_99 : i32
    %dma_wait3A_101 = tpu.memref_slice %arg7[%mul3A_46] : memref<2097152xf32, #tpu.memory_space<hbm>> -> memref<16384xf32, #tpu.memory_space<hbm>>
    %dma_wait3A_102 = tpu.memref_slice %arg7[%mul3A_46] : memref<2097152xf32, #tpu.memory_space<hbm>> -> memref<16384xf32, #tpu.memory_space<hbm>>
    tpu.wait_dma2 semaphore(%arg16 : memref<!tpu.dma_semaphore, #tpu.memory_space<semaphore_mem>>) src(%arg13 : memref<16384xf32, #tpu.memory_space<vmem>>) dst(%dma_wait3A_102 : memref<16384xf32, #tpu.memory_space<hbm>>)
    %dma_start3A_103 = arith.constant 0 : i32
    %dma_start3A_104 = tpu.memref_slice %arg2[%dma_start3A_103, %add3A_100] : memref<20x16384xi32, #tpu.memory_space<hbm>> -> memref<20x128xi32, #tpu.memory_space<hbm>>
    %dma_start3A_105 = arith.constant 0 : i32
    %dma_start3A_106 = tpu.memref_slice %arg2[%dma_start3A_105, %add3A_100] : memref<20x16384xi32, #tpu.memory_space<hbm>> -> memref<20x128xi32, #tpu.memory_space<hbm>>
    tpu.enqueue_dma source(%dma_start3A_106 : memref<20x128xi32, #tpu.memory_space<hbm>>) target(%arg8 : memref<20x128xi32, #tpu.memory_space<vmem>>) target_semaphore(%arg15 : memref<!tpu.dma_semaphore, #tpu.memory_space<semaphore_mem>>)
    %dma_start3A_107 = arith.constant 0 : i32
    %dma_start3A_108 = tpu.memref_slice %arg3[%dma_start3A_107, %add3A_100] : memref<7x16384xi32, #tpu.memory_space<hbm>> -> memref<7x128xi32, #tpu.memory_space<hbm>>
    %dma_start3A_109 = arith.constant 0 : i32
    %dma_start3A_110 = tpu.memref_slice %arg3[%dma_start3A_109, %add3A_100] : memref<7x16384xi32, #tpu.memory_space<hbm>> -> memref<7x128xi32, #tpu.memory_space<hbm>>
    tpu.enqueue_dma source(%dma_start3A_110 : memref<7x128xi32, #tpu.memory_space<hbm>>) target(%arg9 : memref<7x128xi32, #tpu.memory_space<vmem>>) target_semaphore(%arg15 : memref<!tpu.dma_semaphore, #tpu.memory_space<semaphore_mem>>)
    %dma_start3A_111 = tpu.memref_slice %arg4[%add3A_100] : memref<16384xi32, #tpu.memory_space<hbm>> -> memref<128xi32, #tpu.memory_space<hbm>>
    %dma_start3A_112 = tpu.memref_slice %arg4[%add3A_100] : memref<16384xi32, #tpu.memory_space<hbm>> -> memref<128xi32, #tpu.memory_space<hbm>>
    tpu.enqueue_dma source(%dma_start3A_112 : memref<128xi32, #tpu.memory_space<hbm>>) target(%arg10 : memref<128xi32, #tpu.memory_space<vmem>>) target_semaphore(%arg15 : memref<!tpu.dma_semaphore, #tpu.memory_space<semaphore_mem>>)
    %dma_start3A_113 = tpu.memref_slice %arg5[%add3A_100] : memref<16384xi32, #tpu.memory_space<hbm>> -> memref<128xi32, #tpu.memory_space<hbm>>
    %dma_start3A_114 = tpu.memref_slice %arg5[%add3A_100] : memref<16384xi32, #tpu.memory_space<hbm>> -> memref<128xi32, #tpu.memory_space<hbm>>
    tpu.enqueue_dma source(%dma_start3A_114 : memref<128xi32, #tpu.memory_space<hbm>>) target(%arg11 : memref<128xi32, #tpu.memory_space<vmem>>) target_semaphore(%arg15 : memref<!tpu.dma_semaphore, #tpu.memory_space<semaphore_mem>>)
    %dma_start3A_115 = tpu.memref_slice %arg6[%add3A_100] : memref<16384xf32, #tpu.memory_space<hbm>> -> memref<128xf32, #tpu.memory_space<hbm>>
    %dma_start3A_116 = tpu.memref_slice %arg6[%add3A_100] : memref<16384xf32, #tpu.memory_space<hbm>> -> memref<128xf32, #tpu.memory_space<hbm>>
    tpu.enqueue_dma source(%dma_start3A_116 : memref<128xf32, #tpu.memory_space<hbm>>) target(%arg12 : memref<128xf32, #tpu.memory_space<vmem>>) target_semaphore(%arg15 : memref<!tpu.dma_semaphore, #tpu.memory_space<semaphore_mem>>)
    %scan3A_117 = arith.constant 0 : i32
    %scan3A_118 = arith.constant 0 : i32
    %scan3A_119 = arith.constant 128 : i32
    %scan3A_120 = arith.addi %scan3A_118, %scan3A_119 : i32
    %scan3A_121 = arith.constant 4 : i32
    scf.for %scan3A_201 = %scan3A_118 to %scan3A_120 step %scan3A_121  : i32 {
      %mul3A_202 = arith.constant 128 : i32
      %mul3A_203 = arith.muli %scan3A_201, %mul3A_202 : i32
      %add3A_204 = arith.constant 0 : i32
      %add3A_205 = arith.addi %mul3A_203, %add3A_204 : i32
      %swap3A = arith.index_cast %add3A_205 : i32 to index
      %swap3A_206 = tpu.vector_load %arg13[%swap3A] {strides = array<i32>} : memref<16384xf32, #tpu.memory_space<vmem>>, vector<16xf32>,
      tpu.vector_store %arg13[%swap3A], %broadcast_in_dim3A_1 {strides = array<i32>} : memref<16384xf32, #tpu.memory_space<vmem>>, vector<16xf32>,
      %mul3A_207 = arith.constant 128 : i32
      %mul3A_208 = arith.muli %scan3A_201, %mul3A_207 : i32
      %add3A_209 = arith.constant 16 : i32
      %add3A_210 = arith.addi %mul3A_208, %add3A_209 : i32
      %swap3A_211 = arith.index_cast %add3A_210 : i32 to index
      %swap3A_212 = tpu.vector_load %arg13[%swap3A_211] {strides = array<i32>} : memref<16384xf32, #tpu.memory_space<vmem>>, vector<16xf32>,
      tpu.vector_store %arg13[%swap3A_211], %broadcast_in_dim3A_1 {strides = array<i32>} : memref<16384xf32, #tpu.memory_space<vmem>>, vector<16xf32>,
      %mul3A_213 = arith.constant 128 : i32
      %mul3A_214 = arith.muli %scan3A_201, %mul3A_213 : i32
      %add3A_215 = arith.constant 32 : i32
      %add3A_216 = arith.addi %mul3A_214, %add3A_215 : i32
      %swap3A_217 = arith.index_cast %add3A_216 : i32 to index
      %swap3A_218 = tpu.vector_load %arg13[%swap3A_217] {strides = array<i32>} : memref<16384xf32, #tpu.memory_space<vmem>>, vector<16xf32>,
      tpu.vector_store %arg13[%swap3A_217], %broadcast_in_dim3A_1 {strides = array<i32>} : memref<16384xf32, #tpu.memory_space<vmem>>, vector<16xf32>,
      %mul3A_219 = arith.constant 128 : i32
      %mul3A_220 = arith.muli %scan3A_201, %mul3A_219 : i32
      %add3A_221 = arith.constant 48 : i32
      %add3A_222 = arith.addi %mul3A_220, %add3A_221 : i32
      %swap3A_223 = arith.index_cast %add3A_222 : i32 to index
      %swap3A_224 = tpu.vector_load %arg13[%swap3A_223] {strides = array<i32>} : memref<16384xf32, #tpu.memory_space<vmem>>, vector<16xf32>,
      tpu.vector_store %arg13[%swap3A_223], %broadcast_in_dim3A_1 {strides = array<i32>} : memref<16384xf32, #tpu.memory_space<vmem>>, vector<16xf32>,
      %scan3A_225 = arith.constant 1 : i32
      %scan3A_226 = arith.addi %scan3A_201, %scan3A_225 : i32
      %mul3A_227 = arith.constant 128 : i32
      %mul3A_228 = arith.muli %scan3A_226, %mul3A_227 : i32
      %add3A_229 = arith.constant 0 : i32
      %add3A_230 = arith.addi %mul3A_228, %add3A_229 : i32
      %swap3A_231 = arith.index_cast %add3A_230 : i32 to index
      %swap3A_232 = tpu.vector_load %arg13[%swap3A_231] {strides = array<i32>} : memref<16384xf32, #tpu.memory_space<vmem>>, vector<16xf32>,
      tpu.vector_store %arg13[%swap3A_231], %broadcast_in_dim3A_1 {strides = array<i32>} : memref<16384xf32, #tpu.memory_space<vmem>>, vector<16xf32>,
      %mul3A_233 = arith.constant 128 : i32
      %mul3A_234 = arith.muli %scan3A_226, %mul3A_233 : i32
      %add3A_235 = arith.constant 16 : i32
      %add3A_236 = arith.addi %mul3A_234, %add3A_235 : i32
      %swap3A_237 = arith.index_cast %add3A_236 : i32 to index
      %swap3A_238 = tpu.vector_load %arg13[%swap3A_237] {strides = array<i32>} : memref<16384xf32, #tpu.memory_space<vmem>>, vector<16xf32>,
      tpu.vector_store %arg13[%swap3A_237], %broadcast_in_dim3A_1 {strides = array<i32>} : memref<16384xf32, #tpu.memory_space<vmem>>, vector<16xf32>,
      %mul3A_239 = arith.constant 128 : i32
      %mul3A_240 = arith.muli %scan3A_226, %mul3A_239 : i32
      %add3A_241 = arith.constant 32 : i32
      %add3A_242 = arith.addi %mul3A_240, %add3A_241 : i32
      %swap3A_243 = arith.index_cast %add3A_242 : i32 to index
      %swap3A_244 = tpu.vector_load %arg13[%swap3A_243] {strides = array<i32>} : memref<16384xf32, #tpu.memory_space<vmem>>, vector<16xf32>,
      tpu.vector_store %arg13[%swap3A_243], %broadcast_in_dim3A_1 {strides = array<i32>} : memref<16384xf32, #tpu.memory_space<vmem>>, vector<16xf32>,
      %mul3A_245 = arith.constant 128 : i32
      %mul3A_246 = arith.muli %scan3A_226, %mul3A_245 : i32
      %add3A_247 = arith.constant 48 : i32
      %add3A_248 = arith.addi %mul3A_246, %add3A_247 : i32
      %swap3A_249 = arith.index_cast %add3A_248 : i32 to index
      %swap3A_250 = tpu.vector_load %arg13[%swap3A_249] {strides = array<i32>} : memref<16384xf32, #tpu.memory_space<vmem>>, vector<16xf32>,
      tpu.vector_store %arg13[%swap3A_249], %broadcast_in_dim3A_1 {strides = array<i32>} : memref<16384xf32, #tpu.memory_space<vmem>>, vector<16xf32>,
      %scan3A_251 = arith.constant 2 : i32
      %scan3A_252 = arith.addi %scan3A_201, %scan3A_251 : i32
      %mul3A_253 = arith.constant 128 : i32
      %mul3A_254 = arith.muli %scan3A_252, %mul3A_253 : i32
      %add3A_255 = arith.constant 0 : i32
      %add3A_256 = arith.addi %mul3A_254, %add3A_255 : i32
      %swap3A_257 = arith.index_cast %add3A_256 : i32 to index
      %swap3A_258 = tpu.vector_load %arg13[%swap3A_257] {strides = array<i32>} : memref<16384xf32, #tpu.memory_space<vmem>>, vector<16xf32>,
      tpu.vector_store %arg13[%swap3A_257], %broadcast_in_dim3A_1 {strides = array<i32>} : memref<16384xf32, #tpu.memory_space<vmem>>, vector<16xf32>,
      %mul3A_259 = arith.constant 128 : i32
      %mul3A_260 = arith.muli %scan3A_252, %mul3A_259 : i32
      %add3A_261 = arith.constant 16 : i32
      %add3A_262 = arith.addi %mul3A_260, %add3A_261 : i32
      %swap3A_263 = arith.index_cast %add3A_262 : i32 to index
      %swap3A_264 = tpu.vector_load %arg13[%swap3A_263] {strides = array<i32>} : memref<16384xf32, #tpu.memory_space<vmem>>, vector<16xf32>,
      tpu.vector_store %arg13[%swap3A_263], %broadcast_in_dim3A_1 {strides = array<i32>} : memref<16384xf32, #tpu.memory_space<vmem>>, vector<16xf32>,
      %mul3A_265 = arith.constant 128 : i32
      %mul3A_266 = arith.muli %scan3A_252, %mul3A_265 : i32
      %add3A_267 = arith.constant 32 : i32
      %add3A_268 = arith.addi %mul3A_266, %add3A_267 : i32
      %swap3A_269 = arith.index_cast %add3A_268 : i32 to index
      %swap3A_270 = tpu.vector_load %arg13[%swap3A_269] {strides = array<i32>} : memref<16384xf32, #tpu.memory_space<vmem>>, vector<16xf32>,
      tpu.vector_store %arg13[%swap3A_269], %broadcast_in_dim3A_1 {strides = array<i32>} : memref<16384xf32, #tpu.memory_space<vmem>>, vector<16xf32>,
      %mul3A_271 = arith.constant 128 : i32
      %mul3A_272 = arith.muli %scan3A_252, %mul3A_271 : i32
      %add3A_273 = arith.constant 48 : i32
      %add3A_274 = arith.addi %mul3A_272, %add3A_273 : i32
      %swap3A_275 = arith.index_cast %add3A_274 : i32 to index
      %swap3A_276 = tpu.vector_load %arg13[%swap3A_275] {strides = array<i32>} : memref<16384xf32, #tpu.memory_space<vmem>>, vector<16xf32>,
      tpu.vector_store %arg13[%swap3A_275], %broadcast_in_dim3A_1 {strides = array<i32>} : memref<16384xf32, #tpu.memory_space<vmem>>, vector<16xf32>,
      %scan3A_277 = arith.constant 3 : i32
      %scan3A_278 = arith.addi %scan3A_201, %scan3A_277 : i32
      %mul3A_279 = arith.constant 128 : i32
      %mul3A_280 = arith.muli %scan3A_278, %mul3A_279 : i32
      %add3A_281 = arith.constant 0 : i32
      %add3A_282 = arith.addi %mul3A_280, %add3A_281 : i32
      %swap3A_283 = arith.index_cast %add3A_282 : i32 to index
      %swap3A_284 = tpu.vector_load %arg13[%swap3A_283] {strides = array<i32>} : memref<16384xf32, #tpu.memory_space<vmem>>, vector<16xf32>,
      tpu.vector_store %arg13[%swap3A_283], %broadcast_in_dim3A_1 {strides = array<i32>} : memref<16384xf32, #tpu.memory_space<vmem>>, vector<16xf32>,
      %mul3A_285 = arith.constant 128 : i32
      %mul3A_286 = arith.muli %scan3A_278, %mul3A_285 : i32
      %add3A_287 = arith.constant 16 : i32
      %add3A_288 = arith.addi %mul3A_286, %add3A_287 : i32
      %swap3A_289 = arith.index_cast %add3A_288 : i32 to index
      %swap3A_290 = tpu.vector_load %arg13[%swap3A_289] {strides = array<i32>} : memref<16384xf32, #tpu.memory_space<vmem>>, vector<16xf32>,
      tpu.vector_store %arg13[%swap3A_289], %broadcast_in_dim3A_1 {strides = array<i32>} : memref<16384xf32, #tpu.memory_space<vmem>>, vector<16xf32>,
      %mul3A_291 = arith.constant 128 : i32
      %mul3A_292 = arith.muli %scan3A_278, %mul3A_291 : i32
      %add3A_293 = arith.constant 32 : i32
      %add3A_294 = arith.addi %mul3A_292, %add3A_293 : i32
      %swap3A_295 = arith.index_cast %add3A_294 : i32 to index
      %swap3A_296 = tpu.vector_load %arg13[%swap3A_295] {strides = array<i32>} : memref<16384xf32, #tpu.memory_space<vmem>>, vector<16xf32>,
      tpu.vector_store %arg13[%swap3A_295], %broadcast_in_dim3A_1 {strides = array<i32>} : memref<16384xf32, #tpu.memory_space<vmem>>, vector<16xf32>,
      %mul3A_297 = arith.constant 128 : i32
      %mul3A_298 = arith.muli %scan3A_278, %mul3A_297 : i32
      %add3A_299 = arith.constant 48 : i32
      %add3A_300 = arith.addi %mul3A_298, %add3A_299 : i32
      %swap3A_301 = arith.index_cast %add3A_300 : i32 to index
      %swap3A_302 = tpu.vector_load %arg13[%swap3A_301] {strides = array<i32>} : memref<16384xf32, #tpu.memory_space<vmem>>, vector<16xf32>,
      tpu.vector_store %arg13[%swap3A_301], %broadcast_in_dim3A_1 {strides = array<i32>} : memref<16384xf32, #tpu.memory_space<vmem>>, vector<16xf32>,
    }
    %scan3A_122 = arith.constant 128 : i32
    %dma_wait3A_123 = arith.constant 0 : i32
    %dma_wait3A_124 = tpu.memref_slice %arg2[%dma_wait3A_123, %add3A_100] : memref<20x16384xi32, #tpu.memory_space<hbm>> -> memref<20x128xi32, #tpu.memory_space<hbm>>
    %dma_wait3A_125 = arith.constant 0 : i32
    %dma_wait3A_126 = tpu.memref_slice %arg2[%dma_wait3A_125, %add3A_100] : memref<20x16384xi32, #tpu.memory_space<hbm>> -> memref<20x128xi32, #tpu.memory_space<hbm>>
    tpu.wait_dma2 semaphore(%arg15 : memref<!tpu.dma_semaphore, #tpu.memory_space<semaphore_mem>>) src(%dma_wait3A_126 : memref<20x128xi32, #tpu.memory_space<hbm>>) dst(%arg8 : memref<20x128xi32, #tpu.memory_space<vmem>>)
    %dma_wait3A_127 = arith.constant 0 : i32
    %dma_wait3A_128 = tpu.memref_slice %arg3[%dma_wait3A_127, %add3A_100] : memref<7x16384xi32, #tpu.memory_space<hbm>> -> memref<7x128xi32, #tpu.memory_space<hbm>>
    %dma_wait3A_129 = arith.constant 0 : i32
    %dma_wait3A_130 = tpu.memref_slice %arg3[%dma_wait3A_129, %add3A_100] : memref<7x16384xi32, #tpu.memory_space<hbm>> -> memref<7x128xi32, #tpu.memory_space<hbm>>
    tpu.wait_dma2 semaphore(%arg15 : memref<!tpu.dma_semaphore, #tpu.memory_space<semaphore_mem>>) src(%dma_wait3A_130 : memref<7x128xi32, #tpu.memory_space<hbm>>) dst(%arg9 : memref<7x128xi32, #tpu.memory_space<vmem>>)
    %dma_wait3A_131 = tpu.memref_slice %arg4[%add3A_100] : memref<16384xi32, #tpu.memory_space<hbm>> -> memref<128xi32, #tpu.memory_space<hbm>>
    %dma_wait3A_132 = tpu.memref_slice %arg4[%add3A_100] : memref<16384xi32, #tpu.memory_space<hbm>> -> memref<128xi32, #tpu.memory_space<hbm>>
    tpu.wait_dma2 semaphore(%arg15 : memref<!tpu.dma_semaphore, #tpu.memory_space<semaphore_mem>>) src(%dma_wait3A_132 : memref<128xi32, #tpu.memory_space<hbm>>) dst(%arg10 : memref<128xi32, #tpu.memory_space<vmem>>)
    %dma_wait3A_133 = tpu.memref_slice %arg5[%add3A_100] : memref<16384xi32, #tpu.memory_space<hbm>> -> memref<128xi32, #tpu.memory_space<hbm>>
    %dma_wait3A_134 = tpu.memref_slice %arg5[%add3A_100] : memref<16384xi32, #tpu.memory_space<hbm>> -> memref<128xi32, #tpu.memory_space<hbm>>
    tpu.wait_dma2 semaphore(%arg15 : memref<!tpu.dma_semaphore, #tpu.memory_space<semaphore_mem>>) src(%dma_wait3A_134 : memref<128xi32, #tpu.memory_space<hbm>>) dst(%arg11 : memref<128xi32, #tpu.memory_space<vmem>>)
    %dma_wait3A_135 = tpu.memref_slice %arg6[%add3A_100] : memref<16384xf32, #tpu.memory_space<hbm>> -> memref<128xf32, #tpu.memory_space<hbm>>
    %dma_wait3A_136 = tpu.memref_slice %arg6[%add3A_100] : memref<16384xf32, #tpu.memory_space<hbm>> -> memref<128xf32, #tpu.memory_space<hbm>>
    tpu.wait_dma2 semaphore(%arg15 : memref<!tpu.dma_semaphore, #tpu.memory_space<semaphore_mem>>) src(%dma_wait3A_136 : memref<128xf32, #tpu.memory_space<hbm>>) dst(%arg12 : memref<128xf32, #tpu.memory_space<vmem>>)
    %scan3A_137 = arith.constant 0 : i32
    %scan3A_138 = arith.constant 0 : i32
    %scan3A_139 = arith.constant 8 : i32
    %scan3A_140 = arith.addi %scan3A_138, %scan3A_139 : i32
    %scan3A_141 = arith.constant 1 : i32
    scf.for %scan3A_201 = %scan3A_138 to %scan3A_140 step %scan3A_141  : i32 {
      %mul3A_202 = arith.constant 16 : i32
      %mul3A_203 = arith.muli %scan3A_201, %mul3A_202 : i32
      %add3A_204 = vector.broadcast %mul3A_203 : i32 to vector<16xi32>
      %add3A_205 = arith.addi %iota3A, %add3A_204 : vector<16xi32>
      %mul3A_206 = arith.constant 128 : i32
      %mul3A_207 = vector.broadcast %mul3A_206 : i32 to vector<16xi32>
      %mul3A_208 = arith.muli %add3A_205, %mul3A_207 : vector<16xi32>
      %add3A_209 = arith.constant 52 : i32
      %add3A_210 = vector.broadcast %add3A_209 : i32 to vector<16xi32>
      %add3A_211 = arith.addi %mul3A_208, %add3A_210 : vector<16xi32>
      %mul3A_212 = arith.constant 16 : i32
      %mul3A_213 = arith.muli %scan3A_201, %mul3A_212 : i32
      %get3A = arith.constant 0 : i32
      %get3A_214 = arith.index_cast %get3A : i32 to index
      %get3A_215 = arith.index_cast %mul3A_213 : i32 to index
      %get3A_216 = tpu.vector_load %arg8[%get3A_214, %get3A_215] {strides = array<i32>} : memref<20x128xi32, #tpu.memory_space<vmem>>, vector<16xi32>,
      %mul3A_217 = arith.constant 16 : i32
      %mul3A_218 = arith.muli %scan3A_201, %mul3A_217 : i32
      %get3A_219 = arith.constant 1 : i32
      %get3A_220 = arith.index_cast %get3A_219 : i32 to index
      %get3A_221 = arith.index_cast %mul3A_218 : i32 to index
      %get3A_222 = tpu.vector_load %arg8[%get3A_220, %get3A_221] {strides = array<i32>} : memref<20x128xi32, #tpu.memory_space<vmem>>, vector<16xi32>,
      %mul3A_223 = arith.constant 16 : i32
      %mul3A_224 = arith.muli %scan3A_201, %mul3A_223 : i32
      %get3A_225 = arith.constant 2 : i32
      %get3A_226 = arith.index_cast %get3A_225 : i32 to index
      %get3A_227 = arith.index_cast %mul3A_224 : i32 to index
      %get3A_228 = tpu.vector_load %arg8[%get3A_226, %get3A_227] {strides = array<i32>} : memref<20x128xi32, #tpu.memory_space<vmem>>, vector<16xi32>,
      %mul3A_229 = arith.constant 16 : i32
      %mul3A_230 = arith.muli %scan3A_201, %mul3A_229 : i32
      %get3A_231 = arith.constant 3 : i32
      %get3A_232 = arith.index_cast %get3A_231 : i32 to index
      %get3A_233 = arith.index_cast %mul3A_230 : i32 to index
      %get3A_234 = tpu.vector_load %arg8[%get3A_232, %get3A_233] {strides = array<i32>} : memref<20x128xi32, #tpu.memory_space<vmem>>, vector<16xi32>,
      %mul3A_235 = arith.constant 16 : i32
      %mul3A_236 = arith.muli %scan3A_201, %mul3A_235 : i32
      %get3A_237 = arith.constant 4 : i32
      %get3A_238 = arith.index_cast %get3A_237 : i32 to index
      %get3A_239 = arith.index_cast %mul3A_236 : i32 to index
      %get3A_240 = tpu.vector_load %arg8[%get3A_238, %get3A_239] {strides = array<i32>} : memref<20x128xi32, #tpu.memory_space<vmem>>, vector<16xi32>,
      %mul3A_241 = arith.constant 16 : i32
      %mul3A_242 = arith.muli %scan3A_201, %mul3A_241 : i32
      %get3A_243 = arith.constant 5 : i32
      %get3A_244 = arith.index_cast %get3A_243 : i32 to index
      %get3A_245 = arith.index_cast %mul3A_242 : i32 to index
      %get3A_246 = tpu.vector_load %arg8[%get3A_244, %get3A_245] {strides = array<i32>} : memref<20x128xi32, #tpu.memory_space<vmem>>, vector<16xi32>,
      %mul3A_247 = arith.constant 16 : i32
      %mul3A_248 = arith.muli %scan3A_201, %mul3A_247 : i32
      %get3A_249 = arith.constant 6 : i32
      %get3A_250 = arith.index_cast %get3A_249 : i32 to index
      %get3A_251 = arith.index_cast %mul3A_248 : i32 to index
      %get3A_252 = tpu.vector_load %arg8[%get3A_250, %get3A_251] {strides = array<i32>} : memref<20x128xi32, #tpu.memory_space<vmem>>, vector<16xi32>,
      %mul3A_253 = arith.constant 16 : i32
      %mul3A_254 = arith.muli %scan3A_201, %mul3A_253 : i32
      %get3A_255 = arith.constant 7 : i32
      %get3A_256 = arith.index_cast %get3A_255 : i32 to index
      %get3A_257 = arith.index_cast %mul3A_254 : i32 to index
      %get3A_258 = tpu.vector_load %arg8[%get3A_256, %get3A_257] {strides = array<i32>} : memref<20x128xi32, #tpu.memory_space<vmem>>, vector<16xi32>,
      %add3A_259 = arith.addi %get3A_216, %mul3A_208 : vector<16xi32>
      %add3A_260 = arith.addi %get3A_222, %mul3A_208 : vector<16xi32>
      %add3A_261 = arith.addi %get3A_228, %mul3A_208 : vector<16xi32>
      %add3A_262 = arith.addi %get3A_234, %mul3A_208 : vector<16xi32>
      %add3A_263 = arith.addi %get3A_240, %mul3A_208 : vector<16xi32>
      %add3A_264 = arith.addi %get3A_246, %mul3A_208 : vector<16xi32>
      %add3A_265 = arith.addi %get3A_252, %mul3A_208 : vector<16xi32>
      %add3A_266 = arith.addi %get3A_258, %mul3A_208 : vector<16xi32>
      tpu.vector_store_idx %arg13[%add3A_259], %broadcast_in_dim3A_3 {add = true} : memref<16384xf32, #tpu.memory_space<vmem>>[vector<16xi32>], vector<16xf32>,
      tpu.vector_store_idx %arg13[%add3A_260], %broadcast_in_dim3A_3 {add = true} : memref<16384xf32, #tpu.memory_space<vmem>>[vector<16xi32>], vector<16xf32>,
      tpu.vector_store_idx %arg13[%add3A_261], %broadcast_in_dim3A_3 {add = true} : memref<16384xf32, #tpu.memory_space<vmem>>[vector<16xi32>], vector<16xf32>,
      tpu.vector_store_idx %arg13[%add3A_262], %broadcast_in_dim3A_3 {add = true} : memref<16384xf32, #tpu.memory_space<vmem>>[vector<16xi32>], vector<16xf32>,
      tpu.vector_store_idx %arg13[%add3A_263], %broadcast_in_dim3A_3 {add = true} : memref<16384xf32, #tpu.memory_space<vmem>>[vector<16xi32>], vector<16xf32>,
      tpu.vector_store_idx %arg13[%add3A_264], %broadcast_in_dim3A_3 {add = true} : memref<16384xf32, #tpu.memory_space<vmem>>[vector<16xi32>], vector<16xf32>,
      tpu.vector_store_idx %arg13[%add3A_265], %broadcast_in_dim3A_3 {add = true} : memref<16384xf32, #tpu.memory_space<vmem>>[vector<16xi32>], vector<16xf32>,
      tpu.vector_store_idx %arg13[%add3A_266], %broadcast_in_dim3A_3 {add = true} : memref<16384xf32, #tpu.memory_space<vmem>>[vector<16xi32>], vector<16xf32>,
      %mul3A_267 = arith.constant 16 : i32
      %mul3A_268 = arith.muli %scan3A_201, %mul3A_267 : i32
      %get3A_269 = arith.constant 8 : i32
      %get3A_270 = arith.index_cast %get3A_269 : i32 to index
      %get3A_271 = arith.index_cast %mul3A_268 : i32 to index
      %get3A_272 = tpu.vector_load %arg8[%get3A_270, %get3A_271] {strides = array<i32>} : memref<20x128xi32, #tpu.memory_space<vmem>>, vector<16xi32>,
      %mul3A_273 = arith.constant 16 : i32
      %mul3A_274 = arith.muli %scan3A_201, %mul3A_273 : i32
      %get3A_275 = arith.constant 9 : i32
      %get3A_276 = arith.index_cast %get3A_275 : i32 to index
      %get3A_277 = arith.index_cast %mul3A_274 : i32 to index
      %get3A_278 = tpu.vector_load %arg8[%get3A_276, %get3A_277] {strides = array<i32>} : memref<20x128xi32, #tpu.memory_space<vmem>>, vector<16xi32>,
      %mul3A_279 = arith.constant 16 : i32
      %mul3A_280 = arith.muli %scan3A_201, %mul3A_279 : i32
      %get3A_281 = arith.constant 10 : i32
      %get3A_282 = arith.index_cast %get3A_281 : i32 to index
      %get3A_283 = arith.index_cast %mul3A_280 : i32 to index
      %get3A_284 = tpu.vector_load %arg8[%get3A_282, %get3A_283] {strides = array<i32>} : memref<20x128xi32, #tpu.memory_space<vmem>>, vector<16xi32>,
      %mul3A_285 = arith.constant 16 : i32
      %mul3A_286 = arith.muli %scan3A_201, %mul3A_285 : i32
      %get3A_287 = arith.constant 11 : i32
      %get3A_288 = arith.index_cast %get3A_287 : i32 to index
      %get3A_289 = arith.index_cast %mul3A_286 : i32 to index
      %get3A_290 = tpu.vector_load %arg8[%get3A_288, %get3A_289] {strides = array<i32>} : memref<20x128xi32, #tpu.memory_space<vmem>>, vector<16xi32>,
      %mul3A_291 = arith.constant 16 : i32
      %mul3A_292 = arith.muli %scan3A_201, %mul3A_291 : i32
      %get3A_293 = arith.constant 12 : i32
      %get3A_294 = arith.index_cast %get3A_293 : i32 to index
      %get3A_295 = arith.index_cast %mul3A_292 : i32 to index
      %get3A_296 = tpu.vector_load %arg8[%get3A_294, %get3A_295] {strides = array<i32>} : memref<20x128xi32, #tpu.memory_space<vmem>>, vector<16xi32>,
      %mul3A_297 = arith.constant 16 : i32
      %mul3A_298 = arith.muli %scan3A_201, %mul3A_297 : i32
      %get3A_299 = arith.constant 13 : i32
      %get3A_300 = arith.index_cast %get3A_299 : i32 to index
      %get3A_301 = arith.index_cast %mul3A_298 : i32 to index
      %get3A_302 = tpu.vector_load %arg8[%get3A_300, %get3A_301] {strides = array<i32>} : memref<20x128xi32, #tpu.memory_space<vmem>>, vector<16xi32>,
      %mul3A_303 = arith.constant 16 : i32
      %mul3A_304 = arith.muli %scan3A_201, %mul3A_303 : i32
      %get3A_305 = arith.constant 14 : i32
      %get3A_306 = arith.index_cast %get3A_305 : i32 to index
      %get3A_307 = arith.index_cast %mul3A_304 : i32 to index
      %get3A_308 = tpu.vector_load %arg8[%get3A_306, %get3A_307] {strides = array<i32>} : memref<20x128xi32, #tpu.memory_space<vmem>>, vector<16xi32>,
      %mul3A_309 = arith.constant 16 : i32
      %mul3A_310 = arith.muli %scan3A_201, %mul3A_309 : i32
      %get3A_311 = arith.constant 15 : i32
      %get3A_312 = arith.index_cast %get3A_311 : i32 to index
      %get3A_313 = arith.index_cast %mul3A_310 : i32 to index
      %get3A_314 = tpu.vector_load %arg8[%get3A_312, %get3A_313] {strides = array<i32>} : memref<20x128xi32, #tpu.memory_space<vmem>>, vector<16xi32>,
      %add3A_315 = arith.addi %get3A_272, %mul3A_208 : vector<16xi32>
      %add3A_316 = arith.addi %get3A_278, %mul3A_208 : vector<16xi32>
      %add3A_317 = arith.addi %get3A_284, %mul3A_208 : vector<16xi32>
      %add3A_318 = arith.addi %get3A_290, %mul3A_208 : vector<16xi32>
      %add3A_319 = arith.addi %get3A_296, %mul3A_208 : vector<16xi32>
      %add3A_320 = arith.addi %get3A_302, %mul3A_208 : vector<16xi32>
      %add3A_321 = arith.addi %get3A_308, %mul3A_208 : vector<16xi32>
      %add3A_322 = arith.addi %get3A_314, %mul3A_208 : vector<16xi32>
      tpu.vector_store_idx %arg13[%add3A_315], %broadcast_in_dim3A_3 {add = true} : memref<16384xf32, #tpu.memory_space<vmem>>[vector<16xi32>], vector<16xf32>,
      tpu.vector_store_idx %arg13[%add3A_316], %broadcast_in_dim3A_3 {add = true} : memref<16384xf32, #tpu.memory_space<vmem>>[vector<16xi32>], vector<16xf32>,
      tpu.vector_store_idx %arg13[%add3A_317], %broadcast_in_dim3A_3 {add = true} : memref<16384xf32, #tpu.memory_space<vmem>>[vector<16xi32>], vector<16xf32>,
      tpu.vector_store_idx %arg13[%add3A_318], %broadcast_in_dim3A_3 {add = true} : memref<16384xf32, #tpu.memory_space<vmem>>[vector<16xi32>], vector<16xf32>,
      tpu.vector_store_idx %arg13[%add3A_319], %broadcast_in_dim3A_3 {add = true} : memref<16384xf32, #tpu.memory_space<vmem>>[vector<16xi32>], vector<16xf32>,
      tpu.vector_store_idx %arg13[%add3A_320], %broadcast_in_dim3A_3 {add = true} : memref<16384xf32, #tpu.memory_space<vmem>>[vector<16xi32>], vector<16xf32>,
      tpu.vector_store_idx %arg13[%add3A_321], %broadcast_in_dim3A_3 {add = true} : memref<16384xf32, #tpu.memory_space<vmem>>[vector<16xi32>], vector<16xf32>,
      tpu.vector_store_idx %arg13[%add3A_322], %broadcast_in_dim3A_3 {add = true} : memref<16384xf32, #tpu.memory_space<vmem>>[vector<16xi32>], vector<16xf32>,
      %mul3A_323 = arith.constant 16 : i32
      %mul3A_324 = arith.muli %scan3A_201, %mul3A_323 : i32
      %get3A_325 = arith.constant 16 : i32
      %get3A_326 = arith.index_cast %get3A_325 : i32 to index
      %get3A_327 = arith.index_cast %mul3A_324 : i32 to index
      %get3A_328 = tpu.vector_load %arg8[%get3A_326, %get3A_327] {strides = array<i32>} : memref<20x128xi32, #tpu.memory_space<vmem>>, vector<16xi32>,
      %mul3A_329 = arith.constant 16 : i32
      %mul3A_330 = arith.muli %scan3A_201, %mul3A_329 : i32
      %get3A_331 = arith.constant 17 : i32
      %get3A_332 = arith.index_cast %get3A_331 : i32 to index
      %get3A_333 = arith.index_cast %mul3A_330 : i32 to index
      %get3A_334 = tpu.vector_load %arg8[%get3A_332, %get3A_333] {strides = array<i32>} : memref<20x128xi32, #tpu.memory_space<vmem>>, vector<16xi32>,
      %mul3A_335 = arith.constant 16 : i32
      %mul3A_336 = arith.muli %scan3A_201, %mul3A_335 : i32
      %get3A_337 = arith.constant 18 : i32
      %get3A_338 = arith.index_cast %get3A_337 : i32 to index
      %get3A_339 = arith.index_cast %mul3A_336 : i32 to index
      %get3A_340 = tpu.vector_load %arg8[%get3A_338, %get3A_339] {strides = array<i32>} : memref<20x128xi32, #tpu.memory_space<vmem>>, vector<16xi32>,
      %mul3A_341 = arith.constant 16 : i32
      %mul3A_342 = arith.muli %scan3A_201, %mul3A_341 : i32
      %get3A_343 = arith.constant 19 : i32
      %get3A_344 = arith.index_cast %get3A_343 : i32 to index
      %get3A_345 = arith.index_cast %mul3A_342 : i32 to index
      %get3A_346 = tpu.vector_load %arg8[%get3A_344, %get3A_345] {strides = array<i32>} : memref<20x128xi32, #tpu.memory_space<vmem>>, vector<16xi32>,
      %mul3A_347 = arith.constant 16 : i32
      %mul3A_348 = arith.muli %scan3A_201, %mul3A_347 : i32
      %get3A_349 = arith.constant 0 : i32
      %get3A_350 = arith.index_cast %get3A_349 : i32 to index
      %get3A_351 = arith.index_cast %mul3A_348 : i32 to index
      %get3A_352 = tpu.vector_load %arg9[%get3A_350, %get3A_351] {strides = array<i32>} : memref<7x128xi32, #tpu.memory_space<vmem>>, vector<16xi32>,
      %mul3A_353 = arith.constant 16 : i32
      %mul3A_354 = arith.muli %scan3A_201, %mul3A_353 : i32
      %get3A_355 = arith.constant 1 : i32
      %get3A_356 = arith.index_cast %get3A_355 : i32 to index
      %get3A_357 = arith.index_cast %mul3A_354 : i32 to index
      %get3A_358 = tpu.vector_load %arg9[%get3A_356, %get3A_357] {strides = array<i32>} : memref<7x128xi32, #tpu.memory_space<vmem>>, vector<16xi32>,
      %mul3A_359 = arith.constant 16 : i32
      %mul3A_360 = arith.muli %scan3A_201, %mul3A_359 : i32
      %get3A_361 = arith.constant 2 : i32
      %get3A_362 = arith.index_cast %get3A_361 : i32 to index
      %get3A_363 = arith.index_cast %mul3A_360 : i32 to index
      %get3A_364 = tpu.vector_load %arg9[%get3A_362, %get3A_363] {strides = array<i32>} : memref<7x128xi32, #tpu.memory_space<vmem>>, vector<16xi32>,
      %mul3A_365 = arith.constant 16 : i32
      %mul3A_366 = arith.muli %scan3A_201, %mul3A_365 : i32
      %get3A_367 = arith.constant 3 : i32
      %get3A_368 = arith.index_cast %get3A_367 : i32 to index
      %get3A_369 = arith.index_cast %mul3A_366 : i32 to index
      %get3A_370 = tpu.vector_load %arg9[%get3A_368, %get3A_369] {strides = array<i32>} : memref<7x128xi32, #tpu.memory_space<vmem>>, vector<16xi32>,
      %add3A_371 = arith.addi %get3A_328, %mul3A_208 : vector<16xi32>
      %add3A_372 = arith.addi %get3A_334, %mul3A_208 : vector<16xi32>
      %add3A_373 = arith.addi %get3A_340, %mul3A_208 : vector<16xi32>
      %add3A_374 = arith.addi %get3A_346, %mul3A_208 : vector<16xi32>
      %add3A_375 = arith.addi %get3A_352, %add3A_211 : vector<16xi32>
      %add3A_376 = arith.addi %get3A_358, %add3A_211 : vector<16xi32>
      %add3A_377 = arith.addi %get3A_364, %add3A_211 : vector<16xi32>
      %add3A_378 = arith.addi %get3A_370, %add3A_211 : vector<16xi32>
      tpu.vector_store_idx %arg13[%add3A_371], %broadcast_in_dim3A_3 {add = true} : memref<16384xf32, #tpu.memory_space<vmem>>[vector<16xi32>], vector<16xf32>,
      tpu.vector_store_idx %arg13[%add3A_372], %broadcast_in_dim3A_3 {add = true} : memref<16384xf32, #tpu.memory_space<vmem>>[vector<16xi32>], vector<16xf32>,
      tpu.vector_store_idx %arg13[%add3A_373], %broadcast_in_dim3A_3 {add = true} : memref<16384xf32, #tpu.memory_space<vmem>>[vector<16xi32>], vector<16xf32>,
      tpu.vector_store_idx %arg13[%add3A_374], %broadcast_in_dim3A_3 {add = true} : memref<16384xf32, #tpu.memory_space<vmem>>[vector<16xi32>], vector<16xf32>,
      tpu.vector_store_idx %arg13[%add3A_375], %broadcast_in_dim3A_3 {add = true} : memref<16384xf32, #tpu.memory_space<vmem>>[vector<16xi32>], vector<16xf32>,
      tpu.vector_store_idx %arg13[%add3A_376], %broadcast_in_dim3A_3 {add = true} : memref<16384xf32, #tpu.memory_space<vmem>>[vector<16xi32>], vector<16xf32>,
      tpu.vector_store_idx %arg13[%add3A_377], %broadcast_in_dim3A_3 {add = true} : memref<16384xf32, #tpu.memory_space<vmem>>[vector<16xi32>], vector<16xf32>,
      tpu.vector_store_idx %arg13[%add3A_378], %broadcast_in_dim3A_3 {add = true} : memref<16384xf32, #tpu.memory_space<vmem>>[vector<16xi32>], vector<16xf32>,
      %mul3A_379 = arith.constant 16 : i32
      %mul3A_380 = arith.muli %scan3A_201, %mul3A_379 : i32
      %get3A_381 = arith.constant 4 : i32
      %get3A_382 = arith.index_cast %get3A_381 : i32 to index
      %get3A_383 = arith.index_cast %mul3A_380 : i32 to index
      %get3A_384 = tpu.vector_load %arg9[%get3A_382, %get3A_383] {strides = array<i32>} : memref<7x128xi32, #tpu.memory_space<vmem>>, vector<16xi32>,
      %mul3A_385 = arith.constant 16 : i32
      %mul3A_386 = arith.muli %scan3A_201, %mul3A_385 : i32
      %get3A_387 = arith.constant 5 : i32
      %get3A_388 = arith.index_cast %get3A_387 : i32 to index
      %get3A_389 = arith.index_cast %mul3A_386 : i32 to index
      %get3A_390 = tpu.vector_load %arg9[%get3A_388, %get3A_389] {strides = array<i32>} : memref<7x128xi32, #tpu.memory_space<vmem>>, vector<16xi32>,
      %mul3A_391 = arith.constant 16 : i32
      %mul3A_392 = arith.muli %scan3A_201, %mul3A_391 : i32
      %get3A_393 = arith.constant 6 : i32
      %get3A_394 = arith.index_cast %get3A_393 : i32 to index
      %get3A_395 = arith.index_cast %mul3A_392 : i32 to index
      %get3A_396 = tpu.vector_load %arg9[%get3A_394, %get3A_395] {strides = array<i32>} : memref<7x128xi32, #tpu.memory_space<vmem>>, vector<16xi32>,
      %add3A_397 = arith.addi %get3A_384, %add3A_211 : vector<16xi32>
      %add3A_398 = arith.addi %get3A_390, %add3A_211 : vector<16xi32>
      %add3A_399 = arith.addi %get3A_396, %add3A_211 : vector<16xi32>
      tpu.vector_store_idx %arg13[%add3A_397], %broadcast_in_dim3A_3 {add = true} : memref<16384xf32, #tpu.memory_space<vmem>>[vector<16xi32>], vector<16xf32>,
      tpu.vector_store_idx %arg13[%add3A_398], %broadcast_in_dim3A_3 {add = true} : memref<16384xf32, #tpu.memory_space<vmem>>[vector<16xi32>], vector<16xf32>,
      tpu.vector_store_idx %arg13[%add3A_399], %broadcast_in_dim3A_3 {add = true} : memref<16384xf32, #tpu.memory_space<vmem>>[vector<16xi32>], vector<16xf32>,
      %mul3A_400 = arith.constant 16 : i32
      %mul3A_401 = arith.muli %scan3A_201, %mul3A_400 : i32
      %get3A_402 = arith.index_cast %mul3A_401 : i32 to index
      %get3A_403 = tpu.vector_load %arg10[%get3A_402] {strides = array<i32>} : memref<128xi32, #tpu.memory_space<vmem>>, vector<16xi32>,
      %mul3A_404 = arith.constant 16 : i32
      %mul3A_405 = arith.muli %scan3A_201, %mul3A_404 : i32
      %get3A_406 = arith.index_cast %mul3A_405 : i32 to index
      %get3A_407 = tpu.vector_load %arg11[%get3A_406] {strides = array<i32>} : memref<128xi32, #tpu.memory_space<vmem>>, vector<16xi32>,
      %mul3A_408 = arith.constant 16 : i32
      %mul3A_409 = arith.muli %scan3A_201, %mul3A_408 : i32
      %get3A_410 = arith.index_cast %mul3A_409 : i32 to index
      %get3A_411 = tpu.vector_load %arg12[%get3A_410] {strides = array<i32>} : memref<128xf32, #tpu.memory_space<vmem>>, vector<16xf32>,
      %add3A_412 = arith.constant 60 : i32
      %add3A_413 = vector.broadcast %add3A_412 : i32 to vector<16xi32>
      %add3A_414 = arith.addi %mul3A_208, %add3A_413 : vector<16xi32>
      %add3A_415 = arith.addi %get3A_403, %add3A_414 : vector<16xi32>
      tpu.vector_store_idx %arg13[%add3A_415], %broadcast_in_dim3A_3 {add = true} : memref<16384xf32, #tpu.memory_space<vmem>>[vector<16xi32>], vector<16xf32>,
      %add3A_416 = arith.constant 62 : i32
      %add3A_417 = vector.broadcast %add3A_416 : i32 to vector<16xi32>
      %add3A_418 = arith.addi %mul3A_208, %add3A_417 : vector<16xi32>
      %add3A_419 = arith.addi %get3A_407, %add3A_418 : vector<16xi32>
      tpu.vector_store_idx %arg13[%add3A_419], %broadcast_in_dim3A_3 {add = true} : memref<16384xf32, #tpu.memory_space<vmem>>[vector<16xi32>], vector<16xf32>,
      %add3A_420 = arith.constant 64 : i32
      %add3A_421 = vector.broadcast %add3A_420 : i32 to vector<16xi32>
      %add3A_422 = arith.addi %mul3A_208, %add3A_421 : vector<16xi32>
      tpu.vector_store_idx %arg13[%add3A_422], %get3A_411 : memref<16384xf32, #tpu.memory_space<vmem>>[vector<16xi32>], vector<16xf32>,
    }
    %scan3A_142 = arith.constant 8 : i32
    %mul3A_143 = arith.constant 128 : i32
    %mul3A_144 = arith.muli %add3A_100, %mul3A_143 : i32
    %dma_start3A_145 = tpu.memref_slice %arg7[%mul3A_144] : memref<2097152xf32, #tpu.memory_space<hbm>> -> memref<16384xf32, #tpu.memory_space<hbm>>
    %dma_start3A_146 = tpu.memref_slice %arg7[%mul3A_144] : memref<2097152xf32, #tpu.memory_space<hbm>> -> memref<16384xf32, #tpu.memory_space<hbm>>
    tpu.enqueue_dma source(%arg13 : memref<16384xf32, #tpu.memory_space<vmem>>) target(%dma_start3A_146 : memref<16384xf32, #tpu.memory_space<hbm>>) target_semaphore(%arg16 : memref<!tpu.dma_semaphore, #tpu.memory_space<semaphore_mem>>)
    %mul3A_147 = arith.constant 512 : i32
    %mul3A_148 = arith.muli %add3A, %mul3A_147 : i32
    %add3A_149 = arith.constant 384 : i32
    %add3A_150 = arith.addi %mul3A_148, %add3A_149 : i32
    %dma_wait3A_151 = tpu.memref_slice %arg7[%mul3A_94] : memref<2097152xf32, #tpu.memory_space<hbm>> -> memref<16384xf32, #tpu.memory_space<hbm>>
    %dma_wait3A_152 = tpu.memref_slice %arg7[%mul3A_94] : memref<2097152xf32, #tpu.memory_space<hbm>> -> memref<16384xf32, #tpu.memory_space<hbm>>
    tpu.wait_dma2 semaphore(%arg16 : memref<!tpu.dma_semaphore, #tpu.memory_space<semaphore_mem>>) src(%arg14 : memref<16384xf32, #tpu.memory_space<vmem>>) dst(%dma_wait3A_152 : memref<16384xf32, #tpu.memory_space<hbm>>)
    %dma_start3A_153 = arith.constant 0 : i32
    %dma_start3A_154 = tpu.memref_slice %arg2[%dma_start3A_153, %add3A_150] : memref<20x16384xi32, #tpu.memory_space<hbm>> -> memref<20x128xi32, #tpu.memory_space<hbm>>
    %dma_start3A_155 = arith.constant 0 : i32
    %dma_start3A_156 = tpu.memref_slice %arg2[%dma_start3A_155, %add3A_150] : memref<20x16384xi32, #tpu.memory_space<hbm>> -> memref<20x128xi32, #tpu.memory_space<hbm>>
    tpu.enqueue_dma source(%dma_start3A_156 : memref<20x128xi32, #tpu.memory_space<hbm>>) target(%arg8 : memref<20x128xi32, #tpu.memory_space<vmem>>) target_semaphore(%arg15 : memref<!tpu.dma_semaphore, #tpu.memory_space<semaphore_mem>>)
    %dma_start3A_157 = arith.constant 0 : i32
    %dma_start3A_158 = tpu.memref_slice %arg3[%dma_start3A_157, %add3A_150] : memref<7x16384xi32, #tpu.memory_space<hbm>> -> memref<7x128xi32, #tpu.memory_space<hbm>>
    %dma_start3A_159 = arith.constant 0 : i32
    %dma_start3A_160 = tpu.memref_slice %arg3[%dma_start3A_159, %add3A_150] : memref<7x16384xi32, #tpu.memory_space<hbm>> -> memref<7x128xi32, #tpu.memory_space<hbm>>
    tpu.enqueue_dma source(%dma_start3A_160 : memref<7x128xi32, #tpu.memory_space<hbm>>) target(%arg9 : memref<7x128xi32, #tpu.memory_space<vmem>>) target_semaphore(%arg15 : memref<!tpu.dma_semaphore, #tpu.memory_space<semaphore_mem>>)
    %dma_start3A_161 = tpu.memref_slice %arg4[%add3A_150] : memref<16384xi32, #tpu.memory_space<hbm>> -> memref<128xi32, #tpu.memory_space<hbm>>
    %dma_start3A_162 = tpu.memref_slice %arg4[%add3A_150] : memref<16384xi32, #tpu.memory_space<hbm>> -> memref<128xi32, #tpu.memory_space<hbm>>
    tpu.enqueue_dma source(%dma_start3A_162 : memref<128xi32, #tpu.memory_space<hbm>>) target(%arg10 : memref<128xi32, #tpu.memory_space<vmem>>) target_semaphore(%arg15 : memref<!tpu.dma_semaphore, #tpu.memory_space<semaphore_mem>>)
    %dma_start3A_163 = tpu.memref_slice %arg5[%add3A_150] : memref<16384xi32, #tpu.memory_space<hbm>> -> memref<128xi32, #tpu.memory_space<hbm>>
    %dma_start3A_164 = tpu.memref_slice %arg5[%add3A_150] : memref<16384xi32, #tpu.memory_space<hbm>> -> memref<128xi32, #tpu.memory_space<hbm>>
    tpu.enqueue_dma source(%dma_start3A_164 : memref<128xi32, #tpu.memory_space<hbm>>) target(%arg11 : memref<128xi32, #tpu.memory_space<vmem>>) target_semaphore(%arg15 : memref<!tpu.dma_semaphore, #tpu.memory_space<semaphore_mem>>)
    %dma_start3A_165 = tpu.memref_slice %arg6[%add3A_150] : memref<16384xf32, #tpu.memory_space<hbm>> -> memref<128xf32, #tpu.memory_space<hbm>>
    %dma_start3A_166 = tpu.memref_slice %arg6[%add3A_150] : memref<16384xf32, #tpu.memory_space<hbm>> -> memref<128xf32, #tpu.memory_space<hbm>>
    tpu.enqueue_dma source(%dma_start3A_166 : memref<128xf32, #tpu.memory_space<hbm>>) target(%arg12 : memref<128xf32, #tpu.memory_space<vmem>>) target_semaphore(%arg15 : memref<!tpu.dma_semaphore, #tpu.memory_space<semaphore_mem>>)
    %scan3A_167 = arith.constant 0 : i32
    %scan3A_168 = arith.constant 0 : i32
    %scan3A_169 = arith.constant 128 : i32
    %scan3A_170 = arith.addi %scan3A_168, %scan3A_169 : i32
    %scan3A_171 = arith.constant 4 : i32
    scf.for %scan3A_201 = %scan3A_168 to %scan3A_170 step %scan3A_171  : i32 {
      %mul3A_202 = arith.constant 128 : i32
      %mul3A_203 = arith.muli %scan3A_201, %mul3A_202 : i32
      %add3A_204 = arith.constant 0 : i32
      %add3A_205 = arith.addi %mul3A_203, %add3A_204 : i32
      %swap3A = arith.index_cast %add3A_205 : i32 to index
      %swap3A_206 = tpu.vector_load %arg14[%swap3A] {strides = array<i32>} : memref<16384xf32, #tpu.memory_space<vmem>>, vector<16xf32>,
      tpu.vector_store %arg14[%swap3A], %broadcast_in_dim3A_1 {strides = array<i32>} : memref<16384xf32, #tpu.memory_space<vmem>>, vector<16xf32>,
      %mul3A_207 = arith.constant 128 : i32
      %mul3A_208 = arith.muli %scan3A_201, %mul3A_207 : i32
      %add3A_209 = arith.constant 16 : i32
      %add3A_210 = arith.addi %mul3A_208, %add3A_209 : i32
      %swap3A_211 = arith.index_cast %add3A_210 : i32 to index
      %swap3A_212 = tpu.vector_load %arg14[%swap3A_211] {strides = array<i32>} : memref<16384xf32, #tpu.memory_space<vmem>>, vector<16xf32>,
      tpu.vector_store %arg14[%swap3A_211], %broadcast_in_dim3A_1 {strides = array<i32>} : memref<16384xf32, #tpu.memory_space<vmem>>, vector<16xf32>,
      %mul3A_213 = arith.constant 128 : i32
      %mul3A_214 = arith.muli %scan3A_201, %mul3A_213 : i32
      %add3A_215 = arith.constant 32 : i32
      %add3A_216 = arith.addi %mul3A_214, %add3A_215 : i32
      %swap3A_217 = arith.index_cast %add3A_216 : i32 to index
      %swap3A_218 = tpu.vector_load %arg14[%swap3A_217] {strides = array<i32>} : memref<16384xf32, #tpu.memory_space<vmem>>, vector<16xf32>,
      tpu.vector_store %arg14[%swap3A_217], %broadcast_in_dim3A_1 {strides = array<i32>} : memref<16384xf32, #tpu.memory_space<vmem>>, vector<16xf32>,
      %mul3A_219 = arith.constant 128 : i32
      %mul3A_220 = arith.muli %scan3A_201, %mul3A_219 : i32
      %add3A_221 = arith.constant 48 : i32
      %add3A_222 = arith.addi %mul3A_220, %add3A_221 : i32
      %swap3A_223 = arith.index_cast %add3A_222 : i32 to index
      %swap3A_224 = tpu.vector_load %arg14[%swap3A_223] {strides = array<i32>} : memref<16384xf32, #tpu.memory_space<vmem>>, vector<16xf32>,
      tpu.vector_store %arg14[%swap3A_223], %broadcast_in_dim3A_1 {strides = array<i32>} : memref<16384xf32, #tpu.memory_space<vmem>>, vector<16xf32>,
      %scan3A_225 = arith.constant 1 : i32
      %scan3A_226 = arith.addi %scan3A_201, %scan3A_225 : i32
      %mul3A_227 = arith.constant 128 : i32
      %mul3A_228 = arith.muli %scan3A_226, %mul3A_227 : i32
      %add3A_229 = arith.constant 0 : i32
      %add3A_230 = arith.addi %mul3A_228, %add3A_229 : i32
      %swap3A_231 = arith.index_cast %add3A_230 : i32 to index
      %swap3A_232 = tpu.vector_load %arg14[%swap3A_231] {strides = array<i32>} : memref<16384xf32, #tpu.memory_space<vmem>>, vector<16xf32>,
      tpu.vector_store %arg14[%swap3A_231], %broadcast_in_dim3A_1 {strides = array<i32>} : memref<16384xf32, #tpu.memory_space<vmem>>, vector<16xf32>,
      %mul3A_233 = arith.constant 128 : i32
      %mul3A_234 = arith.muli %scan3A_226, %mul3A_233 : i32
      %add3A_235 = arith.constant 16 : i32
      %add3A_236 = arith.addi %mul3A_234, %add3A_235 : i32
      %swap3A_237 = arith.index_cast %add3A_236 : i32 to index
      %swap3A_238 = tpu.vector_load %arg14[%swap3A_237] {strides = array<i32>} : memref<16384xf32, #tpu.memory_space<vmem>>, vector<16xf32>,
      tpu.vector_store %arg14[%swap3A_237], %broadcast_in_dim3A_1 {strides = array<i32>} : memref<16384xf32, #tpu.memory_space<vmem>>, vector<16xf32>,
      %mul3A_239 = arith.constant 128 : i32
      %mul3A_240 = arith.muli %scan3A_226, %mul3A_239 : i32
      %add3A_241 = arith.constant 32 : i32
      %add3A_242 = arith.addi %mul3A_240, %add3A_241 : i32
      %swap3A_243 = arith.index_cast %add3A_242 : i32 to index
      %swap3A_244 = tpu.vector_load %arg14[%swap3A_243] {strides = array<i32>} : memref<16384xf32, #tpu.memory_space<vmem>>, vector<16xf32>,
      tpu.vector_store %arg14[%swap3A_243], %broadcast_in_dim3A_1 {strides = array<i32>} : memref<16384xf32, #tpu.memory_space<vmem>>, vector<16xf32>,
      %mul3A_245 = arith.constant 128 : i32
      %mul3A_246 = arith.muli %scan3A_226, %mul3A_245 : i32
      %add3A_247 = arith.constant 48 : i32
      %add3A_248 = arith.addi %mul3A_246, %add3A_247 : i32
      %swap3A_249 = arith.index_cast %add3A_248 : i32 to index
      %swap3A_250 = tpu.vector_load %arg14[%swap3A_249] {strides = array<i32>} : memref<16384xf32, #tpu.memory_space<vmem>>, vector<16xf32>,
      tpu.vector_store %arg14[%swap3A_249], %broadcast_in_dim3A_1 {strides = array<i32>} : memref<16384xf32, #tpu.memory_space<vmem>>, vector<16xf32>,
      %scan3A_251 = arith.constant 2 : i32
      %scan3A_252 = arith.addi %scan3A_201, %scan3A_251 : i32
      %mul3A_253 = arith.constant 128 : i32
      %mul3A_254 = arith.muli %scan3A_252, %mul3A_253 : i32
      %add3A_255 = arith.constant 0 : i32
      %add3A_256 = arith.addi %mul3A_254, %add3A_255 : i32
      %swap3A_257 = arith.index_cast %add3A_256 : i32 to index
      %swap3A_258 = tpu.vector_load %arg14[%swap3A_257] {strides = array<i32>} : memref<16384xf32, #tpu.memory_space<vmem>>, vector<16xf32>,
      tpu.vector_store %arg14[%swap3A_257], %broadcast_in_dim3A_1 {strides = array<i32>} : memref<16384xf32, #tpu.memory_space<vmem>>, vector<16xf32>,
      %mul3A_259 = arith.constant 128 : i32
      %mul3A_260 = arith.muli %scan3A_252, %mul3A_259 : i32
      %add3A_261 = arith.constant 16 : i32
      %add3A_262 = arith.addi %mul3A_260, %add3A_261 : i32
      %swap3A_263 = arith.index_cast %add3A_262 : i32 to index
      %swap3A_264 = tpu.vector_load %arg14[%swap3A_263] {strides = array<i32>} : memref<16384xf32, #tpu.memory_space<vmem>>, vector<16xf32>,
      tpu.vector_store %arg14[%swap3A_263], %broadcast_in_dim3A_1 {strides = array<i32>} : memref<16384xf32, #tpu.memory_space<vmem>>, vector<16xf32>,
      %mul3A_265 = arith.constant 128 : i32
      %mul3A_266 = arith.muli %scan3A_252, %mul3A_265 : i32
      %add3A_267 = arith.constant 32 : i32
      %add3A_268 = arith.addi %mul3A_266, %add3A_267 : i32
      %swap3A_269 = arith.index_cast %add3A_268 : i32 to index
      %swap3A_270 = tpu.vector_load %arg14[%swap3A_269] {strides = array<i32>} : memref<16384xf32, #tpu.memory_space<vmem>>, vector<16xf32>,
      tpu.vector_store %arg14[%swap3A_269], %broadcast_in_dim3A_1 {strides = array<i32>} : memref<16384xf32, #tpu.memory_space<vmem>>, vector<16xf32>,
      %mul3A_271 = arith.constant 128 : i32
      %mul3A_272 = arith.muli %scan3A_252, %mul3A_271 : i32
      %add3A_273 = arith.constant 48 : i32
      %add3A_274 = arith.addi %mul3A_272, %add3A_273 : i32
      %swap3A_275 = arith.index_cast %add3A_274 : i32 to index
      %swap3A_276 = tpu.vector_load %arg14[%swap3A_275] {strides = array<i32>} : memref<16384xf32, #tpu.memory_space<vmem>>, vector<16xf32>,
      tpu.vector_store %arg14[%swap3A_275], %broadcast_in_dim3A_1 {strides = array<i32>} : memref<16384xf32, #tpu.memory_space<vmem>>, vector<16xf32>,
      %scan3A_277 = arith.constant 3 : i32
      %scan3A_278 = arith.addi %scan3A_201, %scan3A_277 : i32
      %mul3A_279 = arith.constant 128 : i32
      %mul3A_280 = arith.muli %scan3A_278, %mul3A_279 : i32
      %add3A_281 = arith.constant 0 : i32
      %add3A_282 = arith.addi %mul3A_280, %add3A_281 : i32
      %swap3A_283 = arith.index_cast %add3A_282 : i32 to index
      %swap3A_284 = tpu.vector_load %arg14[%swap3A_283] {strides = array<i32>} : memref<16384xf32, #tpu.memory_space<vmem>>, vector<16xf32>,
      tpu.vector_store %arg14[%swap3A_283], %broadcast_in_dim3A_1 {strides = array<i32>} : memref<16384xf32, #tpu.memory_space<vmem>>, vector<16xf32>,
      %mul3A_285 = arith.constant 128 : i32
      %mul3A_286 = arith.muli %scan3A_278, %mul3A_285 : i32
      %add3A_287 = arith.constant 16 : i32
      %add3A_288 = arith.addi %mul3A_286, %add3A_287 : i32
      %swap3A_289 = arith.index_cast %add3A_288 : i32 to index
      %swap3A_290 = tpu.vector_load %arg14[%swap3A_289] {strides = array<i32>} : memref<16384xf32, #tpu.memory_space<vmem>>, vector<16xf32>,
      tpu.vector_store %arg14[%swap3A_289], %broadcast_in_dim3A_1 {strides = array<i32>} : memref<16384xf32, #tpu.memory_space<vmem>>, vector<16xf32>,
      %mul3A_291 = arith.constant 128 : i32
      %mul3A_292 = arith.muli %scan3A_278, %mul3A_291 : i32
      %add3A_293 = arith.constant 32 : i32
      %add3A_294 = arith.addi %mul3A_292, %add3A_293 : i32
      %swap3A_295 = arith.index_cast %add3A_294 : i32 to index
      %swap3A_296 = tpu.vector_load %arg14[%swap3A_295] {strides = array<i32>} : memref<16384xf32, #tpu.memory_space<vmem>>, vector<16xf32>,
      tpu.vector_store %arg14[%swap3A_295], %broadcast_in_dim3A_1 {strides = array<i32>} : memref<16384xf32, #tpu.memory_space<vmem>>, vector<16xf32>,
      %mul3A_297 = arith.constant 128 : i32
      %mul3A_298 = arith.muli %scan3A_278, %mul3A_297 : i32
      %add3A_299 = arith.constant 48 : i32
      %add3A_300 = arith.addi %mul3A_298, %add3A_299 : i32
      %swap3A_301 = arith.index_cast %add3A_300 : i32 to index
      %swap3A_302 = tpu.vector_load %arg14[%swap3A_301] {strides = array<i32>} : memref<16384xf32, #tpu.memory_space<vmem>>, vector<16xf32>,
      tpu.vector_store %arg14[%swap3A_301], %broadcast_in_dim3A_1 {strides = array<i32>} : memref<16384xf32, #tpu.memory_space<vmem>>, vector<16xf32>,
    }
    %scan3A_172 = arith.constant 128 : i32
    %dma_wait3A_173 = arith.constant 0 : i32
    %dma_wait3A_174 = tpu.memref_slice %arg2[%dma_wait3A_173, %add3A_150] : memref<20x16384xi32, #tpu.memory_space<hbm>> -> memref<20x128xi32, #tpu.memory_space<hbm>>
    %dma_wait3A_175 = arith.constant 0 : i32
    %dma_wait3A_176 = tpu.memref_slice %arg2[%dma_wait3A_175, %add3A_150] : memref<20x16384xi32, #tpu.memory_space<hbm>> -> memref<20x128xi32, #tpu.memory_space<hbm>>
    tpu.wait_dma2 semaphore(%arg15 : memref<!tpu.dma_semaphore, #tpu.memory_space<semaphore_mem>>) src(%dma_wait3A_176 : memref<20x128xi32, #tpu.memory_space<hbm>>) dst(%arg8 : memref<20x128xi32, #tpu.memory_space<vmem>>)
    %dma_wait3A_177 = arith.constant 0 : i32
    %dma_wait3A_178 = tpu.memref_slice %arg3[%dma_wait3A_177, %add3A_150] : memref<7x16384xi32, #tpu.memory_space<hbm>> -> memref<7x128xi32, #tpu.memory_space<hbm>>
    %dma_wait3A_179 = arith.constant 0 : i32
    %dma_wait3A_180 = tpu.memref_slice %arg3[%dma_wait3A_179, %add3A_150] : memref<7x16384xi32, #tpu.memory_space<hbm>> -> memref<7x128xi32, #tpu.memory_space<hbm>>
    tpu.wait_dma2 semaphore(%arg15 : memref<!tpu.dma_semaphore, #tpu.memory_space<semaphore_mem>>) src(%dma_wait3A_180 : memref<7x128xi32, #tpu.memory_space<hbm>>) dst(%arg9 : memref<7x128xi32, #tpu.memory_space<vmem>>)
    %dma_wait3A_181 = tpu.memref_slice %arg4[%add3A_150] : memref<16384xi32, #tpu.memory_space<hbm>> -> memref<128xi32, #tpu.memory_space<hbm>>
    %dma_wait3A_182 = tpu.memref_slice %arg4[%add3A_150] : memref<16384xi32, #tpu.memory_space<hbm>> -> memref<128xi32, #tpu.memory_space<hbm>>
    tpu.wait_dma2 semaphore(%arg15 : memref<!tpu.dma_semaphore, #tpu.memory_space<semaphore_mem>>) src(%dma_wait3A_182 : memref<128xi32, #tpu.memory_space<hbm>>) dst(%arg10 : memref<128xi32, #tpu.memory_space<vmem>>)
    %dma_wait3A_183 = tpu.memref_slice %arg5[%add3A_150] : memref<16384xi32, #tpu.memory_space<hbm>> -> memref<128xi32, #tpu.memory_space<hbm>>
    %dma_wait3A_184 = tpu.memref_slice %arg5[%add3A_150] : memref<16384xi32, #tpu.memory_space<hbm>> -> memref<128xi32, #tpu.memory_space<hbm>>
    tpu.wait_dma2 semaphore(%arg15 : memref<!tpu.dma_semaphore, #tpu.memory_space<semaphore_mem>>) src(%dma_wait3A_184 : memref<128xi32, #tpu.memory_space<hbm>>) dst(%arg11 : memref<128xi32, #tpu.memory_space<vmem>>)
    %dma_wait3A_185 = tpu.memref_slice %arg6[%add3A_150] : memref<16384xf32, #tpu.memory_space<hbm>> -> memref<128xf32, #tpu.memory_space<hbm>>
    %dma_wait3A_186 = tpu.memref_slice %arg6[%add3A_150] : memref<16384xf32, #tpu.memory_space<hbm>> -> memref<128xf32, #tpu.memory_space<hbm>>
    tpu.wait_dma2 semaphore(%arg15 : memref<!tpu.dma_semaphore, #tpu.memory_space<semaphore_mem>>) src(%dma_wait3A_186 : memref<128xf32, #tpu.memory_space<hbm>>) dst(%arg12 : memref<128xf32, #tpu.memory_space<vmem>>)
    %scan3A_187 = arith.constant 0 : i32
    %scan3A_188 = arith.constant 0 : i32
    %scan3A_189 = arith.constant 8 : i32
    %scan3A_190 = arith.addi %scan3A_188, %scan3A_189 : i32
    %scan3A_191 = arith.constant 1 : i32
    scf.for %scan3A_201 = %scan3A_188 to %scan3A_190 step %scan3A_191  : i32 {
      %mul3A_202 = arith.constant 16 : i32
      %mul3A_203 = arith.muli %scan3A_201, %mul3A_202 : i32
      %add3A_204 = vector.broadcast %mul3A_203 : i32 to vector<16xi32>
      %add3A_205 = arith.addi %iota3A, %add3A_204 : vector<16xi32>
      %mul3A_206 = arith.constant 128 : i32
      %mul3A_207 = vector.broadcast %mul3A_206 : i32 to vector<16xi32>
      %mul3A_208 = arith.muli %add3A_205, %mul3A_207 : vector<16xi32>
      %add3A_209 = arith.constant 52 : i32
      %add3A_210 = vector.broadcast %add3A_209 : i32 to vector<16xi32>
      %add3A_211 = arith.addi %mul3A_208, %add3A_210 : vector<16xi32>
      %mul3A_212 = arith.constant 16 : i32
      %mul3A_213 = arith.muli %scan3A_201, %mul3A_212 : i32
      %get3A = arith.constant 0 : i32
      %get3A_214 = arith.index_cast %get3A : i32 to index
      %get3A_215 = arith.index_cast %mul3A_213 : i32 to index
      %get3A_216 = tpu.vector_load %arg8[%get3A_214, %get3A_215] {strides = array<i32>} : memref<20x128xi32, #tpu.memory_space<vmem>>, vector<16xi32>,
      %mul3A_217 = arith.constant 16 : i32
      %mul3A_218 = arith.muli %scan3A_201, %mul3A_217 : i32
      %get3A_219 = arith.constant 1 : i32
      %get3A_220 = arith.index_cast %get3A_219 : i32 to index
      %get3A_221 = arith.index_cast %mul3A_218 : i32 to index
      %get3A_222 = tpu.vector_load %arg8[%get3A_220, %get3A_221] {strides = array<i32>} : memref<20x128xi32, #tpu.memory_space<vmem>>, vector<16xi32>,
      %mul3A_223 = arith.constant 16 : i32
      %mul3A_224 = arith.muli %scan3A_201, %mul3A_223 : i32
      %get3A_225 = arith.constant 2 : i32
      %get3A_226 = arith.index_cast %get3A_225 : i32 to index
      %get3A_227 = arith.index_cast %mul3A_224 : i32 to index
      %get3A_228 = tpu.vector_load %arg8[%get3A_226, %get3A_227] {strides = array<i32>} : memref<20x128xi32, #tpu.memory_space<vmem>>, vector<16xi32>,
      %mul3A_229 = arith.constant 16 : i32
      %mul3A_230 = arith.muli %scan3A_201, %mul3A_229 : i32
      %get3A_231 = arith.constant 3 : i32
      %get3A_232 = arith.index_cast %get3A_231 : i32 to index
      %get3A_233 = arith.index_cast %mul3A_230 : i32 to index
      %get3A_234 = tpu.vector_load %arg8[%get3A_232, %get3A_233] {strides = array<i32>} : memref<20x128xi32, #tpu.memory_space<vmem>>, vector<16xi32>,
      %mul3A_235 = arith.constant 16 : i32
      %mul3A_236 = arith.muli %scan3A_201, %mul3A_235 : i32
      %get3A_237 = arith.constant 4 : i32
      %get3A_238 = arith.index_cast %get3A_237 : i32 to index
      %get3A_239 = arith.index_cast %mul3A_236 : i32 to index
      %get3A_240 = tpu.vector_load %arg8[%get3A_238, %get3A_239] {strides = array<i32>} : memref<20x128xi32, #tpu.memory_space<vmem>>, vector<16xi32>,
      %mul3A_241 = arith.constant 16 : i32
      %mul3A_242 = arith.muli %scan3A_201, %mul3A_241 : i32
      %get3A_243 = arith.constant 5 : i32
      %get3A_244 = arith.index_cast %get3A_243 : i32 to index
      %get3A_245 = arith.index_cast %mul3A_242 : i32 to index
      %get3A_246 = tpu.vector_load %arg8[%get3A_244, %get3A_245] {strides = array<i32>} : memref<20x128xi32, #tpu.memory_space<vmem>>, vector<16xi32>,
      %mul3A_247 = arith.constant 16 : i32
      %mul3A_248 = arith.muli %scan3A_201, %mul3A_247 : i32
      %get3A_249 = arith.constant 6 : i32
      %get3A_250 = arith.index_cast %get3A_249 : i32 to index
      %get3A_251 = arith.index_cast %mul3A_248 : i32 to index
      %get3A_252 = tpu.vector_load %arg8[%get3A_250, %get3A_251] {strides = array<i32>} : memref<20x128xi32, #tpu.memory_space<vmem>>, vector<16xi32>,
      %mul3A_253 = arith.constant 16 : i32
      %mul3A_254 = arith.muli %scan3A_201, %mul3A_253 : i32
      %get3A_255 = arith.constant 7 : i32
      %get3A_256 = arith.index_cast %get3A_255 : i32 to index
      %get3A_257 = arith.index_cast %mul3A_254 : i32 to index
      %get3A_258 = tpu.vector_load %arg8[%get3A_256, %get3A_257] {strides = array<i32>} : memref<20x128xi32, #tpu.memory_space<vmem>>, vector<16xi32>,
      %add3A_259 = arith.addi %get3A_216, %mul3A_208 : vector<16xi32>
      %add3A_260 = arith.addi %get3A_222, %mul3A_208 : vector<16xi32>
      %add3A_261 = arith.addi %get3A_228, %mul3A_208 : vector<16xi32>
      %add3A_262 = arith.addi %get3A_234, %mul3A_208 : vector<16xi32>
      %add3A_263 = arith.addi %get3A_240, %mul3A_208 : vector<16xi32>
      %add3A_264 = arith.addi %get3A_246, %mul3A_208 : vector<16xi32>
      %add3A_265 = arith.addi %get3A_252, %mul3A_208 : vector<16xi32>
      %add3A_266 = arith.addi %get3A_258, %mul3A_208 : vector<16xi32>
      tpu.vector_store_idx %arg14[%add3A_259], %broadcast_in_dim3A_3 {add = true} : memref<16384xf32, #tpu.memory_space<vmem>>[vector<16xi32>], vector<16xf32>,
      tpu.vector_store_idx %arg14[%add3A_260], %broadcast_in_dim3A_3 {add = true} : memref<16384xf32, #tpu.memory_space<vmem>>[vector<16xi32>], vector<16xf32>,
      tpu.vector_store_idx %arg14[%add3A_261], %broadcast_in_dim3A_3 {add = true} : memref<16384xf32, #tpu.memory_space<vmem>>[vector<16xi32>], vector<16xf32>,
      tpu.vector_store_idx %arg14[%add3A_262], %broadcast_in_dim3A_3 {add = true} : memref<16384xf32, #tpu.memory_space<vmem>>[vector<16xi32>], vector<16xf32>,
      tpu.vector_store_idx %arg14[%add3A_263], %broadcast_in_dim3A_3 {add = true} : memref<16384xf32, #tpu.memory_space<vmem>>[vector<16xi32>], vector<16xf32>,
      tpu.vector_store_idx %arg14[%add3A_264], %broadcast_in_dim3A_3 {add = true} : memref<16384xf32, #tpu.memory_space<vmem>>[vector<16xi32>], vector<16xf32>,
      tpu.vector_store_idx %arg14[%add3A_265], %broadcast_in_dim3A_3 {add = true} : memref<16384xf32, #tpu.memory_space<vmem>>[vector<16xi32>], vector<16xf32>,
      tpu.vector_store_idx %arg14[%add3A_266], %broadcast_in_dim3A_3 {add = true} : memref<16384xf32, #tpu.memory_space<vmem>>[vector<16xi32>], vector<16xf32>,
      %mul3A_267 = arith.constant 16 : i32
      %mul3A_268 = arith.muli %scan3A_201, %mul3A_267 : i32
      %get3A_269 = arith.constant 8 : i32
      %get3A_270 = arith.index_cast %get3A_269 : i32 to index
      %get3A_271 = arith.index_cast %mul3A_268 : i32 to index
      %get3A_272 = tpu.vector_load %arg8[%get3A_270, %get3A_271] {strides = array<i32>} : memref<20x128xi32, #tpu.memory_space<vmem>>, vector<16xi32>,
      %mul3A_273 = arith.constant 16 : i32
      %mul3A_274 = arith.muli %scan3A_201, %mul3A_273 : i32
      %get3A_275 = arith.constant 9 : i32
      %get3A_276 = arith.index_cast %get3A_275 : i32 to index
      %get3A_277 = arith.index_cast %mul3A_274 : i32 to index
      %get3A_278 = tpu.vector_load %arg8[%get3A_276, %get3A_277] {strides = array<i32>} : memref<20x128xi32, #tpu.memory_space<vmem>>, vector<16xi32>,
      %mul3A_279 = arith.constant 16 : i32
      %mul3A_280 = arith.muli %scan3A_201, %mul3A_279 : i32
      %get3A_281 = arith.constant 10 : i32
      %get3A_282 = arith.index_cast %get3A_281 : i32 to index
      %get3A_283 = arith.index_cast %mul3A_280 : i32 to index
      %get3A_284 = tpu.vector_load %arg8[%get3A_282, %get3A_283] {strides = array<i32>} : memref<20x128xi32, #tpu.memory_space<vmem>>, vector<16xi32>,
      %mul3A_285 = arith.constant 16 : i32
      %mul3A_286 = arith.muli %scan3A_201, %mul3A_285 : i32
      %get3A_287 = arith.constant 11 : i32
      %get3A_288 = arith.index_cast %get3A_287 : i32 to index
      %get3A_289 = arith.index_cast %mul3A_286 : i32 to index
      %get3A_290 = tpu.vector_load %arg8[%get3A_288, %get3A_289] {strides = array<i32>} : memref<20x128xi32, #tpu.memory_space<vmem>>, vector<16xi32>,
      %mul3A_291 = arith.constant 16 : i32
      %mul3A_292 = arith.muli %scan3A_201, %mul3A_291 : i32
      %get3A_293 = arith.constant 12 : i32
      %get3A_294 = arith.index_cast %get3A_293 : i32 to index
      %get3A_295 = arith.index_cast %mul3A_292 : i32 to index
      %get3A_296 = tpu.vector_load %arg8[%get3A_294, %get3A_295] {strides = array<i32>} : memref<20x128xi32, #tpu.memory_space<vmem>>, vector<16xi32>,
      %mul3A_297 = arith.constant 16 : i32
      %mul3A_298 = arith.muli %scan3A_201, %mul3A_297 : i32
      %get3A_299 = arith.constant 13 : i32
      %get3A_300 = arith.index_cast %get3A_299 : i32 to index
      %get3A_301 = arith.index_cast %mul3A_298 : i32 to index
      %get3A_302 = tpu.vector_load %arg8[%get3A_300, %get3A_301] {strides = array<i32>} : memref<20x128xi32, #tpu.memory_space<vmem>>, vector<16xi32>,
      %mul3A_303 = arith.constant 16 : i32
      %mul3A_304 = arith.muli %scan3A_201, %mul3A_303 : i32
      %get3A_305 = arith.constant 14 : i32
      %get3A_306 = arith.index_cast %get3A_305 : i32 to index
      %get3A_307 = arith.index_cast %mul3A_304 : i32 to index
      %get3A_308 = tpu.vector_load %arg8[%get3A_306, %get3A_307] {strides = array<i32>} : memref<20x128xi32, #tpu.memory_space<vmem>>, vector<16xi32>,
      %mul3A_309 = arith.constant 16 : i32
      %mul3A_310 = arith.muli %scan3A_201, %mul3A_309 : i32
      %get3A_311 = arith.constant 15 : i32
      %get3A_312 = arith.index_cast %get3A_311 : i32 to index
      %get3A_313 = arith.index_cast %mul3A_310 : i32 to index
      %get3A_314 = tpu.vector_load %arg8[%get3A_312, %get3A_313] {strides = array<i32>} : memref<20x128xi32, #tpu.memory_space<vmem>>, vector<16xi32>,
      %add3A_315 = arith.addi %get3A_272, %mul3A_208 : vector<16xi32>
      %add3A_316 = arith.addi %get3A_278, %mul3A_208 : vector<16xi32>
      %add3A_317 = arith.addi %get3A_284, %mul3A_208 : vector<16xi32>
      %add3A_318 = arith.addi %get3A_290, %mul3A_208 : vector<16xi32>
      %add3A_319 = arith.addi %get3A_296, %mul3A_208 : vector<16xi32>
      %add3A_320 = arith.addi %get3A_302, %mul3A_208 : vector<16xi32>
      %add3A_321 = arith.addi %get3A_308, %mul3A_208 : vector<16xi32>
      %add3A_322 = arith.addi %get3A_314, %mul3A_208 : vector<16xi32>
      tpu.vector_store_idx %arg14[%add3A_315], %broadcast_in_dim3A_3 {add = true} : memref<16384xf32, #tpu.memory_space<vmem>>[vector<16xi32>], vector<16xf32>,
      tpu.vector_store_idx %arg14[%add3A_316], %broadcast_in_dim3A_3 {add = true} : memref<16384xf32, #tpu.memory_space<vmem>>[vector<16xi32>], vector<16xf32>,
      tpu.vector_store_idx %arg14[%add3A_317], %broadcast_in_dim3A_3 {add = true} : memref<16384xf32, #tpu.memory_space<vmem>>[vector<16xi32>], vector<16xf32>,
      tpu.vector_store_idx %arg14[%add3A_318], %broadcast_in_dim3A_3 {add = true} : memref<16384xf32, #tpu.memory_space<vmem>>[vector<16xi32>], vector<16xf32>,
      tpu.vector_store_idx %arg14[%add3A_319], %broadcast_in_dim3A_3 {add = true} : memref<16384xf32, #tpu.memory_space<vmem>>[vector<16xi32>], vector<16xf32>,
      tpu.vector_store_idx %arg14[%add3A_320], %broadcast_in_dim3A_3 {add = true} : memref<16384xf32, #tpu.memory_space<vmem>>[vector<16xi32>], vector<16xf32>,
      tpu.vector_store_idx %arg14[%add3A_321], %broadcast_in_dim3A_3 {add = true} : memref<16384xf32, #tpu.memory_space<vmem>>[vector<16xi32>], vector<16xf32>,
      tpu.vector_store_idx %arg14[%add3A_322], %broadcast_in_dim3A_3 {add = true} : memref<16384xf32, #tpu.memory_space<vmem>>[vector<16xi32>], vector<16xf32>,
      %mul3A_323 = arith.constant 16 : i32
      %mul3A_324 = arith.muli %scan3A_201, %mul3A_323 : i32
      %get3A_325 = arith.constant 16 : i32
      %get3A_326 = arith.index_cast %get3A_325 : i32 to index
      %get3A_327 = arith.index_cast %mul3A_324 : i32 to index
      %get3A_328 = tpu.vector_load %arg8[%get3A_326, %get3A_327] {strides = array<i32>} : memref<20x128xi32, #tpu.memory_space<vmem>>, vector<16xi32>,
      %mul3A_329 = arith.constant 16 : i32
      %mul3A_330 = arith.muli %scan3A_201, %mul3A_329 : i32
      %get3A_331 = arith.constant 17 : i32
      %get3A_332 = arith.index_cast %get3A_331 : i32 to index
      %get3A_333 = arith.index_cast %mul3A_330 : i32 to index
      %get3A_334 = tpu.vector_load %arg8[%get3A_332, %get3A_333] {strides = array<i32>} : memref<20x128xi32, #tpu.memory_space<vmem>>, vector<16xi32>,
      %mul3A_335 = arith.constant 16 : i32
      %mul3A_336 = arith.muli %scan3A_201, %mul3A_335 : i32
      %get3A_337 = arith.constant 18 : i32
      %get3A_338 = arith.index_cast %get3A_337 : i32 to index
      %get3A_339 = arith.index_cast %mul3A_336 : i32 to index
      %get3A_340 = tpu.vector_load %arg8[%get3A_338, %get3A_339] {strides = array<i32>} : memref<20x128xi32, #tpu.memory_space<vmem>>, vector<16xi32>,
      %mul3A_341 = arith.constant 16 : i32
      %mul3A_342 = arith.muli %scan3A_201, %mul3A_341 : i32
      %get3A_343 = arith.constant 19 : i32
      %get3A_344 = arith.index_cast %get3A_343 : i32 to index
      %get3A_345 = arith.index_cast %mul3A_342 : i32 to index
      %get3A_346 = tpu.vector_load %arg8[%get3A_344, %get3A_345] {strides = array<i32>} : memref<20x128xi32, #tpu.memory_space<vmem>>, vector<16xi32>,
      %mul3A_347 = arith.constant 16 : i32
      %mul3A_348 = arith.muli %scan3A_201, %mul3A_347 : i32
      %get3A_349 = arith.constant 0 : i32
      %get3A_350 = arith.index_cast %get3A_349 : i32 to index
      %get3A_351 = arith.index_cast %mul3A_348 : i32 to index
      %get3A_352 = tpu.vector_load %arg9[%get3A_350, %get3A_351] {strides = array<i32>} : memref<7x128xi32, #tpu.memory_space<vmem>>, vector<16xi32>,
      %mul3A_353 = arith.constant 16 : i32
      %mul3A_354 = arith.muli %scan3A_201, %mul3A_353 : i32
      %get3A_355 = arith.constant 1 : i32
      %get3A_356 = arith.index_cast %get3A_355 : i32 to index
      %get3A_357 = arith.index_cast %mul3A_354 : i32 to index
      %get3A_358 = tpu.vector_load %arg9[%get3A_356, %get3A_357] {strides = array<i32>} : memref<7x128xi32, #tpu.memory_space<vmem>>, vector<16xi32>,
      %mul3A_359 = arith.constant 16 : i32
      %mul3A_360 = arith.muli %scan3A_201, %mul3A_359 : i32
      %get3A_361 = arith.constant 2 : i32
      %get3A_362 = arith.index_cast %get3A_361 : i32 to index
      %get3A_363 = arith.index_cast %mul3A_360 : i32 to index
      %get3A_364 = tpu.vector_load %arg9[%get3A_362, %get3A_363] {strides = array<i32>} : memref<7x128xi32, #tpu.memory_space<vmem>>, vector<16xi32>,
      %mul3A_365 = arith.constant 16 : i32
      %mul3A_366 = arith.muli %scan3A_201, %mul3A_365 : i32
      %get3A_367 = arith.constant 3 : i32
      %get3A_368 = arith.index_cast %get3A_367 : i32 to index
      %get3A_369 = arith.index_cast %mul3A_366 : i32 to index
      %get3A_370 = tpu.vector_load %arg9[%get3A_368, %get3A_369] {strides = array<i32>} : memref<7x128xi32, #tpu.memory_space<vmem>>, vector<16xi32>,
      %add3A_371 = arith.addi %get3A_328, %mul3A_208 : vector<16xi32>
      %add3A_372 = arith.addi %get3A_334, %mul3A_208 : vector<16xi32>
      %add3A_373 = arith.addi %get3A_340, %mul3A_208 : vector<16xi32>
      %add3A_374 = arith.addi %get3A_346, %mul3A_208 : vector<16xi32>
      %add3A_375 = arith.addi %get3A_352, %add3A_211 : vector<16xi32>
      %add3A_376 = arith.addi %get3A_358, %add3A_211 : vector<16xi32>
      %add3A_377 = arith.addi %get3A_364, %add3A_211 : vector<16xi32>
      %add3A_378 = arith.addi %get3A_370, %add3A_211 : vector<16xi32>
      tpu.vector_store_idx %arg14[%add3A_371], %broadcast_in_dim3A_3 {add = true} : memref<16384xf32, #tpu.memory_space<vmem>>[vector<16xi32>], vector<16xf32>,
      tpu.vector_store_idx %arg14[%add3A_372], %broadcast_in_dim3A_3 {add = true} : memref<16384xf32, #tpu.memory_space<vmem>>[vector<16xi32>], vector<16xf32>,
      tpu.vector_store_idx %arg14[%add3A_373], %broadcast_in_dim3A_3 {add = true} : memref<16384xf32, #tpu.memory_space<vmem>>[vector<16xi32>], vector<16xf32>,
      tpu.vector_store_idx %arg14[%add3A_374], %broadcast_in_dim3A_3 {add = true} : memref<16384xf32, #tpu.memory_space<vmem>>[vector<16xi32>], vector<16xf32>,
      tpu.vector_store_idx %arg14[%add3A_375], %broadcast_in_dim3A_3 {add = true} : memref<16384xf32, #tpu.memory_space<vmem>>[vector<16xi32>], vector<16xf32>,
      tpu.vector_store_idx %arg14[%add3A_376], %broadcast_in_dim3A_3 {add = true} : memref<16384xf32, #tpu.memory_space<vmem>>[vector<16xi32>], vector<16xf32>,
      tpu.vector_store_idx %arg14[%add3A_377], %broadcast_in_dim3A_3 {add = true} : memref<16384xf32, #tpu.memory_space<vmem>>[vector<16xi32>], vector<16xf32>,
      tpu.vector_store_idx %arg14[%add3A_378], %broadcast_in_dim3A_3 {add = true} : memref<16384xf32, #tpu.memory_space<vmem>>[vector<16xi32>], vector<16xf32>,
      %mul3A_379 = arith.constant 16 : i32
      %mul3A_380 = arith.muli %scan3A_201, %mul3A_379 : i32
      %get3A_381 = arith.constant 4 : i32
      %get3A_382 = arith.index_cast %get3A_381 : i32 to index
      %get3A_383 = arith.index_cast %mul3A_380 : i32 to index
      %get3A_384 = tpu.vector_load %arg9[%get3A_382, %get3A_383] {strides = array<i32>} : memref<7x128xi32, #tpu.memory_space<vmem>>, vector<16xi32>,
      %mul3A_385 = arith.constant 16 : i32
      %mul3A_386 = arith.muli %scan3A_201, %mul3A_385 : i32
      %get3A_387 = arith.constant 5 : i32
      %get3A_388 = arith.index_cast %get3A_387 : i32 to index
      %get3A_389 = arith.index_cast %mul3A_386 : i32 to index
      %get3A_390 = tpu.vector_load %arg9[%get3A_388, %get3A_389] {strides = array<i32>} : memref<7x128xi32, #tpu.memory_space<vmem>>, vector<16xi32>,
      %mul3A_391 = arith.constant 16 : i32
      %mul3A_392 = arith.muli %scan3A_201, %mul3A_391 : i32
      %get3A_393 = arith.constant 6 : i32
      %get3A_394 = arith.index_cast %get3A_393 : i32 to index
      %get3A_395 = arith.index_cast %mul3A_392 : i32 to index
      %get3A_396 = tpu.vector_load %arg9[%get3A_394, %get3A_395] {strides = array<i32>} : memref<7x128xi32, #tpu.memory_space<vmem>>, vector<16xi32>,
      %add3A_397 = arith.addi %get3A_384, %add3A_211 : vector<16xi32>
      %add3A_398 = arith.addi %get3A_390, %add3A_211 : vector<16xi32>
      %add3A_399 = arith.addi %get3A_396, %add3A_211 : vector<16xi32>
      tpu.vector_store_idx %arg14[%add3A_397], %broadcast_in_dim3A_3 {add = true} : memref<16384xf32, #tpu.memory_space<vmem>>[vector<16xi32>], vector<16xf32>,
      tpu.vector_store_idx %arg14[%add3A_398], %broadcast_in_dim3A_3 {add = true} : memref<16384xf32, #tpu.memory_space<vmem>>[vector<16xi32>], vector<16xf32>,
      tpu.vector_store_idx %arg14[%add3A_399], %broadcast_in_dim3A_3 {add = true} : memref<16384xf32, #tpu.memory_space<vmem>>[vector<16xi32>], vector<16xf32>,
      %mul3A_400 = arith.constant 16 : i32
      %mul3A_401 = arith.muli %scan3A_201, %mul3A_400 : i32
      %get3A_402 = arith.index_cast %mul3A_401 : i32 to index
      %get3A_403 = tpu.vector_load %arg10[%get3A_402] {strides = array<i32>} : memref<128xi32, #tpu.memory_space<vmem>>, vector<16xi32>,
      %mul3A_404 = arith.constant 16 : i32
      %mul3A_405 = arith.muli %scan3A_201, %mul3A_404 : i32
      %get3A_406 = arith.index_cast %mul3A_405 : i32 to index
      %get3A_407 = tpu.vector_load %arg11[%get3A_406] {strides = array<i32>} : memref<128xi32, #tpu.memory_space<vmem>>, vector<16xi32>,
      %mul3A_408 = arith.constant 16 : i32
      %mul3A_409 = arith.muli %scan3A_201, %mul3A_408 : i32
      %get3A_410 = arith.index_cast %mul3A_409 : i32 to index
      %get3A_411 = tpu.vector_load %arg12[%get3A_410] {strides = array<i32>} : memref<128xf32, #tpu.memory_space<vmem>>, vector<16xf32>,
      %add3A_412 = arith.constant 60 : i32
      %add3A_413 = vector.broadcast %add3A_412 : i32 to vector<16xi32>
      %add3A_414 = arith.addi %mul3A_208, %add3A_413 : vector<16xi32>
      %add3A_415 = arith.addi %get3A_403, %add3A_414 : vector<16xi32>
      tpu.vector_store_idx %arg14[%add3A_415], %broadcast_in_dim3A_3 {add = true} : memref<16384xf32, #tpu.memory_space<vmem>>[vector<16xi32>], vector<16xf32>,
      %add3A_416 = arith.constant 62 : i32
      %add3A_417 = vector.broadcast %add3A_416 : i32 to vector<16xi32>
      %add3A_418 = arith.addi %mul3A_208, %add3A_417 : vector<16xi32>
      %add3A_419 = arith.addi %get3A_407, %add3A_418 : vector<16xi32>
      tpu.vector_store_idx %arg14[%add3A_419], %broadcast_in_dim3A_3 {add = true} : memref<16384xf32, #tpu.memory_space<vmem>>[vector<16xi32>], vector<16xf32>,
      %add3A_420 = arith.constant 64 : i32
      %add3A_421 = vector.broadcast %add3A_420 : i32 to vector<16xi32>
      %add3A_422 = arith.addi %mul3A_208, %add3A_421 : vector<16xi32>
      tpu.vector_store_idx %arg14[%add3A_422], %get3A_411 : memref<16384xf32, #tpu.memory_space<vmem>>[vector<16xi32>], vector<16xf32>,
    }
    %scan3A_192 = arith.constant 8 : i32
    %mul3A_193 = arith.constant 128 : i32
    %mul3A_194 = arith.muli %add3A_150, %mul3A_193 : i32
    %dma_start3A_195 = tpu.memref_slice %arg7[%mul3A_194] : memref<2097152xf32, #tpu.memory_space<hbm>> -> memref<16384xf32, #tpu.memory_space<hbm>>
    %dma_start3A_196 = tpu.memref_slice %arg7[%mul3A_194] : memref<2097152xf32, #tpu.memory_space<hbm>> -> memref<16384xf32, #tpu.memory_space<hbm>>
    tpu.enqueue_dma source(%arg14 : memref<16384xf32, #tpu.memory_space<vmem>>) target(%dma_start3A_196 : memref<16384xf32, #tpu.memory_space<hbm>>) target_semaphore(%arg16 : memref<!tpu.dma_semaphore, #tpu.memory_space<semaphore_mem>>)
    %dma_wait3A_197 = tpu.memref_slice %arg7[%mul3A_144] : memref<2097152xf32, #tpu.memory_space<hbm>> -> memref<16384xf32, #tpu.memory_space<hbm>>
    %dma_wait3A_198 = tpu.memref_slice %arg7[%mul3A_144] : memref<2097152xf32, #tpu.memory_space<hbm>> -> memref<16384xf32, #tpu.memory_space<hbm>>
    tpu.wait_dma2 semaphore(%arg16 : memref<!tpu.dma_semaphore, #tpu.memory_space<semaphore_mem>>) src(%arg13 : memref<16384xf32, #tpu.memory_space<vmem>>) dst(%dma_wait3A_198 : memref<16384xf32, #tpu.memory_space<hbm>>)
    %dma_wait3A_199 = tpu.memref_slice %arg7[%mul3A_194] : memref<2097152xf32, #tpu.memory_space<hbm>> -> memref<16384xf32, #tpu.memory_space<hbm>>
    %dma_wait3A_200 = tpu.memref_slice %arg7[%mul3A_194] : memref<2097152xf32, #tpu.memory_space<hbm>> -> memref<16384xf32, #tpu.memory_space<hbm>>
    tpu.wait_dma2 semaphore(%arg16 : memref<!tpu.dma_semaphore, #tpu.memory_space<semaphore_mem>>) src(%arg14 : memref<16384xf32, #tpu.memory_space<vmem>>) dst(%dma_wait3A_200 : memref<16384xf32, #tpu.memory_space<hbm>>)
    return
  }
}

module attributes {stable_mosaic.version = 14 : i64} {
  func.func @_tc_mlp_body(%arg0: i32, %arg1: memref<8192x128xf32, #tpu.memory_space<vmem>>, %arg2: memref<52x10xf32, #tpu.memory_space<vmem>>, %arg3: memref<2x4xf32, #tpu.memory_space<vmem>>, %arg4: memref<8x4xf32, #tpu.memory_space<vmem>>, %arg5: memref<10x64xf32, #tpu.memory_space<vmem>>, %arg6: memref<4x64xf32, #tpu.memory_space<vmem>>, %arg7: memref<4x64xf32, #tpu.memory_space<vmem>>, %arg8: memref<4x64xf32, #tpu.memory_space<vmem>>, %arg9: memref<1x64xf32, #tpu.memory_space<vmem>>, %arg10: memref<1x64xf32, #tpu.memory_space<vmem>>, %arg11: memref<64x32xf32, #tpu.memory_space<vmem>>, %arg12: memref<32x1xf32, #tpu.memory_space<vmem>>, %arg13: memref<32x8192xf32, #tpu.memory_space<vmem>>) attributes {dimension_semantics = [#tpu.dimension_semantics<parallel>], iteration_bounds = array<i64: 2>, scalar_prefetch = 0 : i64, scratch_operands = 0 : i64, tpu.core_type = #tpu.core_type<tc>, window_params = [{transform_indices = @transform_0, window_bounds = array<i64: 8192, 128>}, {pipeline_mode = #tpu.pipeline_mode<synchronous>, transform_indices = @transform_1, window_bounds = array<i64: 52, 10>}, {pipeline_mode = #tpu.pipeline_mode<synchronous>, transform_indices = @transform_2, window_bounds = array<i64: 2, 4>}, {pipeline_mode = #tpu.pipeline_mode<synchronous>, transform_indices = @transform_3, window_bounds = array<i64: 8, 4>}, {pipeline_mode = #tpu.pipeline_mode<synchronous>, transform_indices = @transform_4, window_bounds = array<i64: 10, 64>}, {pipeline_mode = #tpu.pipeline_mode<synchronous>, transform_indices = @transform_5, window_bounds = array<i64: 4, 64>}, {pipeline_mode = #tpu.pipeline_mode<synchronous>, transform_indices = @transform_6, window_bounds = array<i64: 4, 64>}, {pipeline_mode = #tpu.pipeline_mode<synchronous>, transform_indices = @transform_7, window_bounds = array<i64: 4, 64>}, {pipeline_mode = #tpu.pipeline_mode<synchronous>, transform_indices = @transform_8, window_bounds = array<i64: 1, 64>}, {pipeline_mode = #tpu.pipeline_mode<synchronous>, transform_indices = @transform_9, window_bounds = array<i64: 1, 64>}, {pipeline_mode = #tpu.pipeline_mode<synchronous>, transform_indices = @transform_10, window_bounds = array<i64: 64, 32>}, {pipeline_mode = #tpu.pipeline_mode<synchronous>, transform_indices = @transform_11, window_bounds = array<i64: 32, 1>}, {transform_indices = @transform_12, window_bounds = array<i64: 32, 8192>}]} {
    %get3A = arith.constant 0 : index
    %get3A_0 = arith.constant 0 : index
    %get3A_1 = vector.load %arg1[%get3A, %get3A_0] : memref<8192x128xf32, #tpu.memory_space<vmem>>, vector<8192x128xf32>
    %iota3A = tpu.iota {dimensions = array<i32: 1>} : vector<1x128xi32>
    %lt3A = arith.constant 65 : i32
    %lt3A_2 = vector.broadcast %lt3A : i32 to vector<1x128xi32>
    %lt3A_3 = arith.cmpi slt, %iota3A, %lt3A_2 : vector<1x128xi32>
    %jit3A = arith.constant 0.000000e+00 : f32
    %broadcast_in_dim3A = vector.shape_cast %lt3A_3 : vector<1x128xi1> to vector<1x128xi1>
    %broadcast_in_dim3A_4 = vector.broadcast %broadcast_in_dim3A : vector<1x128xi1> to vector<8192x128xi1>
    %broadcast_in_dim3A_5 = vector.broadcast %jit3A : f32 to vector<8192x128xf32>
    %select_n3A = arith.select %broadcast_in_dim3A_4, %get3A_1, %broadcast_in_dim3A_5 : vector<8192x128xi1>, vector<8192x128xf32>
    %get3A_6 = arith.constant 0 : index
    %get3A_7 = arith.constant 0 : index
    %get3A_8 = vector.load %arg2[%get3A_6, %get3A_7] : memref<52x10xf32, #tpu.memory_space<vmem>>, vector<52x10xf32>
    %get3A_9 = arith.constant 0 : index
    %get3A_10 = arith.constant 0 : index
    %get3A_11 = vector.load %arg5[%get3A_9, %get3A_10] : memref<10x64xf32, #tpu.memory_space<vmem>>, vector<10x64xf32>
    %dot_general3A = arith.constant dense<0.000000e+00> : vector<52x64xf32>
    %dot_general3A_12 = tpu.matmul %get3A_8, %get3A_11, %dot_general3A {dimension_numbers = #tpu.dot_dimension_numbers<[1], [0], [0], [1], [0, 0, 1, 1], [], []>, transpose_lhs_hint = false} : vector<52x10xf32>, vector<10x64xf32>, vector<52x64xf32> -> vector<52x64xf32>
    %get3A_13 = arith.constant 0 : index
    %get3A_14 = arith.constant 0 : index
    %get3A_15 = vector.load %arg4[%get3A_13, %get3A_14] : memref<8x4xf32, #tpu.memory_space<vmem>>, vector<8x4xf32>
    %get3A_16 = arith.constant 0 : index
    %get3A_17 = arith.constant 0 : index
    %get3A_18 = vector.load %arg8[%get3A_16, %get3A_17] : memref<4x64xf32, #tpu.memory_space<vmem>>, vector<4x64xf32>
    %dot_general3A_19 = arith.constant dense<0.000000e+00> : vector<8x64xf32>
    %dot_general3A_20 = tpu.matmul %get3A_15, %get3A_18, %dot_general3A_19 {dimension_numbers = #tpu.dot_dimension_numbers<[1], [0], [0], [1], [0, 0, 1, 1], [], []>, transpose_lhs_hint = false} : vector<8x4xf32>, vector<4x64xf32>, vector<8x64xf32> -> vector<8x64xf32>
    %get3A_21 = arith.constant 0 : index
    %get3A_22 = arith.constant 0 : index
    %get3A_23 = vector.load %arg3[%get3A_21, %get3A_22] : memref<2x4xf32, #tpu.memory_space<vmem>>, vector<2x4xf32>
    %get3A_24 = arith.constant 0 : index
    %get3A_25 = arith.constant 0 : index
    %get3A_26 = vector.load %arg6[%get3A_24, %get3A_25] : memref<4x64xf32, #tpu.memory_space<vmem>>, vector<4x64xf32>
    %dot_general3A_27 = arith.constant dense<0.000000e+00> : vector<2x64xf32>
    %dot_general3A_28 = tpu.matmul %get3A_23, %get3A_26, %dot_general3A_27 {dimension_numbers = #tpu.dot_dimension_numbers<[1], [0], [0], [1], [0, 0, 1, 1], [], []>, transpose_lhs_hint = false} : vector<2x4xf32>, vector<4x64xf32>, vector<2x64xf32> -> vector<2x64xf32>
    %get3A_29 = arith.constant 0 : index
    %get3A_30 = arith.constant 0 : index
    %get3A_31 = vector.load %arg3[%get3A_29, %get3A_30] : memref<2x4xf32, #tpu.memory_space<vmem>>, vector<2x4xf32>
    %get3A_32 = arith.constant 0 : index
    %get3A_33 = arith.constant 0 : index
    %get3A_34 = vector.load %arg7[%get3A_32, %get3A_33] : memref<4x64xf32, #tpu.memory_space<vmem>>, vector<4x64xf32>
    %dot_general3A_35 = arith.constant dense<0.000000e+00> : vector<2x64xf32>
    %dot_general3A_36 = tpu.matmul %get3A_31, %get3A_34, %dot_general3A_35 {dimension_numbers = #tpu.dot_dimension_numbers<[1], [0], [0], [1], [0, 0, 1, 1], [], []>, transpose_lhs_hint = false} : vector<2x4xf32>, vector<4x64xf32>, vector<2x64xf32> -> vector<2x64xf32>
    %get3A_37 = arith.constant 0 : index
    %get3A_38 = arith.constant 0 : index
    %get3A_39 = vector.load %arg9[%get3A_37, %get3A_38] : memref<1x64xf32, #tpu.memory_space<vmem>>, vector<1x64xf32>
    %mul3A = arith.constant 5.000000e-02 : f32
    %mul3A_40 = vector.broadcast %mul3A : f32 to vector<52x64xf32>
    %mul3A_41 = arith.mulf %dot_general3A_12, %mul3A_40 : vector<52x64xf32>
    %mul3A_42 = arith.constant 0.142857149 : f32
    %mul3A_43 = vector.broadcast %mul3A_42 : f32 to vector<8x64xf32>
    %mul3A_44 = arith.mulf %dot_general3A_20, %mul3A_43 : vector<8x64xf32>
    %mul3A_45 = arith.constant 0.15384616 : f32
    %mul3A_46 = vector.broadcast %mul3A_45 : f32 to vector<1x64xf32>
    %mul3A_47 = arith.mulf %get3A_39, %mul3A_46 : vector<1x64xf32>
    %broadcast_in_dim3A_48 = arith.constant 0.000000e+00 : f32
    %broadcast_in_dim3A_49 = vector.broadcast %broadcast_in_dim3A_48 : f32 to vector<63x64xf32>
    %concatenate3A = tpu.concatenate %mul3A_41, %mul3A_44, %dot_general3A_28, %dot_general3A_36, %mul3A_47, %broadcast_in_dim3A_49 in 0 : vector<52x64xf32>, vector<8x64xf32>, vector<2x64xf32>, vector<2x64xf32>, vector<1x64xf32>, vector<63x64xf32> -> vector<128x64xf32>
    %get3A_50 = arith.constant 0 : index
    %get3A_51 = arith.constant 0 : index
    %get3A_52 = vector.load %arg10[%get3A_50, %get3A_51] : memref<1x64xf32, #tpu.memory_space<vmem>>, vector<1x64xf32>
    %mul3A_53 = arith.constant 2.92307687 : f32
    %mul3A_54 = vector.broadcast %mul3A_53 : f32 to vector<1x64xf32>
    %mul3A_55 = arith.mulf %mul3A_54, %get3A_39 : vector<1x64xf32>
    %sub3A = arith.subf %get3A_52, %mul3A_55 : vector<1x64xf32>
    %dot_general3A_56 = arith.constant dense<0.000000e+00> : vector<8192x64xf32>
    %dot_general3A_57 = tpu.matmul %select_n3A, %concatenate3A, %dot_general3A_56 {dimension_numbers = #tpu.dot_dimension_numbers<[1], [0], [0], [1], [0, 0, 1, 1], [], []>, transpose_lhs_hint = false} : vector<8192x128xf32>, vector<128x64xf32>, vector<8192x64xf32> -> vector<8192x64xf32>
    %add3A = vector.broadcast %sub3A : vector<1x64xf32> to vector<8192x64xf32>
    %add3A_58 = arith.addf %dot_general3A_57, %add3A : vector<8192x64xf32>
    %max3A = arith.constant 0.000000e+00 : f32
    %max3A_59 = vector.broadcast %max3A : f32 to vector<8192x64xf32>
    %max3A_60 = arith.maximumf %add3A_58, %max3A_59 : vector<8192x64xf32>
    %get3A_61 = arith.constant 0 : index
    %get3A_62 = arith.constant 0 : index
    %get3A_63 = vector.load %arg11[%get3A_61, %get3A_62] : memref<64x32xf32, #tpu.memory_space<vmem>>, vector<64x32xf32>
    %dot_general3A_64 = arith.constant dense<0.000000e+00> : vector<32x8192xf32>
    %dot_general3A_65 = tpu.matmul %get3A_63, %max3A_60, %dot_general3A_64 {dimension_numbers = #tpu.dot_dimension_numbers<[0], [1], [1], [0], [0, 1, 1, 0], [], []>, transpose_lhs_hint = false} : vector<64x32xf32>, vector<8192x64xf32>, vector<32x8192xf32> -> vector<32x8192xf32>
    %get3A_66 = arith.constant 0 : index
    %get3A_67 = arith.constant 0 : index
    %get3A_68 = vector.load %arg12[%get3A_66, %get3A_67] : memref<32x1xf32, #tpu.memory_space<vmem>>, vector<32x1xf32>
    %add3A_69 = vector.broadcast %get3A_68 : vector<32x1xf32> to vector<32x8192xf32>
    %add3A_70 = arith.addf %dot_general3A_65, %add3A_69 : vector<32x8192xf32>
    %swap3A = arith.constant 0 : index
    %swap3A_71 = arith.constant 0 : index
    %swap3A_72 = vector.load %arg13[%swap3A, %swap3A_71] : memref<32x8192xf32, #tpu.memory_space<vmem>>, vector<32x8192xf32>
    tpu.vector_store %arg13[%swap3A, %swap3A_71], %add3A_70 {strides = array<i32>} : memref<32x8192xf32, #tpu.memory_space<vmem>>, vector<32x8192xf32>,
    return
  }
  func.func @transform_0(%arg0: i32) -> (i32, i32) {
    %c0_i32 = arith.constant 0 : i32
    %c0_i32_0 = arith.constant 0 : i32
    return %arg0, %c0_i32 : i32, i32
  }
  func.func @transform_1(%arg0: i32) -> (i32, i32) {
    %c0_i32 = arith.constant 0 : i32
    %c0_i32_0 = arith.constant 0 : i32
    %c0_i32_1 = arith.constant 0 : i32
    return %c0_i32, %c0_i32_0 : i32, i32
  }
  func.func @transform_2(%arg0: i32) -> (i32, i32) {
    %c0_i32 = arith.constant 0 : i32
    %c0_i32_0 = arith.constant 0 : i32
    %c0_i32_1 = arith.constant 0 : i32
    return %c0_i32, %c0_i32_0 : i32, i32
  }
  func.func @transform_3(%arg0: i32) -> (i32, i32) {
    %c0_i32 = arith.constant 0 : i32
    %c0_i32_0 = arith.constant 0 : i32
    %c0_i32_1 = arith.constant 0 : i32
    return %c0_i32, %c0_i32_0 : i32, i32
  }
  func.func @transform_4(%arg0: i32) -> (i32, i32) {
    %c0_i32 = arith.constant 0 : i32
    %c0_i32_0 = arith.constant 0 : i32
    %c0_i32_1 = arith.constant 0 : i32
    return %c0_i32, %c0_i32_0 : i32, i32
  }
  func.func @transform_5(%arg0: i32) -> (i32, i32) {
    %c0_i32 = arith.constant 0 : i32
    %c0_i32_0 = arith.constant 0 : i32
    %c0_i32_1 = arith.constant 0 : i32
    return %c0_i32, %c0_i32_0 : i32, i32
  }
  func.func @transform_6(%arg0: i32) -> (i32, i32) {
    %c0_i32 = arith.constant 0 : i32
    %c0_i32_0 = arith.constant 0 : i32
    %c0_i32_1 = arith.constant 0 : i32
    return %c0_i32, %c0_i32_0 : i32, i32
  }
  func.func @transform_7(%arg0: i32) -> (i32, i32) {
    %c0_i32 = arith.constant 0 : i32
    %c0_i32_0 = arith.constant 0 : i32
    %c0_i32_1 = arith.constant 0 : i32
    return %c0_i32, %c0_i32_0 : i32, i32
  }
  func.func @transform_8(%arg0: i32) -> (i32, i32) {
    %c0_i32 = arith.constant 0 : i32
    %c0_i32_0 = arith.constant 0 : i32
    %c0_i32_1 = arith.constant 0 : i32
    return %c0_i32, %c0_i32_0 : i32, i32
  }
  func.func @transform_9(%arg0: i32) -> (i32, i32) {
    %c0_i32 = arith.constant 0 : i32
    %c0_i32_0 = arith.constant 0 : i32
    %c0_i32_1 = arith.constant 0 : i32
    return %c0_i32, %c0_i32_0 : i32, i32
  }
  func.func @transform_10(%arg0: i32) -> (i32, i32) {
    %c0_i32 = arith.constant 0 : i32
    %c0_i32_0 = arith.constant 0 : i32
    %c0_i32_1 = arith.constant 0 : i32
    return %c0_i32, %c0_i32_0 : i32, i32
  }
  func.func @transform_11(%arg0: i32) -> (i32, i32) {
    %c0_i32 = arith.constant 0 : i32
    %c0_i32_0 = arith.constant 0 : i32
    %c0_i32_1 = arith.constant 0 : i32
    return %c0_i32, %c0_i32_0 : i32, i32
  }
  func.func @transform_12(%arg0: i32) -> (i32, i32) {
    %c0_i32 = arith.constant 0 : i32
    %c0_i32_0 = arith.constant 0 : i32
    return %c0_i32, %arg0 : i32, i32
  }
}

</mosaic_0001>

<sc_bundles>
// kernel: kernel.4.cloned.1.call-start
scs
__scs_entry_jumppad:
0x0: {  	(pc) =	sbr.rel $0x88, $3  }
0x1: {  	(tag) =	ssettag $0x0;
	lr =	simm.s32 $0x1  }
0x2: {  	[smem:$0x3F95] =	sst lr;
	_ =	strace $0xD0000000  }
0x3: {  	_ = 	snop  }
0x4: {  	_ = 	snop  }
0x5: {  	_ = 	snop  }
0x6: {  	_ = 	snop  }
0x7: {  	_ = 	snop  }
__scs_overlays_trampoline_lowered:
0x8: {  	[smem:$0x3FA4] =	sst s0  }
0x9: {  	[smem:$0x3FA5] =	sst s1  }
0xa: {  	[smem:$0x3FA6] =	sst s2  }
0xb: {  	[smem:$0x3FA7] =	sst s3  }
0xc: {  	[smem:$0x3FA8] =	sst s4  }
0xd: {  	[smem:$0x3FA9] =	sst s5  }
0xe: {  	[smem:$0x3FAA] =	sst s6  }
0xf: {  	[smem:$0x3FAB] =	sst s7  }
0x10: {  	[smem:$0x3FAC] =	sst s8  }
0x11: {  	[smem:$0x3FAD] =	sst s9;
	s0 =	simm.s32 @!p0 $0x0  }
0x12: {  	s1 =	sld [smem:$0x3F93];
	s0 =	simm.s32 @p0 $0x1  }
0x13: {  	[smem:$0x3FAE] =	sst s0;
	s0 =	simm.s32 @!p1 $0x0  }
0x14: {  	s2 =	sld [smem:$0x3F92];
	s0 =	simm.s32 @p1 $0x1  }
0x15: {  	[smem:$0x3FAF] =	sst s0;
	s0 =	simm.s32 @!p2 $0x0  }
0x16: {  	s3 =	sld [smem:$0x3FDB];
	s0 =	simm.s32 @p2 $0x1  }
0x17: {  	s4 =	simm.s32 $0x1BF5;
	[smem:$0x3FB1] =	sst s0  }
0x18: {  	s0 =	sld [smem:$0x3F94];
	_ =	swait.ge [sflag:s4], $0x0  }
0x19: {  	s7 =	sld [smem:$0x3F95]  }
0x1a: {  	s8 =	sadd.s32 $0xFFFFE003, lr  }
0x1b: {  	s9 =	sadd.s32 $0xFFFFFEF7, lr;
	s5 =	simm.s32 $0xFFFFFFFF;
	p2 =	slt.u32 s8, $0xFFFFF086  }
0x1c: {  	p1 =	slt.u32 s9, $0xF7A;
	s5 =	simm.s32 @!p2 $0x0  }
0x1d: {  	s5 =	simm.s32 @p1 $0x1;
	p0 =	seq.s32 s7, s2  }
0x1e: {  	s7 =	smul.u32 @!p0 $0xF7A, s2;
	p2 =	seq.s32 @!p0 s5, $0x0  }
0x1f: {  	s9 =	smul.u32 $0xF7A, s1;
	s8 =	simm.s32 @!p0 $0x1BF5;
	p2 =	por !p2, p0  }
0x20: {  	[sflag:s8] =	ssyncset.s32 @!p0 $0xFFFFF086;
	s6 =	sadd.s32 @!p0 s3, s7;
	s7 =	simm.s32 @!p0 $0x108  }
0x21: {  	s3 =	sadd.s32 s3, s9;
	s6 =	sadd.s32 @!p0 $0x88, s6;
	s7 =	simm.s32 @p2 $0x1082  }
0x22: {  	[simem:s7], [sflag:s8] =	dma.local @!p0 [hbm:s6], $0xF7A  }
0x23: {  	s9 =	sor.u32 $0xD0000000, s2;
	s6 =	simm.s32 $0x108;
	_ =	swait.ge @!p0 [sflag:s8], $0x0  }
0x24: {  	s3 =	sadd.s32 $0x88, s3;
	s6 =	simm.s32 @!p1 $0x1082;
	[sflag:s4] =	ssyncset.s32 $0xFFFFF086  }
0x25: {  	[simem:s6], [sflag:s4] =	dma.local [hbm:s3], $0xF7A  }
0x26: {  	[smem:$0x3F95] =	sst s1;
	(tag) =	ssettag s2;
	_ =	strace s9  }
0x27: {  	s1 =	sld [smem:$0x3FA5]  }
0x28: {  	s2 =	sld [smem:$0x3FA6]  }
0x29: {  	s4 =	sld [smem:$0x3FA8]  }
0x2a: {  	p0 =	seq.s32 s5, $0x0;
	s5 =	sld [smem:$0x3FA9]  }
0x2b: {  	s6 =	sld [smem:$0x3FAA]  }
0x2c: {  	s7 =	sld [smem:$0x3FAB]  }
0x2d: {  	s3 =	simm.s32 $0x108;
	s8 =	sld [smem:$0x3FAC]  }
0x2e: {  	s3 =	simm.s32 @!p0 $0x1082;
	s9 =	sld [smem:$0x3FAD]  }
0x2f: {  	lr =	sadd.s32 s0, s3;
	s0 =	sld [smem:$0x3FA4]  }
0x30: {  	s3 =	sld [smem:$0x3FA7]  }
0x31: {  	[smem:$0x3FB0] =	sst s10  }
0x32: {  	s10 =	sld [smem:$0x3FAE];
	_ =	sdelay $0x3  }
0x33: {  	p0 =	seq.s32 s10, $0x1;
	s10 =	sld [smem:$0x3FB0];
	_ =	sdelay $0x3  }
0x34: {  	[smem:$0x3FB0] =	sst s10  }
0x35: {  	s10 =	sld [smem:$0x3FAF];
	_ =	sdelay $0x3  }
0x36: {  	p1 =	seq.s32 s10, $0x1;
	s10 =	sld [smem:$0x3FB0];
	_ =	sdelay $0x3  }
0x37: {  	[smem:$0x3FB0] =	sst s10  }
0x38: {  	s10 =	sld [smem:$0x3FB1]  }
0x39: {  	_ = 	snop;
	(pc) =	sbr.ind lr, $3  }
0x3a: {  	_ = 	snop  }
0x3b: {  	_ = 	snop  }
0x3c: {  	p2 =	seq.s32 s10, $0x1;
	s10 =	sld [smem:$0x3FB0]  }
0x3d: {  	_ =	shalt  }
0x3e: {  	_ =	shalt  }
0x3f: {  	_ =	shalt  }
0x40: {  	_ =	shalt  }
0x41: {  	_ =	shalt  }
0x42: {  	_ =	shalt  }
0x43: {  	_ =	shalt  }
0x44: {  	_ =	shalt  }
0x45: {  	_ =	shalt  }
0x46: {  	_ =	shalt  }
0x47: {  	_ =	shalt  }
0x48: {  	_ =	shalt  }
0x49: {  	_ =	shalt  }
0x4a: {  	_ =	shalt  }
0x4b: {  	_ =	shalt  }
0x4c: {  	_ =	shalt  }
0x4d: {  	_ =	shalt  }
0x4e: {  	_ =	shalt  }
0x4f: {  	_ =	shalt  }
0x50: {  	_ =	shalt  }
0x51: {  	_ =	shalt  }
0x52: {  	_ =	shalt  }
0x53: {  	_ =	shalt  }
0x54: {  	_ =	shalt  }
0x55: {  	_ =	shalt  }
0x56: {  	_ =	shalt  }
0x57: {  	_ =	shalt  }
0x58: {  	_ =	shalt  }
0x59: {  	_ =	shalt  }
0x5a: {  	_ =	shalt  }
0x5b: {  	_ =	shalt  }
0x5c: {  	_ =	shalt  }
0x5d: {  	_ =	shalt  }
0x5e: {  	_ =	shalt  }
0x5f: {  	_ =	shalt  }
0x60: {  	_ =	shalt  }
0x61: {  	_ =	shalt  }
0x62: {  	_ =	shalt  }
0x63: {  	_ =	shalt  }
0x64: {  	_ =	shalt  }
0x65: {  	_ =	shalt  }
0x66: {  	_ =	shalt  }
0x67: {  	_ =	shalt  }
0x68: {  	_ =	shalt  }
0x69: {  	_ =	shalt  }
0x6a: {  	_ =	shalt  }
0x6b: {  	_ =	shalt  }
0x6c: {  	_ =	shalt  }
0x6d: {  	_ =	shalt  }
0x6e: {  	_ =	shalt  }
0x6f: {  	_ =	shalt  }
0x70: {  	_ =	shalt  }
0x71: {  	_ =	shalt  }
0x72: {  	_ =	shalt  }
0x73: {  	_ =	shalt  }
0x74: {  	_ =	shalt  }
0x75: {  	_ =	shalt  }
0x76: {  	_ =	shalt  }
0x77: {  	_ =	shalt  }
0x78: {  	_ =	shalt  }
0x79: {  	_ =	shalt  }
0x7a: {  	_ =	shalt  }
0x7b: {  	_ =	shalt  }
0x7c: {  	_ =	shalt  }
0x7d: {  	_ =	shalt  }
0x7e: {  	_ =	shalt  }
0x7f: {  	_ =	shalt  }
0x80: {  	_ =	shalt  }
0x81: {  	_ =	shalt  }
0x82: {  	_ =	shalt  }
0x83: {  	_ =	shalt  }
0x84: {  	_ =	shalt  }
0x85: {  	_ =	shalt  }
0x86: {  	_ =	shalt  }
0x87: {  	_ =	shalt  }
.Lfunc_end0:
.L_simem_size_0:
called_computation_lowered:
.L_overlay_start_0:
0x88: {  	s2 =	sld [smem:$0x3FD9]  }
0x89: {  	s3 =	sld [smem:$0x3FFE];
	_ =	sdelay $0x1  }
0x8a: {  	s1 =	srdreg.scid  }
0x8b: {  	s0 =	sand.u32 $0x1, s1  }
0x8c: {  	s17 =	sshll.u32 s0, $0xA;
	s2 =	sadd.s32 s3, s2  }
0x8d: {  	s2 =	sadd.s32 s2, s17  }
0x8e: {  	[smem:$0x3FBC] =	sst s2  }
0x8f: {  	_ = 	snop  }
0x90: {  	s2 =	sld [smem:$0x3FC9]  }
0x91: {  	s18 =	sld [smem:$0x3FC8]  }
0x92: {  	s4 =	sld [smem:$0x3FC7]  }
0x93: {  	s5 =	sld [smem:$0x3FC6]  }
0x94: {  	s6 =	sld [smem:$0x3FC5];
	(tm) =	ssettm $0x1  }
0x95: {  	s7 =	sld [smem:$0x3FFB];
	_ =	sdelay $0x3  }
0x96: {  	_ =	strace s7  }
0x97: {  	s7 =	sld [smem:$0x3FFC];
	_ =	sdelay $0x3  }
0x98: {  	_ =	strace s7  }
0x99: {  	s7 =	sld [smem:$0x3FFD];
	_ =	sdelay $0x3  }
0x9a: {  	_ =	strace s7  }
0x9b: {  	_ =	strace $0x8FFFFFFF  }
0x9c: {  	s19 =	sld [smem:$0x3FDB];
	_ =	sdelay $0x1  }
0x9d: {  	s8 =	simm.s32 $_scs_section_size  }
0x9e: {  	s9 =	simm.s32 $_size__tile_overlayer_lowered;
	s10 =	simm.s32 $_tile_overlayer_lowered  }
0x9f: {  	s22 =	simm.s32 $0x1BFF;
	s21 =	sshll.u32 s10, $0x1;
	s7 =	sadd.s32 s8, s19  }
0xa0: {  	s11 =	simm.s32 $0x0;
	s20 =	sshll.u32 s9, $0x1;
	s9 =	sadd.s32 s21, s7  }
0xa1: {  	[timem:s11], [sflag:s22] =	dma.local [hbm:s9], s20  }
0xa2: {  	_ =	swait.ge [sflag:s22], s20  }
0xa3: {  	s8 =	ssub.s32 $0x0, s20;
	[sflag:s22] =	ssyncset.done $0x0  }
0xa4: {  	[sflag:s22] =	ssyncadd.s32 s8;
	_ =	sdelay $0x1  }
0xa5: {  	s23 =	simm.s32 $0x1B8B  }
0xa6: {  	_ =	swait.ge [sflag:s23], $0x1  }
0xa7: {  	[sflag:s23] =	ssyncset.done $0x0  }
0xa8: {  	s25 =	simm.s32 $0x1B8E;
	s24 =	sld [smem:$0x3FFE];
	[sflag:s23] =	ssyncadd.s32 $0xFFFFFFFF  }
0xa9: {  	s26 =	simm.s32 $execute0_lowered;
	[smem:$0x3FD2] =	sst s25  }
0xaa: {  	s9 =	sshll.u32 s26, $0x1;
	_ =	strace $0x80000046;
	[dreg:$0x1] =	wrdreg $0xFFFFFFFF  }
0xab: {  	s28 =	simm.s32 $_size_execute0_lowered;
	s7 =	sadd.s32 s7, s9;
	[dreg:$0x0] =	wrdreg $0x0  }
0xac: {  	s9 =	sshll.u32 s28, $0x1;
	[dreg:$0x2] =	wrdreg s7  }
0xad: {  	[dreg:$0x3] =	wrdreg s9  }
0xae: {  	[dreg:$0x4] =	wrdreg $0xC0  }
0xaf: {  	_ =	task [dreg:s11], $0x5FFFF  }
0xb0: {  	[dreg:$0x1] =	wrdreg $0xFFFFFFFF  }
0xb1: {  	[dreg:$0x0] =	wrdreg $0x60  }
0xb2: {  	[dreg:$0x2] =	wrdreg s2  }
0xb3: {  	[dreg:$0x3] =	wrdreg s6  }
0xb4: {  	[dreg:$0x4] =	wrdreg s4  }
0xb5: {  	[dreg:$0x5] =	wrdreg s5  }
0xb6: {  	[dreg:$0x6] =	wrdreg s18  }
0xb7: {  	[dreg:$0x7] =	wrdreg s24  }
0xb8: {  	[dreg:$0x8] =	wrdreg $0x9  }
0xb9: {  	_ =	task.clear_ibuf [dreg:s11], $0x9FFFF;
	_ =	strace $0x90000046  }
0xba: {  	s29 =	simm.s32 $0x9;
	_ =	strace $0x80000048  }
0xbb: {  	_ =	swait.ge [sflag:s29], $0x1  }
0xbc: {  	[sflag:s29] =	ssyncadd.s32 $0xFFFFFFFF  }
0xbd: {  	_ =	strace $0x90000048  }
0xbe: {  	_ =	sfence  }
0xbf: {  	s30 =	sld [smem:$0x0];
	_ =	sdelay $0x2  }
0xc0: {  	s31 =	sshll.u32 s1, $0xD;
	s1 =	sshrl.u32 s1, $0x2  }
0xc1: {  	s3 =	sand.u32 $0x4000, s31;
	s1 =	sadd.s32 s1, s30  }
0xc2: {  	s0 =	sor.u32 s3, s0;
	s1 =	sshll.u32 s1, $0x11  }
0xc3: {  	s0 =	sor.u32 s1, s0  }
0xc4: {  	s0 =	sadd.s32 $0x8F2B, s0  }
0xc5: {  	[sflag:s0] =	ssyncadd.remote.s32 $0x1  }
0xc6: {  	_ =	sfence.sel $0xFFFF  }
0xc7: {  	[dreg:$0x0] =	wrdreg $0xFFFFFFFF;
	(pc) =	sbr.abs _section_cstart, $3  }
0xc8: {  	[dreg:$0x1] =	wrdreg $0xFFFFFFFF  }
0xc9: {  	_ =	task.clear_ibuf [dreg:s11], $0x2FFFF;
	_ =	strace $0x9FFFFFFF  }
0xca: {  	(tm) =	ssettm $0x7FFFFFFF  }
0xcb: {  	_ =	shalt  }
tec
execute0_lowered:
.L_overlay_start_1:
0x0: {  	(tag) =	ssettag $0x1  }
0x1: {  	s0 =	rddreg [dreg:$0x0]  }
0x2: {  	s2 =	rddreg [dreg:$0x1]  }
0x3: {  	s4 =	rddreg [dreg:$0x2]  }
0x4: {  	s5 =	rddreg [dreg:$0x3]  }
0x5: {  	s6 =	rddreg [dreg:$0x4];
	s1 =	srdreg.scid  }
0x6: {  	s3 =	rddreg [dreg:$0x5];
	s9 =	stileid.u32  }
0x7: {  	s30 =	simm.s32 $0x400;
	s31 =	simm.s32 $0x20000;
	s7 =	sand.u32 $0x1, s1  }
0x8: {  	s1 =	simm.s32 $0x0;
	s9 =	sshll.u32 s9, $0x1;
	s8 =	ssub.s32 $0x2, s7  }
0x9: {  	[smem:$0x7FF] =	sst s1;
	s7 =	sor.u32 s7, s9;
	s9 =	sadd.s32 $0x1600, s3  }
0xa: {  	s10 =	sshrl.u32 s8, $0x1;
	s23 =	sshll.u32 s7, $0x9;
	s11 =	sshll.u32 s7, $0x6  }
0xb: {  	s7 =	sshll.u32 s7, $0xD;
	s8 =	ssub.s32 s8, s10;
	s14 =	sadd.s32 s0, s23  }
0xc: {  	s3 =	sadd.s32 s2, s23;
	s12 =	sadd.s32 s4, s11;
	s24 =	sadd.s32 s5, s11  }
0xd: {  	s25 =	sor.u32 $0x80, s23;
	s11 =	sadd.s32 s6, s11;
	[dreg:$0x7] =	wrdreg s12  }
0xe: {  	s7 =	sadd.s32 s9, s7;
	s16 =	sor.u32 $0x100, s23;
	[dreg:$0x8] =	wrdreg s24  }
0xf: {  	s10 =	sor.u32 $0x180, s23;
	[dreg:$0x9] =	wrdreg s11;
	s26 =	sshrl.u32 s25, $0x3  }
0x10: {  	[dreg:$0xa] =	wrdreg s7;
	s18 =	sshrl.u32 s16, $0x3;
	s19 =	sshll.u32 s25, $0x4  }
0x11: {  	s21 =	sshrl.u32 s10, $0x3;
	s17 =	sadd.s32 s0, s25;
	s28 =	smax.u32 s8, $0x1  }
0x12: {  	s29 =	sadd.s32 $0x8000, s14;
	s7 =	simm.s32 $0x1;
	s15 =	sadd.s32 s4, s26  }
0x13: {  	s8 =	simm.s32 $0x1180;
	s13 =	sadd.s32 s5, s26;
	[dreg:$0xb] =	wrdreg s15  }
0x14: {  	s11 =	sadd.s32 s6, s26;
	s20 =	sadd.s32 s5, s18;
	[dreg:$0xc] =	wrdreg s13  }
0x15: {  	s22 =	sadd.s32 s5, s21;
	s23 =	sadd.s32 s6, s21;
	[dreg:$0xd] =	wrdreg s11  }
0x16: {  	s24 =	sadd.s32 s9, s19;
	s26 =	sshll.u32 s10, $0x4;
	[dreg:$0xf] =	wrdreg s20  }
0x17: {  	s19 =	smov.u32 s14;
	s5 =	simm.s32 $0x1080;
	[dreg:$0x12] =	wrdreg s22  }
0x18: {  	s15 =	sadd.s32 s4, s18;
	s11 =	sadd.s32 s6, s18;
	[dreg:$0x13] =	wrdreg s23  }
0x19: {  	s4 =	sadd.s32 s4, s21;
	s18 =	sadd.s32 s2, s25;
	[dreg:$0x14] =	wrdreg s24  }
0x1a: {  	s20 =	sadd.s32 s0, s16;
	s21 =	sadd.s32 s2, s16;
	s25 =	sshll.u32 s16, $0x4  }
0x1b: {  	s23 =	sadd.s32 s0, s10;
	s24 =	sadd.s32 s2, s10;
	s26 =	sadd.s32 s9, s26  }
0x1c: {  	s22 =	simm.s32 $0x800;
	s0 =	simm.s32 $0xC00;
	[dreg:$0xe] =	wrdreg s15  }
0x1d: {  	s6 =	simm.s32 $0x1100;
	s10 =	simm.s32 $0x2;
	[dreg:$0x10] =	wrdreg s11  }
0x1e: {  	v1 =	vlaneseq.u32;
	[dreg:$0x11] =	wrdreg s4;
	s25 =	sadd.s32 s9, s25;
	s4 =	simm.s32 $0x1000  }
0x1f: {  	v0 =	vimm.f32 $0.0e+00;
	v2 =	vimm.f32 $1.000000000e+00;
	v1 =	vmul.u32 $0x80, v1;
	s9 =	simm.s32 $0x5180;
	s11 =	simm.s32 $0x0;
	_ =	strace $0x80000047  }
.LBB2_1:
0x20: {  	[tilespmem:s1], [sflag:$0x1] =	stream.strided.gather [hbm4b:s19+s30], $0x800, s31, s30, $0x38;
	[tilespmem:$0x9180] =	vst v63  }
0x21: {  	_ = 	snop  }
0x22: {  	[tilespmem:s22], [sflag:$0x1] =	stream.linear.gather [hbm4b:s29+s1], $0x200, $0x38;
	[tilespmem:$0x9180] =	vst v63  }
0x23: {  	_ = 	snop  }
0x24: {  	[tilespmem:s0], [sflag:$0x1] =	stream.strided.gather [hbm4b:s3+s30], $0x0, s31, s30, $0x38;
	[tilespmem:$0x9180] =	vst v63  }
0x25: {  	_ = 	snop  }
0x26: {  	[tilespmem:s0], [sflag:$0x1] =	stream.linear.gather [hbm4b:s3+s1], $0x380, $0x38;
	[tilespmem:$0x9180] =	vst v63  }
0x27: {  	s2 =	rddreg [dreg:$0x7]  }
0x28: {  	[tilespmem:s4], [sflag:$0x1] =	stream.linear.gather [hbm4b:s2+s1], $0x80, $0x38;
	[tilespmem:$0x9180] =	vst v63  }
0x29: {  	s15 =	rddreg [dreg:$0x8]  }
0x2a: {  	[tilespmem:s5], [sflag:$0x1] =	stream.linear.gather [hbm4b:s15+s1], $0x80, $0x38;
	[tilespmem:$0x9180] =	vst v63  }
0x2b: {  	s16 =	rddreg [dreg:$0x9];
	s2 =	simm.s32 $0x1280  }
0x2c: {  	[tilespmem:s6], [sflag:$0x1] =	stream.linear.gather [hbm4b:s16+s1], $0x80, $0x38;
	[tilespmem:$0x9180] =	vst v63  }
0x2d: {  	[tilespmem:s2+$0xFFFFFF00] =	vst v0  }
0x2e: {  	[tilespmem:s2+$0xB0] =	vst v0  }
0x2f: {  	[tilespmem:s2+$0xA0] =	vst v0  }
0x30: {  	[tilespmem:s2+$0x90] =	vst v0  }
0x31: {  	[tilespmem:s2+$0x80] =	vst v0  }
0x32: {  	[tilespmem:s2+$0x30] =	vst v0  }
0x33: {  	[tilespmem:s2+$0x20] =	vst v0  }
0x34: {  	[tilespmem:s2+$0x10] =	vst v0  }
0x35: {  	[tilespmem:s2+$0x0] =	vst v0  }
0x36: {  	[tilespmem:s2+$0xFFFFFFB0] =	vst v0  }
0x37: {  	[tilespmem:s2+$0xFFFFFFA0] =	vst v0  }
0x38: {  	[tilespmem:s2+$0xFFFFFF90] =	vst v0  }
0x39: {  	[tilespmem:s2+$0xFFFFFF80] =	vst v0  }
0x3a: {  	[tilespmem:s2+$0xFFFFFF30] =	vst v0  }
0x3b: {  	s12 =	simm.s32 $0x0;
	[tilespmem:s2+$0xFFFFFF20] =	vst v0  }
.LBB2_2:
0x3c: {  	s12 =	sadd.s32 $0x4, s12;
	[tilespmem:s2+$0xFFFFFF10] =	vst v0;
	s2 =	sadd.s32 $0x200, s2  }
0x3d: {  	[tilespmem:s2+$0xFFFFFF00] =	vst v0;
	p0 =	slt.u32 s12, $0x7C  }
0x3e: {  	[tilespmem:s2+$0xB0] =	vst v0  }
0x3f: {  	[tilespmem:s2+$0xA0] =	vst v0  }
0x40: {  	[tilespmem:s2+$0x90] =	vst v0  }
0x41: {  	[tilespmem:s2+$0x80] =	vst v0  }
0x42: {  	[tilespmem:s2+$0x30] =	vst v0  }
0x43: {  	[tilespmem:s2+$0x20] =	vst v0  }
0x44: {  	[tilespmem:s2+$0x10] =	vst v0  }
0x45: {  	[tilespmem:s2+$0x0] =	vst v0  }
0x46: {  	[tilespmem:s2+$0xFFFFFFB0] =	vst v0  }
.Ltmp0:
0x47: {  	[tilespmem:s2+$0xFFFFFFA0] =	vst v0;
	(pc) =	sbr.rel @p0 .LBB2_2-.Ltmp0, $4  }
0x48: {  	[tilespmem:s2+$0xFFFFFF90] =	vst v0  }
0x49: {  	[tilespmem:s2+$0xFFFFFF80] =	vst v0  }
0x4a: {  	[tilespmem:s2+$0xFFFFFF30] =	vst v0  }
0x4b: {  	[tilespmem:s2+$0xFFFFFF20] =	vst v0  }
0x4c: {  	[tilespmem:s2+$0xFFFFFF10] =	vst v0  }
0x4d: {  	_ =	swait.ge [sflag:s7], $0xA00  }
0x4e: {  	[sflag:s7] =	ssyncset.done $0x0  }
0x4f: {  	[sflag:s7] =	ssyncadd.s32 $0xFFFFF600  }
0x50: {  	_ =	swait.ge [sflag:s7], $0x380  }
0x51: {  	[sflag:s7] =	ssyncset.done $0x0  }
0x52: {  	[sflag:s7] =	ssyncadd.s32 $0xFFFFFC80  }
0x53: {  	_ =	swait.ge [sflag:s7], $0x80  }
0x54: {  	[sflag:s7] =	ssyncset.done $0x0  }
0x55: {  	[sflag:s7] =	ssyncadd.s32 $0xFFFFFF80  }
0x56: {  	_ =	swait.ge [sflag:s7], $0x80  }
0x57: {  	[sflag:s7] =	ssyncset.done $0x0  }
0x58: {  	[sflag:s7] =	ssyncadd.s32 $0xFFFFFF80  }
0x59: {  	s12 =	simm.s32 $0x0;
	s13 =	simm.s32 $0x1100;
	_ =	swait.ge [sflag:s7], $0x80  }
0x5a: {  	s14 =	simm.s32 $0x1080;
	s15 =	simm.s32 $0x1000;
	[sflag:s7] =	ssyncset.done $0x0  }
0x5b: {  	s16 =	simm.s32 $0x500;
	s2 =	simm.s32 $0xD80;
	[sflag:s7] =	ssyncadd.s32 $0xFFFFFF80  }
.LBB2_4:
0x5c: {  	v3 =	vld [tilespmem:s16+$0xFFFFFB00]  }
0x5d: {  	v4 =	vld [tilespmem:s16+$0xFFFFFB80]  }
0x5e: {  	v5 =	vmov s12;
	v6 =	vld [tilespmem:s16+$0xFFFFFC00]  }
0x5f: {  	v7 =	vld [tilespmem:s16+$0xFFFFFC80];
	v5 =	vshll.u32 v5, $0x7  }
0x60: {  	v8 =	vld [tilespmem:s16+$0xFFFFFD00];
	v5 =	vor.u32 v1, v5  }
0x61: {  	v9 =	vld [tilespmem:s16+$0xFFFFFD80];
	v3 =	vadd.s32 v5, v3  }
0x62: {  	v10 =	vld [tilespmem:s16+$0xFFFFFE00];
	v4 =	vadd.s32 v5, v4  }
0x63: {  	v11 =	vld [tilespmem:s16+$0xFFFFFE80];
	v6 =	vadd.s32 v5, v6  }
0x64: {  	v7 =	vadd.s32 v5, v7  }
0x65: {  	v8 =	vadd.s32 v5, v8  }
0x66: {  	v9 =	vadd.s32 v5, v9;
	[tilespmem:v3+s8+$0x0] =	vst.idx.add.f32.msk $0xffff, v2  }
0x67: {  	v3 =	vadd.s32 v5, v10;
	[tilespmem:v4+s8+$0x0] =	vst.idx.add.f32.msk $0xffff, v2  }
0x68: {  	v57 =	vadd.s32 v5, v11;
	[tilespmem:v6+s8+$0x0] =	vst.idx.add.f32.msk $0xffff, v2  }
0x69: {  	[tilespmem:v7+s8+$0x0] =	vst.idx.add.f32.msk $0xffff, v2  }
0x6a: {  	[tilespmem:v8+s8+$0x0] =	vst.idx.add.f32.msk $0xffff, v2  }
0x6b: {  	[tilespmem:v9+s8+$0x0] =	vst.idx.add.f32.msk $0xffff, v2  }
0x6c: {  	[tilespmem:v3+s8+$0x0] =	vst.idx.add.f32.msk $0xffff, v2  }
0x6d: {  	[tilespmem:v57+s8+$0x0] =	vst.idx.add.f32.msk $0xffff, v2  }
0x6e: {  	v3 =	vld [tilespmem:s16+$0xFFFFFF00]  }
0x6f: {  	v4 =	vld [tilespmem:s16+$0xFFFFFF80]  }
0x70: {  	v6 =	vld [tilespmem:s16+$0x0]  }
0x71: {  	v7 =	vld [tilespmem:s16+$0x80]  }
0x72: {  	v8 =	vld [tilespmem:s16+$0x100]  }
0x73: {  	v9 =	vld [tilespmem:s16+$0x180];
	v3 =	vadd.s32 v5, v3  }
0x74: {  	v58 =	vld [tilespmem:s16+$0x200];
	v4 =	vadd.s32 v5, v4  }
0x75: {  	v59 =	vld [tilespmem:s16+$0x280];
	v6 =	vadd.s32 v5, v6  }
0x76: {  	v7 =	vadd.s32 v5, v7  }
0x77: {  	v8 =	vadd.s32 v5, v8  }
0x78: {  	v9 =	vadd.s32 v5, v9;
	[tilespmem:v3+s8+$0x0] =	vst.idx.add.f32.msk $0xffff, v2  }
0x79: {  	v3 =	vadd.s32 v5, v58;
	[tilespmem:v4+s8+$0x0] =	vst.idx.add.f32.msk $0xffff, v2  }
0x7a: {  	v60 =	vadd.s32 v5, v59;
	[tilespmem:v6+s8+$0x0] =	vst.idx.add.f32.msk $0xffff, v2  }
0x7b: {  	[tilespmem:v7+s8+$0x0] =	vst.idx.add.f32.msk $0xffff, v2  }
0x7c: {  	[tilespmem:v8+s8+$0x0] =	vst.idx.add.f32.msk $0xffff, v2  }
0x7d: {  	[tilespmem:v9+s8+$0x0] =	vst.idx.add.f32.msk $0xffff, v2  }
0x7e: {  	[tilespmem:v3+s8+$0x0] =	vst.idx.add.f32.msk $0xffff, v2  }
0x7f: {  	[tilespmem:v60+s8+$0x0] =	vst.idx.add.f32.msk $0xffff, v2  }
0x80: {  	v3 =	vld [tilespmem:s16+$0x300]  }
0x81: {  	v4 =	vld [tilespmem:s16+$0x380]  }
0x82: {  	v6 =	vld [tilespmem:s16+$0x400]  }
0x83: {  	v7 =	vld [tilespmem:s16+$0x480]  }
0x84: {  	v8 =	vld [tilespmem:s2+$0xFFFFFE80]  }
0x85: {  	v9 =	vld [tilespmem:s2+$0xFFFFFF00];
	v3 =	vadd.s32 v5, v3  }
0x86: {  	v61 =	vld [tilespmem:s2+$0xFFFFFF80];
	v4 =	vadd.s32 v5, v4  }
0x87: {  	v62 =	vld [tilespmem:s2+$0x0];
	v6 =	vadd.s32 v5, v6  }
0x88: {  	v12 =	vor.u32 $0x34, v5;
	v7 =	vadd.s32 v5, v7  }
0x89: {  	v8 =	vadd.s32 v12, v8  }
0x8a: {  	v9 =	vadd.s32 v12, v9;
	[tilespmem:v3+s8+$0x0] =	vst.idx.add.f32.msk $0xffff, v2  }
0x8b: {  	v3 =	vadd.s32 v12, v61;
	[tilespmem:v4+s8+$0x0] =	vst.idx.add.f32.msk $0xffff, v2  }
0x8c: {  	v63 =	vadd.s32 v12, v62;
	[tilespmem:v6+s8+$0x0] =	vst.idx.add.f32.msk $0xffff, v2  }
0x8d: {  	[tilespmem:v7+s8+$0x0] =	vst.idx.add.f32.msk $0xffff, v2  }
0x8e: {  	[tilespmem:v8+s8+$0x0] =	vst.idx.add.f32.msk $0xffff, v2  }
0x8f: {  	[tilespmem:v9+s8+$0x0] =	vst.idx.add.f32.msk $0xffff, v2  }
0x90: {  	[tilespmem:v3+s8+$0x0] =	vst.idx.add.f32.msk $0xffff, v2  }
0x91: {  	[tilespmem:v63+s8+$0x0] =	vst.idx.add.f32.msk $0xffff, v2  }
0x92: {  	v3 =	vld [tilespmem:s2+$0x80]  }
0x93: {  	v4 =	vld [tilespmem:s2+$0x100]  }
0x94: {  	v6 =	vld [tilespmem:s2+$0x180];
	_ =	sdelay $0x2  }
0x95: {  	v3 =	vadd.s32 v12, v3  }
0x96: {  	v4 =	vadd.s32 v12, v4  }
0x97: {  	v6 =	vadd.s32 v12, v6;
	_ =	sdelay $0x2  }
0x98: {  	[tilespmem:v3+s8+$0x0] =	vst.idx.add.f32.msk $0xffff, v2  }
0x99: {  	[tilespmem:v4+s8+$0x0] =	vst.idx.add.f32.msk $0xffff, v2  }
0x9a: {  	[tilespmem:v6+s8+$0x0] =	vst.idx.add.f32.msk $0xffff, v2  }
0x9b: {  	v3 =	vld [tilespmem:s15+$0x0]  }
0x9c: {  	v4 =	vld [tilespmem:s14+$0x0];
	_ =	sdelay $0x3  }
0x9d: {  	v3 =	vadd.s32 v5, v3  }
0x9e: {  	v4 =	vadd.s32 v5, v4;
	v3 =	vadd.s32 $0x3C, v3  }
0x9f: {  	v4 =	vadd.s32 $0x3E, v4  }
0xa0: {  	p0 =	sne.s32 s12, $0x70;
	v6 =	vld [tilespmem:s13+$0x0];
	v5 =	vor.u32 $0x40, v5  }
.Ltmp1:
0xa1: {  	_ = 	snop;
	(pc) =	sbr.rel @p0 .LBB2_4-.Ltmp1, $4  }
0xa2: {  	_ = 	snop  }
0xa3: {  	[tilespmem:v3+s8+$0x0] =	vst.idx.add.f32.msk $0xffff, v2  }
0xa4: {  	s12 =	sadd.s32 $0x10, s12;
	s16 =	sadd.s32 $0x10, s16;
	s2 =	sadd.s32 $0x10, s2;
	[tilespmem:v4+s8+$0x0] =	vst.idx.add.f32.msk $0xffff, v2  }
0xa5: {  	s13 =	sadd.s32 $0x10, s13;
	s14 =	sadd.s32 $0x10, s14;
	s15 =	sadd.s32 $0x10, s15;
	[tilespmem:v5+s8+$0x0] =	vst.idx.msk $0xffff, v6  }
0xa6: {  	s2 =	rddreg [dreg:$0xa]  }
0xa7: {  	[hbm4b:s2+s1] =	stream.linear.scatter [tilespmem:s8], [sflag:$0x2], $0x4000, $0x38;
	[tilespmem:$0x9180] =	vst v63  }
0xa8: {  	_ = 	snop  }
0xa9: {  	[tilespmem:s1], [sflag:$0x1] =	stream.strided.gather [hbm4b:s17+s30], $0x800, s31, s30, $0x38;
	[tilespmem:$0x9180] =	vst v63  }
0xaa: {  	s13 =	sadd.s32 $0x8000, s17  }
0xab: {  	[tilespmem:s22], [sflag:$0x1] =	stream.linear.gather [hbm4b:s13+s1], $0x200, $0x38;
	[tilespmem:$0x9180] =	vst v63  }
0xac: {  	_ = 	snop  }
0xad: {  	[tilespmem:s0], [sflag:$0x1] =	stream.strided.gather [hbm4b:s18+s30], $0x0, s31, s30, $0x38;
	[tilespmem:$0x9180] =	vst v63  }
0xae: {  	_ = 	snop  }
0xaf: {  	[tilespmem:s0], [sflag:$0x1] =	stream.linear.gather [hbm4b:s18+s1], $0x380, $0x38;
	[tilespmem:$0x9180] =	vst v63  }
0xb0: {  	s14 =	rddreg [dreg:$0xb]  }
0xb1: {  	[tilespmem:s4], [sflag:$0x1] =	stream.linear.gather [hbm4b:s14+s1], $0x80, $0x38;
	[tilespmem:$0x9180] =	vst v63  }
0xb2: {  	s15 =	rddreg [dreg:$0xc]  }
0xb3: {  	[tilespmem:s5], [sflag:$0x1] =	stream.linear.gather [hbm4b:s15+s1], $0x80, $0x38;
	[tilespmem:$0x9180] =	vst v63  }
0xb4: {  	s16 =	rddreg [dreg:$0xd];
	s2 =	simm.s32 $0x5280  }
0xb5: {  	[tilespmem:s6], [sflag:$0x1] =	stream.linear.gather [hbm4b:s16+s1], $0x80, $0x38;
	[tilespmem:$0x9180] =	vst v63  }
0xb6: {  	[tilespmem:s2+$0xFFFFFF00] =	vst v0  }
0xb7: {  	[tilespmem:s2+$0xB0] =	vst v0  }
0xb8: {  	[tilespmem:s2+$0xA0] =	vst v0  }
0xb9: {  	[tilespmem:s2+$0x90] =	vst v0  }
0xba: {  	[tilespmem:s2+$0x80] =	vst v0  }
0xbb: {  	[tilespmem:s2+$0x30] =	vst v0  }
0xbc: {  	[tilespmem:s2+$0x20] =	vst v0  }
0xbd: {  	[tilespmem:s2+$0x10] =	vst v0  }
0xbe: {  	[tilespmem:s2+$0x0] =	vst v0  }
0xbf: {  	[tilespmem:s2+$0xFFFFFFB0] =	vst v0  }
0xc0: {  	[tilespmem:s2+$0xFFFFFFA0] =	vst v0  }
0xc1: {  	[tilespmem:s2+$0xFFFFFF90] =	vst v0  }
0xc2: {  	[tilespmem:s2+$0xFFFFFF80] =	vst v0  }
0xc3: {  	[tilespmem:s2+$0xFFFFFF30] =	vst v0  }
0xc4: {  	s12 =	simm.s32 $0x0;
	[tilespmem:s2+$0xFFFFFF20] =	vst v0  }
.LBB2_6:
0xc5: {  	s12 =	sadd.s32 $0x4, s12;
	[tilespmem:s2+$0xFFFFFF10] =	vst v0;
	s2 =	sadd.s32 $0x200, s2  }
0xc6: {  	[tilespmem:s2+$0xFFFFFF00] =	vst v0;
	p0 =	slt.u32 s12, $0x7C  }
0xc7: {  	[tilespmem:s2+$0xB0] =	vst v0  }
0xc8: {  	[tilespmem:s2+$0xA0] =	vst v0  }
0xc9: {  	[tilespmem:s2+$0x90] =	vst v0  }
0xca: {  	[tilespmem:s2+$0x80] =	vst v0  }
0xcb: {  	[tilespmem:s2+$0x30] =	vst v0  }
0xcc: {  	[tilespmem:s2+$0x20] =	vst v0  }
0xcd: {  	[tilespmem:s2+$0x10] =	vst v0  }
0xce: {  	[tilespmem:s2+$0x0] =	vst v0  }
0xcf: {  	[tilespmem:s2+$0xFFFFFFB0] =	vst v0  }
.Ltmp2:
0xd0: {  	[tilespmem:s2+$0xFFFFFFA0] =	vst v0;
	(pc) =	sbr.rel @p0 .LBB2_6-.Ltmp2, $4  }
0xd1: {  	[tilespmem:s2+$0xFFFFFF90] =	vst v0  }
0xd2: {  	[tilespmem:s2+$0xFFFFFF80] =	vst v0  }
0xd3: {  	[tilespmem:s2+$0xFFFFFF30] =	vst v0  }
0xd4: {  	[tilespmem:s2+$0xFFFFFF20] =	vst v0  }
0xd5: {  	[tilespmem:s2+$0xFFFFFF10] =	vst v0  }
0xd6: {  	_ =	swait.ge [sflag:s7], $0xA00  }
0xd7: {  	[sflag:s7] =	ssyncset.done $0x0  }
0xd8: {  	[sflag:s7] =	ssyncadd.s32 $0xFFFFF600  }
0xd9: {  	_ =	swait.ge [sflag:s7], $0x380  }
0xda: {  	[sflag:s7] =	ssyncset.done $0x0  }
0xdb: {  	[sflag:s7] =	ssyncadd.s32 $0xFFFFFC80  }
0xdc: {  	_ =	swait.ge [sflag:s7], $0x80  }
0xdd: {  	[sflag:s7] =	ssyncset.done $0x0  }
0xde: {  	[sflag:s7] =	ssyncadd.s32 $0xFFFFFF80  }
0xdf: {  	_ =	swait.ge [sflag:s7], $0x80  }
0xe0: {  	[sflag:s7] =	ssyncset.done $0x0  }
0xe1: {  	[sflag:s7] =	ssyncadd.s32 $0xFFFFFF80  }
0xe2: {  	s12 =	simm.s32 $0x0;
	s13 =	simm.s32 $0x1100;
	_ =	swait.ge [sflag:s7], $0x80  }
0xe3: {  	s14 =	simm.s32 $0x1080;
	s15 =	simm.s32 $0x1000;
	[sflag:s7] =	ssyncset.done $0x0  }
0xe4: {  	s16 =	simm.s32 $0x500;
	s2 =	simm.s32 $0xD80;
	[sflag:s7] =	ssyncadd.s32 $0xFFFFFF80  }
.LBB2_8:
0xe5: {  	v3 =	vld [tilespmem:s16+$0xFFFFFB00]  }
0xe6: {  	v4 =	vld [tilespmem:s16+$0xFFFFFB80]  }
0xe7: {  	v5 =	vmov s12;
	v6 =	vld [tilespmem:s16+$0xFFFFFC00]  }
0xe8: {  	v7 =	vld [tilespmem:s16+$0xFFFFFC80];
	v5 =	vshll.u32 v5, $0x7  }
0xe9: {  	v8 =	vld [tilespmem:s16+$0xFFFFFD00];
	v5 =	vor.u32 v1, v5  }
0xea: {  	v9 =	vld [tilespmem:s16+$0xFFFFFD80];
	v3 =	vadd.s32 v5, v3  }
0xeb: {  	v10 =	vld [tilespmem:s16+$0xFFFFFE00];
	v4 =	vadd.s32 v5, v4  }
0xec: {  	v11 =	vld [tilespmem:s16+$0xFFFFFE80];
	v6 =	vadd.s32 v5, v6  }
0xed: {  	v7 =	vadd.s32 v5, v7  }
0xee: {  	v8 =	vadd.s32 v5, v8  }
0xef: {  	v9 =	vadd.s32 v5, v9;
	[tilespmem:v3+s9+$0x0] =	vst.idx.add.f32.msk $0xffff, v2  }
0xf0: {  	v3 =	vadd.s32 v5, v10;
	[tilespmem:v4+s9+$0x0] =	vst.idx.add.f32.msk $0xffff, v2  }
0xf1: {  	v57 =	vadd.s32 v5, v11;
	[tilespmem:v6+s9+$0x0] =	vst.idx.add.f32.msk $0xffff, v2  }
0xf2: {  	[tilespmem:v7+s9+$0x0] =	vst.idx.add.f32.msk $0xffff, v2  }
0xf3: {  	[tilespmem:v8+s9+$0x0] =	vst.idx.add.f32.msk $0xffff, v2  }
0xf4: {  	[tilespmem:v9+s9+$0x0] =	vst.idx.add.f32.msk $0xffff, v2  }
0xf5: {  	[tilespmem:v3+s9+$0x0] =	vst.idx.add.f32.msk $0xffff, v2  }
0xf6: {  	[tilespmem:v57+s9+$0x0] =	vst.idx.add.f32.msk $0xffff, v2  }
0xf7: {  	v3 =	vld [tilespmem:s16+$0xFFFFFF00]  }
0xf8: {  	v4 =	vld [tilespmem:s16+$0xFFFFFF80]  }
0xf9: {  	v6 =	vld [tilespmem:s16+$0x0]  }
0xfa: {  	v7 =	vld [tilespmem:s16+$0x80]  }
0xfb: {  	v8 =	vld [tilespmem:s16+$0x100]  }
0xfc: {  	v9 =	vld [tilespmem:s16+$0x180];
	v3 =	vadd.s32 v5, v3  }
0xfd: {  	v58 =	vld [tilespmem:s16+$0x200];
	v4 =	vadd.s32 v5, v4  }
0xfe: {  	v59 =	vld [tilespmem:s16+$0x280];
	v6 =	vadd.s32 v5, v6  }
0xff: {  	v7 =	vadd.s32 v5, v7  }
0x100: {  	v8 =	vadd.s32 v5, v8  }
0x101: {  	v9 =	vadd.s32 v5, v9;
	[tilespmem:v3+s9+$0x0] =	vst.idx.add.f32.msk $0xffff, v2  }
0x102: {  	v3 =	vadd.s32 v5, v58;
	[tilespmem:v4+s9+$0x0] =	vst.idx.add.f32.msk $0xffff, v2  }
0x103: {  	v60 =	vadd.s32 v5, v59;
	[tilespmem:v6+s9+$0x0] =	vst.idx.add.f32.msk $0xffff, v2  }
0x104: {  	[tilespmem:v7+s9+$0x0] =	vst.idx.add.f32.msk $0xffff, v2  }
0x105: {  	[tilespmem:v8+s9+$0x0] =	vst.idx.add.f32.msk $0xffff, v2  }
0x106: {  	[tilespmem:v9+s9+$0x0] =	vst.idx.add.f32.msk $0xffff, v2  }
0x107: {  	[tilespmem:v3+s9+$0x0] =	vst.idx.add.f32.msk $0xffff, v2  }
0x108: {  	[tilespmem:v60+s9+$0x0] =	vst.idx.add.f32.msk $0xffff, v2  }
0x109: {  	v3 =	vld [tilespmem:s16+$0x300]  }
0x10a: {  	v4 =	vld [tilespmem:s16+$0x380]  }
0x10b: {  	v6 =	vld [tilespmem:s16+$0x400]  }
0x10c: {  	v7 =	vld [tilespmem:s16+$0x480]  }
0x10d: {  	v8 =	vld [tilespmem:s2+$0xFFFFFE80]  }
0x10e: {  	v9 =	vld [tilespmem:s2+$0xFFFFFF00];
	v3 =	vadd.s32 v5, v3  }
0x10f: {  	v61 =	vld [tilespmem:s2+$0xFFFFFF80];
	v4 =	vadd.s32 v5, v4  }
0x110: {  	v62 =	vld [tilespmem:s2+$0x0];
	v6 =	vadd.s32 v5, v6  }
0x111: {  	v12 =	vor.u32 $0x34, v5;
	v7 =	vadd.s32 v5, v7  }
0x112: {  	v8 =	vadd.s32 v12, v8  }
0x113: {  	v9 =	vadd.s32 v12, v9;
	[tilespmem:v3+s9+$0x0] =	vst.idx.add.f32.msk $0xffff, v2  }
0x114: {  	v3 =	vadd.s32 v12, v61;
	[tilespmem:v4+s9+$0x0] =	vst.idx.add.f32.msk $0xffff, v2  }
0x115: {  	v63 =	vadd.s32 v12, v62;
	[tilespmem:v6+s9+$0x0] =	vst.idx.add.f32.msk $0xffff, v2  }
0x116: {  	[tilespmem:v7+s9+$0x0] =	vst.idx.add.f32.msk $0xffff, v2  }
0x117: {  	[tilespmem:v8+s9+$0x0] =	vst.idx.add.f32.msk $0xffff, v2  }
0x118: {  	[tilespmem:v9+s9+$0x0] =	vst.idx.add.f32.msk $0xffff, v2  }
0x119: {  	[tilespmem:v3+s9+$0x0] =	vst.idx.add.f32.msk $0xffff, v2  }
0x11a: {  	[tilespmem:v63+s9+$0x0] =	vst.idx.add.f32.msk $0xffff, v2  }
0x11b: {  	v3 =	vld [tilespmem:s2+$0x80]  }
0x11c: {  	v4 =	vld [tilespmem:s2+$0x100]  }
0x11d: {  	v6 =	vld [tilespmem:s2+$0x180];
	_ =	sdelay $0x2  }
0x11e: {  	v3 =	vadd.s32 v12, v3  }
0x11f: {  	v4 =	vadd.s32 v12, v4  }
0x120: {  	v6 =	vadd.s32 v12, v6;
	_ =	sdelay $0x2  }
0x121: {  	[tilespmem:v3+s9+$0x0] =	vst.idx.add.f32.msk $0xffff, v2  }
0x122: {  	[tilespmem:v4+s9+$0x0] =	vst.idx.add.f32.msk $0xffff, v2  }
0x123: {  	[tilespmem:v6+s9+$0x0] =	vst.idx.add.f32.msk $0xffff, v2  }
0x124: {  	v3 =	vld [tilespmem:s15+$0x0]  }
0x125: {  	v4 =	vld [tilespmem:s14+$0x0];
	_ =	sdelay $0x3  }
0x126: {  	v3 =	vadd.s32 v5, v3  }
0x127: {  	v4 =	vadd.s32 v5, v4;
	v3 =	vadd.s32 $0x3C, v3  }
0x128: {  	v4 =	vadd.s32 $0x3E, v4  }
0x129: {  	p0 =	sne.s32 s12, $0x70;
	v6 =	vld [tilespmem:s13+$0x0];
	v5 =	vor.u32 $0x40, v5  }
.Ltmp3:
0x12a: {  	_ = 	snop;
	(pc) =	sbr.rel @p0 .LBB2_8-.Ltmp3, $4  }
0x12b: {  	_ = 	snop  }
0x12c: {  	[tilespmem:v3+s9+$0x0] =	vst.idx.add.f32.msk $0xffff, v2  }
0x12d: {  	s12 =	sadd.s32 $0x10, s12;
	s16 =	sadd.s32 $0x10, s16;
	s2 =	sadd.s32 $0x10, s2;
	[tilespmem:v4+s9+$0x0] =	vst.idx.add.f32.msk $0xffff, v2  }
0x12e: {  	s13 =	sadd.s32 $0x10, s13;
	s14 =	sadd.s32 $0x10, s14;
	s15 =	sadd.s32 $0x10, s15;
	[tilespmem:v5+s9+$0x0] =	vst.idx.msk $0xffff, v6  }
0x12f: {  	s2 =	rddreg [dreg:$0x14]  }
0x130: {  	[hbm4b:s2+s1] =	stream.linear.scatter [tilespmem:s9], [sflag:$0x2], $0x4000, $0x38;
	[tilespmem:$0x9180] =	vst v63  }
0x131: {  	_ =	swait.ge [sflag:s10], $0x4000  }
0x132: {  	[sflag:s10] =	ssyncset.done $0x0  }
0x133: {  	[sflag:s10] =	ssyncadd.s32 $0xFFFFC000  }
0x134: {  	[tilespmem:s1], [sflag:$0x1] =	stream.strided.gather [hbm4b:s20+s30], $0x800, s31, s30, $0x38;
	[tilespmem:$0x9180] =	vst v63  }
0x135: {  	s13 =	sadd.s32 $0x8000, s20  }
0x136: {  	[tilespmem:s22], [sflag:$0x1] =	stream.linear.gather [hbm4b:s13+s1], $0x200, $0x38;
	[tilespmem:$0x9180] =	vst v63  }
0x137: {  	_ = 	snop  }
0x138: {  	[tilespmem:s0], [sflag:$0x1] =	stream.strided.gather [hbm4b:s21+s30], $0x0, s31, s30, $0x38;
	[tilespmem:$0x9180] =	vst v63  }
0x139: {  	_ = 	snop  }
0x13a: {  	[tilespmem:s0], [sflag:$0x1] =	stream.linear.gather [hbm4b:s21+s1], $0x380, $0x38;
	[tilespmem:$0x9180] =	vst v63  }
0x13b: {  	s14 =	rddreg [dreg:$0xe]  }
0x13c: {  	[tilespmem:s4], [sflag:$0x1] =	stream.linear.gather [hbm4b:s14+s1], $0x80, $0x38;
	[tilespmem:$0x9180] =	vst v63  }
0x13d: {  	s15 =	rddreg [dreg:$0xf]  }
0x13e: {  	[tilespmem:s5], [sflag:$0x1] =	stream.linear.gather [hbm4b:s15+s1], $0x80, $0x38;
	[tilespmem:$0x9180] =	vst v63  }
0x13f: {  	s2 =	simm.s32 $0x1280;
	s16 =	rddreg [dreg:$0x10]  }
0x140: {  	[tilespmem:s6], [sflag:$0x1] =	stream.linear.gather [hbm4b:s16+s1], $0x80, $0x38;
	[tilespmem:$0x9180] =	vst v63  }
0x141: {  	[tilespmem:s2+$0xFFFFFF00] =	vst v0  }
0x142: {  	[tilespmem:s2+$0xB0] =	vst v0  }
0x143: {  	[tilespmem:s2+$0xA0] =	vst v0  }
0x144: {  	[tilespmem:s2+$0x90] =	vst v0  }
0x145: {  	[tilespmem:s2+$0x80] =	vst v0  }
0x146: {  	[tilespmem:s2+$0x30] =	vst v0  }
0x147: {  	[tilespmem:s2+$0x20] =	vst v0  }
0x148: {  	[tilespmem:s2+$0x10] =	vst v0  }
0x149: {  	[tilespmem:s2+$0x0] =	vst v0  }
0x14a: {  	[tilespmem:s2+$0xFFFFFFB0] =	vst v0  }
0x14b: {  	[tilespmem:s2+$0xFFFFFFA0] =	vst v0  }
0x14c: {  	[tilespmem:s2+$0xFFFFFF90] =	vst v0  }
0x14d: {  	[tilespmem:s2+$0xFFFFFF80] =	vst v0  }
0x14e: {  	[tilespmem:s2+$0xFFFFFF30] =	vst v0  }
0x14f: {  	s12 =	simm.s32 $0x0;
	[tilespmem:s2+$0xFFFFFF20] =	vst v0  }
.LBB2_10:
0x150: {  	s12 =	sadd.s32 $0x4, s12;
	[tilespmem:s2+$0xFFFFFF10] =	vst v0;
	s2 =	sadd.s32 $0x200, s2  }
0x151: {  	[tilespmem:s2+$0xFFFFFF00] =	vst v0;
	p0 =	slt.u32 s12, $0x7C  }
0x152: {  	[tilespmem:s2+$0xB0] =	vst v0  }
0x153: {  	[tilespmem:s2+$0xA0] =	vst v0  }
0x154: {  	[tilespmem:s2+$0x90] =	vst v0  }
0x155: {  	[tilespmem:s2+$0x80] =	vst v0  }
0x156: {  	[tilespmem:s2+$0x30] =	vst v0  }
0x157: {  	[tilespmem:s2+$0x20] =	vst v0  }
0x158: {  	[tilespmem:s2+$0x10] =	vst v0  }
0x159: {  	[tilespmem:s2+$0x0] =	vst v0  }
0x15a: {  	[tilespmem:s2+$0xFFFFFFB0] =	vst v0  }
.Ltmp4:
0x15b: {  	[tilespmem:s2+$0xFFFFFFA0] =	vst v0;
	(pc) =	sbr.rel @p0 .LBB2_10-.Ltmp4, $4  }
0x15c: {  	[tilespmem:s2+$0xFFFFFF90] =	vst v0  }
0x15d: {  	[tilespmem:s2+$0xFFFFFF80] =	vst v0  }
0x15e: {  	[tilespmem:s2+$0xFFFFFF30] =	vst v0  }
0x15f: {  	[tilespmem:s2+$0xFFFFFF20] =	vst v0  }
0x160: {  	[tilespmem:s2+$0xFFFFFF10] =	vst v0  }
0x161: {  	_ =	swait.ge [sflag:s7], $0xA00  }
0x162: {  	[sflag:s7] =	ssyncset.done $0x0  }
0x163: {  	[sflag:s7] =	ssyncadd.s32 $0xFFFFF600  }
0x164: {  	_ =	swait.ge [sflag:s7], $0x380  }
0x165: {  	[sflag:s7] =	ssyncset.done $0x0  }
0x166: {  	[sflag:s7] =	ssyncadd.s32 $0xFFFFFC80  }
0x167: {  	_ =	swait.ge [sflag:s7], $0x80  }
0x168: {  	[sflag:s7] =	ssyncset.done $0x0  }
0x169: {  	[sflag:s7] =	ssyncadd.s32 $0xFFFFFF80  }
0x16a: {  	_ =	swait.ge [sflag:s7], $0x80  }
0x16b: {  	[sflag:s7] =	ssyncset.done $0x0  }
0x16c: {  	[sflag:s7] =	ssyncadd.s32 $0xFFFFFF80  }
0x16d: {  	s12 =	simm.s32 $0x0;
	s13 =	simm.s32 $0x1100;
	_ =	swait.ge [sflag:s7], $0x80  }
0x16e: {  	s14 =	simm.s32 $0x1080;
	s15 =	simm.s32 $0x1000;
	[sflag:s7] =	ssyncset.done $0x0  }
0x16f: {  	s16 =	simm.s32 $0x500;
	s2 =	simm.s32 $0xD80;
	[sflag:s7] =	ssyncadd.s32 $0xFFFFFF80  }
.LBB2_12:
0x170: {  	v3 =	vld [tilespmem:s16+$0xFFFFFB00]  }
0x171: {  	v4 =	vld [tilespmem:s16+$0xFFFFFB80]  }
0x172: {  	v5 =	vmov s12;
	v6 =	vld [tilespmem:s16+$0xFFFFFC00]  }
0x173: {  	v7 =	vld [tilespmem:s16+$0xFFFFFC80];
	v5 =	vshll.u32 v5, $0x7  }
0x174: {  	v8 =	vld [tilespmem:s16+$0xFFFFFD00];
	v5 =	vor.u32 v1, v5  }
0x175: {  	v9 =	vld [tilespmem:s16+$0xFFFFFD80];
	v3 =	vadd.s32 v5, v3  }
0x176: {  	v10 =	vld [tilespmem:s16+$0xFFFFFE00];
	v4 =	vadd.s32 v5, v4  }
0x177: {  	v11 =	vld [tilespmem:s16+$0xFFFFFE80];
	v6 =	vadd.s32 v5, v6  }
0x178: {  	v7 =	vadd.s32 v5, v7  }
0x179: {  	v8 =	vadd.s32 v5, v8  }
0x17a: {  	v9 =	vadd.s32 v5, v9;
	[tilespmem:v3+s8+$0x0] =	vst.idx.add.f32.msk $0xffff, v2  }
0x17b: {  	v3 =	vadd.s32 v5, v10;
	[tilespmem:v4+s8+$0x0] =	vst.idx.add.f32.msk $0xffff, v2  }
0x17c: {  	v57 =	vadd.s32 v5, v11;
	[tilespmem:v6+s8+$0x0] =	vst.idx.add.f32.msk $0xffff, v2  }
0x17d: {  	[tilespmem:v7+s8+$0x0] =	vst.idx.add.f32.msk $0xffff, v2  }
0x17e: {  	[tilespmem:v8+s8+$0x0] =	vst.idx.add.f32.msk $0xffff, v2  }
0x17f: {  	[tilespmem:v9+s8+$0x0] =	vst.idx.add.f32.msk $0xffff, v2  }
0x180: {  	[tilespmem:v3+s8+$0x0] =	vst.idx.add.f32.msk $0xffff, v2  }
0x181: {  	[tilespmem:v57+s8+$0x0] =	vst.idx.add.f32.msk $0xffff, v2  }
0x182: {  	v3 =	vld [tilespmem:s16+$0xFFFFFF00]  }
0x183: {  	v4 =	vld [tilespmem:s16+$0xFFFFFF80]  }
0x184: {  	v6 =	vld [tilespmem:s16+$0x0]  }
0x185: {  	v7 =	vld [tilespmem:s16+$0x80]  }
0x186: {  	v8 =	vld [tilespmem:s16+$0x100]  }
0x187: {  	v9 =	vld [tilespmem:s16+$0x180];
	v3 =	vadd.s32 v5, v3  }
0x188: {  	v58 =	vld [tilespmem:s16+$0x200];
	v4 =	vadd.s32 v5, v4  }
0x189: {  	v59 =	vld [tilespmem:s16+$0x280];
	v6 =	vadd.s32 v5, v6  }
0x18a: {  	v7 =	vadd.s32 v5, v7  }
0x18b: {  	v8 =	vadd.s32 v5, v8  }
0x18c: {  	v9 =	vadd.s32 v5, v9;
	[tilespmem:v3+s8+$0x0] =	vst.idx.add.f32.msk $0xffff, v2  }
0x18d: {  	v3 =	vadd.s32 v5, v58;
	[tilespmem:v4+s8+$0x0] =	vst.idx.add.f32.msk $0xffff, v2  }
0x18e: {  	v60 =	vadd.s32 v5, v59;
	[tilespmem:v6+s8+$0x0] =	vst.idx.add.f32.msk $0xffff, v2  }
0x18f: {  	[tilespmem:v7+s8+$0x0] =	vst.idx.add.f32.msk $0xffff, v2  }
0x190: {  	[tilespmem:v8+s8+$0x0] =	vst.idx.add.f32.msk $0xffff, v2  }
0x191: {  	[tilespmem:v9+s8+$0x0] =	vst.idx.add.f32.msk $0xffff, v2  }
0x192: {  	[tilespmem:v3+s8+$0x0] =	vst.idx.add.f32.msk $0xffff, v2  }
0x193: {  	[tilespmem:v60+s8+$0x0] =	vst.idx.add.f32.msk $0xffff, v2  }
0x194: {  	v3 =	vld [tilespmem:s16+$0x300]  }
0x195: {  	v4 =	vld [tilespmem:s16+$0x380]  }
0x196: {  	v6 =	vld [tilespmem:s16+$0x400]  }
0x197: {  	v7 =	vld [tilespmem:s16+$0x480]  }
0x198: {  	v8 =	vld [tilespmem:s2+$0xFFFFFE80]  }
0x199: {  	v9 =	vld [tilespmem:s2+$0xFFFFFF00];
	v3 =	vadd.s32 v5, v3  }
0x19a: {  	v61 =	vld [tilespmem:s2+$0xFFFFFF80];
	v4 =	vadd.s32 v5, v4  }
0x19b: {  	v62 =	vld [tilespmem:s2+$0x0];
	v6 =	vadd.s32 v5, v6  }
0x19c: {  	v12 =	vor.u32 $0x34, v5;
	v7 =	vadd.s32 v5, v7  }
0x19d: {  	v8 =	vadd.s32 v12, v8  }
0x19e: {  	v9 =	vadd.s32 v12, v9;
	[tilespmem:v3+s8+$0x0] =	vst.idx.add.f32.msk $0xffff, v2  }
0x19f: {  	v3 =	vadd.s32 v12, v61;
	[tilespmem:v4+s8+$0x0] =	vst.idx.add.f32.msk $0xffff, v2  }
0x1a0: {  	v63 =	vadd.s32 v12, v62;
	[tilespmem:v6+s8+$0x0] =	vst.idx.add.f32.msk $0xffff, v2  }
0x1a1: {  	[tilespmem:v7+s8+$0x0] =	vst.idx.add.f32.msk $0xffff, v2  }
0x1a2: {  	[tilespmem:v8+s8+$0x0] =	vst.idx.add.f32.msk $0xffff, v2  }
0x1a3: {  	[tilespmem:v9+s8+$0x0] =	vst.idx.add.f32.msk $0xffff, v2  }
0x1a4: {  	[tilespmem:v3+s8+$0x0] =	vst.idx.add.f32.msk $0xffff, v2  }
0x1a5: {  	[tilespmem:v63+s8+$0x0] =	vst.idx.add.f32.msk $0xffff, v2  }
0x1a6: {  	v3 =	vld [tilespmem:s2+$0x80]  }
0x1a7: {  	v4 =	vld [tilespmem:s2+$0x100]  }
0x1a8: {  	v6 =	vld [tilespmem:s2+$0x180];
	_ =	sdelay $0x2  }
0x1a9: {  	v3 =	vadd.s32 v12, v3  }
0x1aa: {  	v4 =	vadd.s32 v12, v4  }
0x1ab: {  	v6 =	vadd.s32 v12, v6;
	_ =	sdelay $0x2  }
0x1ac: {  	[tilespmem:v3+s8+$0x0] =	vst.idx.add.f32.msk $0xffff, v2  }
0x1ad: {  	[tilespmem:v4+s8+$0x0] =	vst.idx.add.f32.msk $0xffff, v2  }
0x1ae: {  	[tilespmem:v6+s8+$0x0] =	vst.idx.add.f32.msk $0xffff, v2  }
0x1af: {  	v3 =	vld [tilespmem:s15+$0x0]  }
0x1b0: {  	v4 =	vld [tilespmem:s14+$0x0];
	_ =	sdelay $0x3  }
0x1b1: {  	v3 =	vadd.s32 v5, v3  }
0x1b2: {  	v4 =	vadd.s32 v5, v4;
	v3 =	vadd.s32 $0x3C, v3  }
0x1b3: {  	v4 =	vadd.s32 $0x3E, v4  }
0x1b4: {  	p0 =	sne.s32 s12, $0x70;
	v6 =	vld [tilespmem:s13+$0x0];
	v5 =	vor.u32 $0x40, v5  }
.Ltmp5:
0x1b5: {  	_ = 	snop;
	(pc) =	sbr.rel @p0 .LBB2_12-.Ltmp5, $4  }
0x1b6: {  	_ = 	snop  }
0x1b7: {  	[tilespmem:v3+s8+$0x0] =	vst.idx.add.f32.msk $0xffff, v2  }
0x1b8: {  	s12 =	sadd.s32 $0x10, s12;
	s16 =	sadd.s32 $0x10, s16;
	s2 =	sadd.s32 $0x10, s2;
	[tilespmem:v4+s8+$0x0] =	vst.idx.add.f32.msk $0xffff, v2  }
0x1b9: {  	s13 =	sadd.s32 $0x10, s13;
	s14 =	sadd.s32 $0x10, s14;
	s15 =	sadd.s32 $0x10, s15;
	[tilespmem:v5+s8+$0x0] =	vst.idx.msk $0xffff, v6  }
0x1ba: {  	[hbm4b:s25+s1] =	stream.linear.scatter [tilespmem:s8], [sflag:$0x2], $0x4000, $0x38;
	[tilespmem:$0x9180] =	vst v63  }
0x1bb: {  	_ =	swait.ge [sflag:s10], $0x4000  }
0x1bc: {  	[sflag:s10] =	ssyncset.done $0x0  }
0x1bd: {  	[sflag:s10] =	ssyncadd.s32 $0xFFFFC000  }
0x1be: {  	[tilespmem:s1], [sflag:$0x1] =	stream.strided.gather [hbm4b:s23+s30], $0x800, s31, s30, $0x38;
	[tilespmem:$0x9180] =	vst v63  }
0x1bf: {  	s2 =	sadd.s32 $0x8000, s23  }
0x1c0: {  	[tilespmem:s22], [sflag:$0x1] =	stream.linear.gather [hbm4b:s2+s1], $0x200, $0x38;
	[tilespmem:$0x9180] =	vst v63  }
0x1c1: {  	_ = 	snop  }
0x1c2: {  	[tilespmem:s0], [sflag:$0x1] =	stream.strided.gather [hbm4b:s24+s30], $0x0, s31, s30, $0x38;
	[tilespmem:$0x9180] =	vst v63  }
0x1c3: {  	_ = 	snop  }
0x1c4: {  	[tilespmem:s0], [sflag:$0x1] =	stream.linear.gather [hbm4b:s24+s1], $0x380, $0x38;
	[tilespmem:$0x9180] =	vst v63  }
0x1c5: {  	s14 =	rddreg [dreg:$0x11]  }
0x1c6: {  	[tilespmem:s4], [sflag:$0x1] =	stream.linear.gather [hbm4b:s14+s1], $0x80, $0x38;
	[tilespmem:$0x9180] =	vst v63  }
0x1c7: {  	s15 =	rddreg [dreg:$0x12]  }
0x1c8: {  	[tilespmem:s5], [sflag:$0x1] =	stream.linear.gather [hbm4b:s15+s1], $0x80, $0x38;
	[tilespmem:$0x9180] =	vst v63  }
0x1c9: {  	s16 =	rddreg [dreg:$0x13];
	s2 =	simm.s32 $0x5280  }
0x1ca: {  	[tilespmem:s6], [sflag:$0x1] =	stream.linear.gather [hbm4b:s16+s1], $0x80, $0x38;
	[tilespmem:$0x9180] =	vst v63  }
0x1cb: {  	[tilespmem:s2+$0xFFFFFF00] =	vst v0  }
0x1cc: {  	[tilespmem:s2+$0xB0] =	vst v0  }
0x1cd: {  	[tilespmem:s2+$0xA0] =	vst v0  }
0x1ce: {  	[tilespmem:s2+$0x90] =	vst v0  }
0x1cf: {  	[tilespmem:s2+$0x80] =	vst v0  }
0x1d0: {  	[tilespmem:s2+$0x30] =	vst v0  }
0x1d1: {  	[tilespmem:s2+$0x20] =	vst v0  }
0x1d2: {  	[tilespmem:s2+$0x10] =	vst v0  }
0x1d3: {  	[tilespmem:s2+$0x0] =	vst v0  }
0x1d4: {  	[tilespmem:s2+$0xFFFFFFB0] =	vst v0  }
0x1d5: {  	[tilespmem:s2+$0xFFFFFFA0] =	vst v0  }
0x1d6: {  	[tilespmem:s2+$0xFFFFFF90] =	vst v0  }
0x1d7: {  	[tilespmem:s2+$0xFFFFFF80] =	vst v0  }
0x1d8: {  	[tilespmem:s2+$0xFFFFFF30] =	vst v0  }
0x1d9: {  	s12 =	simm.s32 $0x0;
	[tilespmem:s2+$0xFFFFFF20] =	vst v0  }
.LBB2_14:
0x1da: {  	s12 =	sadd.s32 $0x4, s12;
	[tilespmem:s2+$0xFFFFFF10] =	vst v0;
	s2 =	sadd.s32 $0x200, s2  }
0x1db: {  	[tilespmem:s2+$0xFFFFFF00] =	vst v0;
	p0 =	slt.u32 s12, $0x7C  }
0x1dc: {  	[tilespmem:s2+$0xB0] =	vst v0  }
0x1dd: {  	[tilespmem:s2+$0xA0] =	vst v0  }
0x1de: {  	[tilespmem:s2+$0x90] =	vst v0  }
0x1df: {  	[tilespmem:s2+$0x80] =	vst v0  }
0x1e0: {  	[tilespmem:s2+$0x30] =	vst v0  }
0x1e1: {  	[tilespmem:s2+$0x20] =	vst v0  }
0x1e2: {  	[tilespmem:s2+$0x10] =	vst v0  }
0x1e3: {  	[tilespmem:s2+$0x0] =	vst v0  }
0x1e4: {  	[tilespmem:s2+$0xFFFFFFB0] =	vst v0  }
.Ltmp6:
0x1e5: {  	[tilespmem:s2+$0xFFFFFFA0] =	vst v0;
	(pc) =	sbr.rel @p0 .LBB2_14-.Ltmp6, $4  }
0x1e6: {  	[tilespmem:s2+$0xFFFFFF90] =	vst v0  }
0x1e7: {  	[tilespmem:s2+$0xFFFFFF80] =	vst v0  }
0x1e8: {  	[tilespmem:s2+$0xFFFFFF30] =	vst v0  }
0x1e9: {  	[tilespmem:s2+$0xFFFFFF20] =	vst v0  }
0x1ea: {  	[tilespmem:s2+$0xFFFFFF10] =	vst v0  }
0x1eb: {  	_ =	swait.ge [sflag:s7], $0xA00  }
0x1ec: {  	[sflag:s7] =	ssyncset.done $0x0  }
0x1ed: {  	[sflag:s7] =	ssyncadd.s32 $0xFFFFF600  }
0x1ee: {  	_ =	swait.ge [sflag:s7], $0x380  }
0x1ef: {  	[sflag:s7] =	ssyncset.done $0x0  }
0x1f0: {  	[sflag:s7] =	ssyncadd.s32 $0xFFFFFC80  }
0x1f1: {  	_ =	swait.ge [sflag:s7], $0x80  }
0x1f2: {  	[sflag:s7] =	ssyncset.done $0x0  }
0x1f3: {  	[sflag:s7] =	ssyncadd.s32 $0xFFFFFF80  }
0x1f4: {  	_ =	swait.ge [sflag:s7], $0x80  }
0x1f5: {  	[sflag:s7] =	ssyncset.done $0x0  }
0x1f6: {  	[sflag:s7] =	ssyncadd.s32 $0xFFFFFF80  }
0x1f7: {  	s12 =	simm.s32 $0x0;
	s13 =	simm.s32 $0x1100;
	_ =	swait.ge [sflag:s7], $0x80  }
0x1f8: {  	s14 =	simm.s32 $0x1080;
	s15 =	simm.s32 $0x1000;
	[sflag:s7] =	ssyncset.done $0x0  }
0x1f9: {  	s16 =	simm.s32 $0x500;
	s2 =	simm.s32 $0xD80;
	[sflag:s7] =	ssyncadd.s32 $0xFFFFFF80  }
.LBB2_16:
0x1fa: {  	v3 =	vld [tilespmem:s16+$0xFFFFFB00]  }
0x1fb: {  	v4 =	vld [tilespmem:s16+$0xFFFFFB80]  }
0x1fc: {  	v5 =	vmov s12;
	v6 =	vld [tilespmem:s16+$0xFFFFFC00]  }
0x1fd: {  	v7 =	vld [tilespmem:s16+$0xFFFFFC80];
	v5 =	vshll.u32 v5, $0x7  }
0x1fe: {  	v8 =	vld [tilespmem:s16+$0xFFFFFD00];
	v5 =	vor.u32 v1, v5  }
0x1ff: {  	v9 =	vld [tilespmem:s16+$0xFFFFFD80];
	v3 =	vadd.s32 v5, v3  }
0x200: {  	v10 =	vld [tilespmem:s16+$0xFFFFFE00];
	v4 =	vadd.s32 v5, v4  }
0x201: {  	v11 =	vld [tilespmem:s16+$0xFFFFFE80];
	v6 =	vadd.s32 v5, v6  }
0x202: {  	v7 =	vadd.s32 v5, v7  }
0x203: {  	v8 =	vadd.s32 v5, v8  }
0x204: {  	v9 =	vadd.s32 v5, v9;
	[tilespmem:v3+s9+$0x0] =	vst.idx.add.f32.msk $0xffff, v2  }
0x205: {  	v3 =	vadd.s32 v5, v10;
	[tilespmem:v4+s9+$0x0] =	vst.idx.add.f32.msk $0xffff, v2  }
0x206: {  	v57 =	vadd.s32 v5, v11;
	[tilespmem:v6+s9+$0x0] =	vst.idx.add.f32.msk $0xffff, v2  }
0x207: {  	[tilespmem:v7+s9+$0x0] =	vst.idx.add.f32.msk $0xffff, v2  }
0x208: {  	[tilespmem:v8+s9+$0x0] =	vst.idx.add.f32.msk $0xffff, v2  }
0x209: {  	[tilespmem:v9+s9+$0x0] =	vst.idx.add.f32.msk $0xffff, v2  }
0x20a: {  	[tilespmem:v3+s9+$0x0] =	vst.idx.add.f32.msk $0xffff, v2  }
0x20b: {  	[tilespmem:v57+s9+$0x0] =	vst.idx.add.f32.msk $0xffff, v2  }
0x20c: {  	v3 =	vld [tilespmem:s16+$0xFFFFFF00]  }
0x20d: {  	v4 =	vld [tilespmem:s16+$0xFFFFFF80]  }
0x20e: {  	v6 =	vld [tilespmem:s16+$0x0]  }
0x20f: {  	v7 =	vld [tilespmem:s16+$0x80]  }
0x210: {  	v8 =	vld [tilespmem:s16+$0x100]  }
0x211: {  	v9 =	vld [tilespmem:s16+$0x180];
	v3 =	vadd.s32 v5, v3  }
0x212: {  	v58 =	vld [tilespmem:s16+$0x200];
	v4 =	vadd.s32 v5, v4  }
0x213: {  	v59 =	vld [tilespmem:s16+$0x280];
	v6 =	vadd.s32 v5, v6  }
0x214: {  	v7 =	vadd.s32 v5, v7  }
0x215: {  	v8 =	vadd.s32 v5, v8  }
0x216: {  	v9 =	vadd.s32 v5, v9;
	[tilespmem:v3+s9+$0x0] =	vst.idx.add.f32.msk $0xffff, v2  }
0x217: {  	v3 =	vadd.s32 v5, v58;
	[tilespmem:v4+s9+$0x0] =	vst.idx.add.f32.msk $0xffff, v2  }
0x218: {  	v60 =	vadd.s32 v5, v59;
	[tilespmem:v6+s9+$0x0] =	vst.idx.add.f32.msk $0xffff, v2  }
0x219: {  	[tilespmem:v7+s9+$0x0] =	vst.idx.add.f32.msk $0xffff, v2  }
0x21a: {  	[tilespmem:v8+s9+$0x0] =	vst.idx.add.f32.msk $0xffff, v2  }
0x21b: {  	[tilespmem:v9+s9+$0x0] =	vst.idx.add.f32.msk $0xffff, v2  }
0x21c: {  	[tilespmem:v3+s9+$0x0] =	vst.idx.add.f32.msk $0xffff, v2  }
0x21d: {  	[tilespmem:v60+s9+$0x0] =	vst.idx.add.f32.msk $0xffff, v2  }
0x21e: {  	v3 =	vld [tilespmem:s16+$0x300]  }
0x21f: {  	v4 =	vld [tilespmem:s16+$0x380]  }
0x220: {  	v6 =	vld [tilespmem:s16+$0x400]  }
0x221: {  	v7 =	vld [tilespmem:s16+$0x480]  }
0x222: {  	v8 =	vld [tilespmem:s2+$0xFFFFFE80]  }
0x223: {  	v9 =	vld [tilespmem:s2+$0xFFFFFF00];
	v3 =	vadd.s32 v5, v3  }
0x224: {  	v61 =	vld [tilespmem:s2+$0xFFFFFF80];
	v4 =	vadd.s32 v5, v4  }
0x225: {  	v62 =	vld [tilespmem:s2+$0x0];
	v6 =	vadd.s32 v5, v6  }
0x226: {  	v12 =	vor.u32 $0x34, v5;
	v7 =	vadd.s32 v5, v7  }
0x227: {  	v8 =	vadd.s32 v12, v8  }
0x228: {  	v9 =	vadd.s32 v12, v9;
	[tilespmem:v3+s9+$0x0] =	vst.idx.add.f32.msk $0xffff, v2  }
0x229: {  	v3 =	vadd.s32 v12, v61;
	[tilespmem:v4+s9+$0x0] =	vst.idx.add.f32.msk $0xffff, v2  }
0x22a: {  	v63 =	vadd.s32 v12, v62;
	[tilespmem:v6+s9+$0x0] =	vst.idx.add.f32.msk $0xffff, v2  }
0x22b: {  	[tilespmem:v7+s9+$0x0] =	vst.idx.add.f32.msk $0xffff, v2  }
0x22c: {  	[tilespmem:v8+s9+$0x0] =	vst.idx.add.f32.msk $0xffff, v2  }
0x22d: {  	[tilespmem:v9+s9+$0x0] =	vst.idx.add.f32.msk $0xffff, v2  }
0x22e: {  	[tilespmem:v3+s9+$0x0] =	vst.idx.add.f32.msk $0xffff, v2  }
0x22f: {  	[tilespmem:v63+s9+$0x0] =	vst.idx.add.f32.msk $0xffff, v2  }
0x230: {  	v3 =	vld [tilespmem:s2+$0x80]  }
0x231: {  	v4 =	vld [tilespmem:s2+$0x100]  }
0x232: {  	v6 =	vld [tilespmem:s2+$0x180];
	_ =	sdelay $0x2  }
0x233: {  	v3 =	vadd.s32 v12, v3  }
0x234: {  	v4 =	vadd.s32 v12, v4  }
0x235: {  	v6 =	vadd.s32 v12, v6;
	_ =	sdelay $0x2  }
0x236: {  	[tilespmem:v3+s9+$0x0] =	vst.idx.add.f32.msk $0xffff, v2  }
0x237: {  	[tilespmem:v4+s9+$0x0] =	vst.idx.add.f32.msk $0xffff, v2  }
0x238: {  	[tilespmem:v6+s9+$0x0] =	vst.idx.add.f32.msk $0xffff, v2  }
0x239: {  	v3 =	vld [tilespmem:s15+$0x0]  }
0x23a: {  	v4 =	vld [tilespmem:s14+$0x0];
	_ =	sdelay $0x3  }
0x23b: {  	v3 =	vadd.s32 v5, v3  }
0x23c: {  	v4 =	vadd.s32 v5, v4;
	v3 =	vadd.s32 $0x3C, v3  }
0x23d: {  	v4 =	vadd.s32 $0x3E, v4  }
0x23e: {  	p0 =	sne.s32 s12, $0x70;
	v6 =	vld [tilespmem:s13+$0x0];
	v5 =	vor.u32 $0x40, v5  }
.Ltmp7:
0x23f: {  	_ = 	snop;
	(pc) =	sbr.rel @p0 .LBB2_16-.Ltmp7, $4  }
0x240: {  	_ = 	snop  }
0x241: {  	[tilespmem:v3+s9+$0x0] =	vst.idx.add.f32.msk $0xffff, v2  }
0x242: {  	s12 =	sadd.s32 $0x10, s12;
	s16 =	sadd.s32 $0x10, s16;
	s2 =	sadd.s32 $0x10, s2;
	[tilespmem:v4+s9+$0x0] =	vst.idx.add.f32.msk $0xffff, v2  }
0x243: {  	s13 =	sadd.s32 $0x10, s13;
	s14 =	sadd.s32 $0x10, s14;
	s15 =	sadd.s32 $0x10, s15;
	[tilespmem:v5+s9+$0x0] =	vst.idx.msk $0xffff, v6  }
0x244: {  	[hbm4b:s26+s1] =	stream.linear.scatter [tilespmem:s9], [sflag:$0x2], $0x4000, $0x38;
	[tilespmem:$0x9180] =	vst v63  }
0x245: {  	s11 =	sadd.s32 $0x1, s11  }
0x246: {  	_ =	swait.ge [sflag:s10], $0x4000;
	p0 =	sne.s32 s11, s28  }
.Ltmp8:
0x247: {  	[sflag:s10] =	ssyncset.done $0x0;
	(pc) =	sbr.rel @p0 .LBB2_1-.Ltmp8, $4  }
0x248: {  	[sflag:s10] =	ssyncadd.s32 $0xFFFFC000  }
0x249: {  	_ =	swait.ge [sflag:s10], $0x4000  }
0x24a: {  	[sflag:s10] =	ssyncset.done $0x0  }
0x24b: {  	[sflag:s10] =	ssyncadd.s32 $0xFFFFC000  }
0x24c: {  	_ =	sfence.sel $0x180000  }
0x24d: {  	[bflag:$0x0] =	sbarrier.arrive $0xFFFF  }
0x24e: {  	_ =	strace $0x90000047  }
0x24f: {  	s0 =	stileid.u32;
	[bflag:$0x2] =	sbarrier.arrive $0xFFFF  }
0x250: {  	p0 =	sne.s32 s0, $0x0;
	s0 =	rddreg [dreg:$0x6]  }
0x251: {  	s0 =	sadd.s32 @!p0 $0x100000, s0  }
0x252: {  	[sflag:s0] =	ssyncadd.tile.s32 @!p0 $0x1;
	_ =	shalt  }
.Lfunc_end2:
_tile_overlayer_lowered:
.L_overlay_start_2:
0x253: {  	(tag) =	ssettag $0x2  }
0x254: {  	s0 =	rddreg [dreg:$0x0];
	s2 =	stileid.u32  }
0x255: {  	s1 =	rddreg [dreg:$0x1];
	p0 =	sne.s32 s2, $0x0  }
0x256: {  	s3 =	rddreg [dreg:$0x2];
	[bflag:$0x3] =	sbarrier.arrive $0xFFFF;
	s2 =	simm.s32 @!p0 $0x1C03  }
0x257: {  	[timem:s3], [sflag:s2] =	dma.local @!p0 [hbm:s0], s1  }
0x258: {  	s0 =	simm.s32 @!p0 $0x3  }
0x259: {  	_ =	swait.ge @!p0 [sflag:s0], s1  }
0x25a: {  	s1 =	ssub.s32 @!p0 $0x0, s1;
	[sflag:s0] =	ssyncset.done @!p0 $0x0  }
0x25b: {  	[sflag:s0] =	ssyncadd.s32 @!p0 s1  }
0x25c: {  	[bflag:$0x3] =	sbarrier.arrive $0xFFFF  }
0x25d: {  	_ =	shalt  }

</sc_bundles>
